<compile_context>
chip_gen: v7x
topology: tpu7x:2x2x1
jax: 0.10.2.dev20260603
libtpu: 0.0.44.dev20260713+nightly
codegen_flags: <defaults>
</compile_context>

<pallas_src>
import functools

import jax
import jax.numpy as jnp
from jax import lax
from jax.experimental import pallas as pl
from jax.experimental.pallas import tpu as pltpu
from jax.experimental.pallas import tpu_sc as plsc

N = 10000
NPAD = 10240
PT = NPAD // 16
E = 320000
CHUNK = 128
NW = 32
CHPW = 80
ECH = E // CHUNK
PCH = 60
EPAD = NW * CHPW * CHUNK
G = 64
IN_CH = 128
HID = 512
OUT_CH = 64


DEPTH = 4


def _make_sc_prop(split):
  C = 64
  CH = (EPAD // CHUNK) // 16 if split else CHPW
  mesh = plsc.VectorSubcoreMesh(core_axis_name="c", subcore_axis_name="s")

  nlast = 16 if split else NW
  rlast = ECH - (nlast - 1) * CH

  @functools.partial(
      pl.kernel,
      out_type=jax.ShapeDtypeStruct((2, NPAD, C), jnp.float32),
      mesh=mesh,
      scratch_types=[
          pltpu.VMEM_SHARED((NPAD, C), jnp.float32),
          pltpu.VMEM((CH, CHUNK), jnp.int32),
          pltpu.VMEM((CH, CHUNK), jnp.int32),
          [pltpu.VMEM((CHUNK, C), jnp.float32) for _ in range(DEPTH)],
          [pltpu.SemaphoreType.DMA for _ in range(DEPTH)],
          [pltpu.SemaphoreType.DMA for _ in range(DEPTH)],
      ],
      compiler_params=pltpu.CompilerParams(use_tc_tiling_on_sc=False),
  )
  def prop(u_hbm, src_hbm, dst_hbm, pad_hbm, zeros_hbm, out, acc_sh,
           sidx_a, didx_a, rows, sg, ss):
    cid = lax.axis_index("c")
    sid = lax.axis_index("s")
    if split:
      u_view = u_hbm.at[cid]
      w = sid
    else:
      u_view = u_hbm
      w = cid * 16 + sid

    @pl.when(w < nlast - 1)
    def _():
      pltpu.sync_copy(src_hbm.at[pl.ds(w * CH, CH)], sidx_a)
      pltpu.sync_copy(dst_hbm.at[pl.ds(w * CH, CH)], didx_a)

    @pl.when(w == nlast - 1)
    def _():
      pltpu.sync_copy(src_hbm.at[pl.ds(ECH - rlast, rlast)],
                      sidx_a.at[pl.ds(0, rlast)])
      pltpu.sync_copy(pad_hbm, sidx_a.at[pl.ds(rlast, PCH)])
      pltpu.sync_copy(dst_hbm.at[pl.ds(ECH - rlast, rlast)],
                      didx_a.at[pl.ds(0, rlast)])
      pltpu.sync_copy(pad_hbm, didx_a.at[pl.ds(rlast, PCH)])

    pltpu.sync_copy(zeros_hbm, acc_sh.at[pl.ds(sid * PT, PT)])
    plsc.subcore_barrier()

    for b in range(DEPTH - 1):
      pltpu.async_copy(u_view.at[sidx_a.at[b]], rows[b], sg[b])

    def body(i, carry):
      for b in range(DEPTH):
        k = i * DEPTH + b
        pltpu.make_async_copy(u_view.at[sidx_a.at[k]], rows[b], sg[b]).wait()

        bp = (b - 1) % DEPTH
        @pl.when(k >= 1)
        def _():
          pltpu.make_async_copy(
              rows[bp], acc_sh.at[didx_a.at[k]], ss[bp]).wait()

        @pl.when(k + DEPTH - 1 < CH)
        def _():
          pltpu.async_copy(u_view.at[sidx_a.at[k + DEPTH - 1]], rows[bp],
                           sg[bp])

        pltpu.async_copy(rows[b], acc_sh.at[didx_a.at[k]], ss[b], add=True)
      return carry

    lax.fori_loop(0, CH // DEPTH, body, 0)
    pltpu.make_async_copy(
        rows[(CH - 1) % DEPTH], acc_sh.at[didx_a.at[CH - 1]],
        ss[(CH - 1) % DEPTH]).wait()
    plsc.subcore_barrier()
    pltpu.sync_copy(acc_sh.at[pl.ds(sid * PT, PT)],
                    out.at[cid, pl.ds(sid * PT, PT)])

  return prop


def _make_sc_deg():
  mesh = plsc.VectorSubcoreMesh(core_axis_name="c", subcore_axis_name="s")
  C = 16

  @functools.partial(
      pl.kernel,
      out_type=jax.ShapeDtypeStruct((2, NPAD, C), jnp.float32),
      mesh=mesh,
      scratch_types=[
          pltpu.VMEM_SHARED((NPAD, C), jnp.float32),
          pltpu.VMEM((CHPW, CHUNK), jnp.int32),
          pltpu.VMEM((CHUNK, C), jnp.float32),
          pltpu.SemaphoreType.DMA,
      ],
      compiler_params=pltpu.CompilerParams(use_tc_tiling_on_sc=False),
  )
  def deg(dst_hbm, pad_hbm, ones_hbm, zeros_hbm, out, acc_sh, didx_a,
          ones_v, ss):
    cid = lax.axis_index("c")
    sid = lax.axis_index("s")
    w = cid * 16 + sid
    rlast = ECH - (NW - 1) * CHPW

    @pl.when(w < NW - 1)
    def _():
      pltpu.sync_copy(dst_hbm.at[pl.ds(w * CHPW, CHPW)], didx_a)

    @pl.when(w == NW - 1)
    def _():
      pltpu.sync_copy(dst_hbm.at[pl.ds(ECH - rlast, rlast)],
                      didx_a.at[pl.ds(0, rlast)])
      pltpu.sync_copy(pad_hbm, didx_a.at[pl.ds(rlast, PCH)])

    pltpu.sync_copy(zeros_hbm, acc_sh.at[pl.ds(sid * PT, PT)])
    pltpu.sync_copy(ones_hbm, ones_v)
    plsc.subcore_barrier()
    D = 8

    def body(k, carry):
      pltpu.async_copy(ones_v, acc_sh.at[didx_a.at[k]], ss, add=True)

      @pl.when(k >= D)
      def _():
        pltpu.make_async_copy(ones_v, acc_sh.at[didx_a.at[k]], ss).wait()

      return carry

    lax.fori_loop(0, CHPW, body, 0)
    for _ in range(D):
      pltpu.make_async_copy(ones_v, acc_sh.at[didx_a.at[0]], ss).wait()
    plsc.subcore_barrier()
    pltpu.sync_copy(acc_sh.at[pl.ds(sid * PT, PT)],
                    out.at[cid, pl.ds(sid * PT, PT)])

  return deg


_RB = 2048


def _tc_prescale_body(x_ref, d_ref, u_ref, dinv_ref):
  dinv = lax.rsqrt(1.0 + d_ref[0, :, :1] + d_ref[1, :, :1])
  u_ref[0] = x_ref[:, :64] * dinv
  u_ref[1] = x_ref[:, 64:] * dinv
  dinv_ref[...] = jnp.broadcast_to(dinv, dinv_ref.shape)


def _tc_layer1_body(u1_ref, a_ref, dinv_ref, w1_ref, b1_ref, w2_ref, u2_ref):
  i = pl.program_id(0)
  dinv = dinv_ref[:, :1]
  p1 = dinv * jnp.concatenate(
      [u1_ref[0] + a_ref[0], u1_ref[1] + a_ref[1]], axis=1)
  h1 = jnp.maximum(
      jnp.dot(p1, w1_ref[...], preferred_element_type=jnp.float32)
      + b1_ref[...], 0.0)
  t = jnp.dot(h1, w2_ref[...], preferred_element_type=jnp.float32)
  row = i * _RB + lax.broadcasted_iota(jnp.int32, (_RB, 1), 0)
  u2_ref[...] = jnp.where(row < N, dinv * t, 0.0)


def _tc_pool_body(u2_ref, c_ref, dinv_ref, b2_ref, batch_ref, o_ref, cnt_ref):
  i = pl.program_id(0)
  nsteps = pl.num_programs(0)
  dinv = dinv_ref[:, :1]
  p2 = dinv * (u2_ref[...] + c_ref[0] + c_ref[1])
  h2 = jnp.maximum(p2 + b2_ref[...], 0.0)
  row = i * _RB + lax.broadcasted_iota(jnp.int32, (_RB, 1), 0)
  h2 = jnp.where(row < N, h2, 0.0)
  m = (batch_ref[...] ==
       lax.broadcasted_iota(jnp.int32, (1, G), 1)).astype(jnp.float32)
  part = lax.dot_general(m, h2, (((0,), (0,)), ((), ())),
                         preferred_element_type=jnp.float32)
  pcnt = lax.dot_general(m, jnp.ones((_RB, 1), jnp.float32),
                         (((0,), (0,)), ((), ())),
                         preferred_element_type=jnp.float32)

  @pl.when(i == 0)
  def _():
    o_ref[...] = jnp.zeros_like(o_ref)
    cnt_ref[...] = jnp.zeros_like(cnt_ref)

  o_ref[...] += part
  cnt_ref[:, :1] += pcnt

  @pl.when(i == nsteps - 1)
  def _():
    o_ref[...] = o_ref[...] / jnp.maximum(cnt_ref[:, :1], 1.0)


def kernel(x, edge_index, batch, W1, b1, W2, b2):
  f32 = jnp.float32
  pad2 = (N + jnp.arange(PCH * CHUNK, dtype=jnp.int32) % (NPAD - N)
          ).reshape(PCH, CHUNK)
  e0 = edge_index[0].reshape(ECH, CHUNK)
  e1 = edge_index[1].reshape(ECH, CHUNK)
  batch_p = jnp.concatenate(
      [batch, jnp.full((NPAD - N,), G, jnp.int32)]).reshape(NPAD, 1)
  b1r = b1.reshape(1, HID)
  b2r = b2.reshape(1, OUT_CH)
  zeros16 = jnp.zeros((PT, 16), f32)
  zeros64 = jnp.zeros((PT, OUT_CH), f32)
  ones16 = jnp.ones((CHUNK, 16), f32)

  d = _make_sc_deg()(e1, pad2, ones16, zeros16)

  grid = NPAD // _RB
  u3, dinv16 = pl.pallas_call(
      _tc_prescale_body,
      grid=(grid,),
      in_specs=[
          pl.BlockSpec((_RB, IN_CH), lambda i: (i, 0)),
          pl.BlockSpec((2, _RB, 16), lambda i: (0, i, 0)),
      ],
      out_specs=(pl.BlockSpec((2, _RB, 64), lambda i: (0, i, 0)),
                 pl.BlockSpec((_RB, 16), lambda i: (i, 0))),
      out_shape=(jax.ShapeDtypeStruct((2, NPAD, 64), f32),
                 jax.ShapeDtypeStruct((NPAD, 16), f32)),
  )(x, d)

  a = _make_sc_prop(True)(u3, e0, e1, pad2, zeros64)

  u2 = pl.pallas_call(
      _tc_layer1_body,
      grid=(grid,),
      in_specs=[
          pl.BlockSpec((2, _RB, 64), lambda i: (0, i, 0)),
          pl.BlockSpec((2, _RB, 64), lambda i: (0, i, 0)),
          pl.BlockSpec((_RB, 16), lambda i: (i, 0)),
          pl.BlockSpec((IN_CH, HID), lambda i: (0, 0)),
          pl.BlockSpec((1, HID), lambda i: (0, 0)),
          pl.BlockSpec((HID, OUT_CH), lambda i: (0, 0)),
      ],
      out_specs=pl.BlockSpec((_RB, OUT_CH), lambda i: (i, 0)),
      out_shape=jax.ShapeDtypeStruct((NPAD, OUT_CH), f32),
  )(u3, a, dinv16, W1, b1r, W2)

  c = _make_sc_prop(False)(u2, e0, e1, pad2, zeros64)

  out = pl.pallas_call(
      _tc_pool_body,
      grid=(grid,),
      in_specs=[
          pl.BlockSpec((_RB, OUT_CH), lambda i: (i, 0)),
          pl.BlockSpec((2, _RB, OUT_CH), lambda i: (0, i, 0)),
          pl.BlockSpec((_RB, 16), lambda i: (i, 0)),
          pl.BlockSpec((1, OUT_CH), lambda i: (0, 0)),
          pl.BlockSpec((_RB, 1), lambda i: (i, 0)),
      ],
      out_specs=pl.BlockSpec((G, OUT_CH), lambda i: (0, 0)),
      out_shape=jax.ShapeDtypeStruct((G, OUT_CH), f32),
      scratch_shapes=[pltpu.VMEM((G, 128), f32)],
  )(u2, c, dinv16, b2r, batch_p)
  return out

# --- scband reference (transcript-rebuilt; emitter-appended) ---
"""Pipeline reference for scband-encoder-25185688224506 (READ-ONLY COPY).

The authoritative reference and input builder live on the scoring server;
editing this copy changes nothing except your own understanding.
"""

import jax, jax.numpy as jnp
import numpy as np

N = 10000
E = 320000
IN_CH = 128
OUT_CH = 64
HID = 8 * OUT_CH  # 512
G = 64  # number of graphs in the batch


def _gcn_conv(x, edge_index, W, b):
    # Faithful PyG GCNConv: add self-loops, symmetric normalization, linear, scatter-add, bias
    n = x.shape[0]
    loop = jnp.arange(n, dtype=edge_index.dtype)
    src = jnp.concatenate([edge_index[0], loop])
    dst = jnp.concatenate([edge_index[1], loop])
    ones = jnp.ones(src.shape[0], dtype=x.dtype)
    deg = jax.ops.segment_sum(ones, dst, num_segments=n)
    deg_inv_sqrt = jnp.where(deg > 0, 1.0 / jnp.sqrt(deg), 0.0)
    norm = deg_inv_sqrt[src] * deg_inv_sqrt[dst]
    h = x @ W
    msg = h[src] * norm[:, None]
    out = jax.ops.segment_sum(msg, dst, num_segments=n)
    return out + b


def _global_mean_pool(x, batch, num_graphs):
    s = jax.ops.segment_sum(x, batch, num_segments=num_graphs)
    cnt = jax.ops.segment_sum(jnp.ones((x.shape[0],), dtype=x.dtype), batch, num_segments=num_graphs)
    return s / jnp.clip(cnt, 1.0)[:, None]


def setup_inputs(seed: int = 0) -> dict:
    key = jax.random.key(seed)
    k1, k2, k3, k4, k5 = jax.random.split(key, 5)
    x = jax.random.normal(k1, (N, IN_CH), dtype=jnp.float32)
    edge_index = jax.random.randint(k2, (2, E), 0, N, dtype=jnp.int32)
    batch = jnp.sort(jax.random.randint(k3, (N,), 0, G, dtype=jnp.int32))
    W1 = jax.random.normal(k4, (IN_CH, HID), dtype=jnp.float32) * (1.0 / np.sqrt(IN_CH))
    b1 = jnp.zeros((HID,), dtype=jnp.float32)
    W2 = jax.random.normal(k5, (HID, OUT_CH), dtype=jnp.float32) * (1.0 / np.sqrt(HID))
    b2 = jnp.zeros((OUT_CH,), dtype=jnp.float32)
    return {"x": x, "edge_index": edge_index, "batch": batch, "W1": W1, "b1": b1, "W2": W2, "b2": b2}


def reference(x, edge_index, batch, W1, b1, W2, b2):
    h = jax.nn.relu(_gcn_conv(x, edge_index, W1, b1))
    h = jax.nn.relu(_gcn_conv(h, edge_index, W2, b2))
    return _global_mean_pool(h, batch, G)

if __name__ == "__main__":
    import jax
    _d = setup_inputs()
    print(jax.jit(kernel)(*tuple(_d.values())))

</pallas_src>

<mosaic_0001>
#map = affine_map<(d0, d1) -> (0, 0)>
#map1 = affine_map<(d0, d1) -> (0, 0, 0)>
module attributes {stable_mosaic.version = 14 : i64} {
  func.func @prop(%arg0: i32, %arg1: i32, %arg2: memref<10240x64xf32, #tpu.memory_space<hbm>>, %arg3: memref<2500x128xi32, #tpu.memory_space<hbm>>, %arg4: memref<2500x128xi32, #tpu.memory_space<hbm>>, %arg5: memref<60x128xi32, #tpu.memory_space<hbm>>, %arg6: memref<640x64xf32, #tpu.memory_space<hbm>>, %arg7: memref<2x10240x64xf32, #tpu.memory_space<hbm>>, %arg8: memref<10240x64xf32, #tpu.memory_space<vmem_shared>>, %arg9: memref<80x128xi32, #tpu.memory_space<vmem>>, %arg10: memref<80x128xi32, #tpu.memory_space<vmem>>, %arg11: memref<128x64xf32, #tpu.memory_space<vmem>>, %arg12: memref<128x64xf32, #tpu.memory_space<vmem>>, %arg13: memref<128x64xf32, #tpu.memory_space<vmem>>, %arg14: memref<128x64xf32, #tpu.memory_space<vmem>>, %arg15: memref<!tpu.dma_semaphore, #tpu.memory_space<semaphore_mem>>, %arg16: memref<!tpu.dma_semaphore, #tpu.memory_space<semaphore_mem>>, %arg17: memref<!tpu.dma_semaphore, #tpu.memory_space<semaphore_mem>>, %arg18: memref<!tpu.dma_semaphore, #tpu.memory_space<semaphore_mem>>, %arg19: memref<!tpu.dma_semaphore, #tpu.memory_space<semaphore_mem>>, %arg20: memref<!tpu.dma_semaphore, #tpu.memory_space<semaphore_mem>>, %arg21: memref<!tpu.dma_semaphore, #tpu.memory_space<semaphore_mem>>, %arg22: memref<!tpu.dma_semaphore, #tpu.memory_space<semaphore_mem>>) attributes {dimension_semantics = [#tpu.dimension_semantics<core_parallel>, #tpu.dimension_semantics<subcore_parallel>], iteration_bounds = array<i64: 2, 16>, scalar_prefetch = 0 : i64, scratch_operands = 15 : i64, tpu.core_type = #tpu.core_type<sc_vector_subcore>, window_params = [{transform_indices = #map}, {transform_indices = #map}, {transform_indices = #map}, {transform_indices = #map}, {transform_indices = #map}, {transform_indices = #map1}]} {
    %mul3A = arith.constant 16 : i32
    %mul3A_0 = arith.muli %arg0, %mul3A : i32
    %add3A = arith.addi %mul3A_0, %arg1 : i32
    %lt3A = arith.constant 31 : i32
    %lt3A_1 = arith.cmpi slt, %add3A, %lt3A : i32
    %convert_element_type3A = arith.extui %lt3A_1 : i1 to i32
    %cond3A = arith.constant 0 : i32
    %cond3A_2 = arith.cmpi ne, %convert_element_type3A, %cond3A : i32
    scf.if %cond3A_2 {
      %mul3A_45 = arith.constant 80 : i32
      %mul3A_46 = arith.muli %add3A, %mul3A_45 : i32
      "tpu.region"() ({
        %run_scoped3A = tpu.sem_alloc : memref<!tpu.dma_semaphore, #tpu.memory_space<semaphore_mem>>
        %dma_start3A_49 = arith.constant 0 : i32
        %dma_start3A_50 = tpu.memref_slice %arg3[%mul3A_46, %dma_start3A_49] : memref<2500x128xi32, #tpu.memory_space<hbm>> -> memref<80x128xi32, #tpu.memory_space<hbm>>
        %dma_start3A_51 = arith.constant 0 : i32
        %dma_start3A_52 = tpu.memref_slice %arg3[%mul3A_46, %dma_start3A_51] : memref<2500x128xi32, #tpu.memory_space<hbm>> -> memref<80x128xi32, #tpu.memory_space<hbm>>
        tpu.enqueue_dma source(%dma_start3A_52 : memref<80x128xi32, #tpu.memory_space<hbm>>) target(%arg9 : memref<80x128xi32, #tpu.memory_space<vmem>>) target_semaphore(%run_scoped3A : memref<!tpu.dma_semaphore, #tpu.memory_space<semaphore_mem>>)
        %dma_wait3A_53 = arith.constant 0 : i32
        %dma_wait3A_54 = tpu.memref_slice %arg3[%mul3A_46, %dma_wait3A_53] : memref<2500x128xi32, #tpu.memory_space<hbm>> -> memref<80x128xi32, #tpu.memory_space<hbm>>
        %dma_wait3A_55 = arith.constant 0 : i32
        %dma_wait3A_56 = tpu.memref_slice %arg3[%mul3A_46, %dma_wait3A_55] : memref<2500x128xi32, #tpu.memory_space<hbm>> -> memref<80x128xi32, #tpu.memory_space<hbm>>
        tpu.wait_dma2 semaphore(%run_scoped3A : memref<!tpu.dma_semaphore, #tpu.memory_space<semaphore_mem>>) src(%dma_wait3A_56 : memref<80x128xi32, #tpu.memory_space<hbm>>) dst(%arg9 : memref<80x128xi32, #tpu.memory_space<vmem>>)
        tpu.yield
      }) : () -> ()
      %mul3A_47 = arith.constant 80 : i32
      %mul3A_48 = arith.muli %add3A, %mul3A_47 : i32
      "tpu.region"() ({
        %run_scoped3A = tpu.sem_alloc : memref<!tpu.dma_semaphore, #tpu.memory_space<semaphore_mem>>
        %dma_start3A_49 = arith.constant 0 : i32
        %dma_start3A_50 = tpu.memref_slice %arg4[%mul3A_48, %dma_start3A_49] : memref<2500x128xi32, #tpu.memory_space<hbm>> -> memref<80x128xi32, #tpu.memory_space<hbm>>
        %dma_start3A_51 = arith.constant 0 : i32
        %dma_start3A_52 = tpu.memref_slice %arg4[%mul3A_48, %dma_start3A_51] : memref<2500x128xi32, #tpu.memory_space<hbm>> -> memref<80x128xi32, #tpu.memory_space<hbm>>
        tpu.enqueue_dma source(%dma_start3A_52 : memref<80x128xi32, #tpu.memory_space<hbm>>) target(%arg10 : memref<80x128xi32, #tpu.memory_space<vmem>>) target_semaphore(%run_scoped3A : memref<!tpu.dma_semaphore, #tpu.memory_space<semaphore_mem>>)
        %dma_wait3A_53 = arith.constant 0 : i32
        %dma_wait3A_54 = tpu.memref_slice %arg4[%mul3A_48, %dma_wait3A_53] : memref<2500x128xi32, #tpu.memory_space<hbm>> -> memref<80x128xi32, #tpu.memory_space<hbm>>
        %dma_wait3A_55 = arith.constant 0 : i32
        %dma_wait3A_56 = tpu.memref_slice %arg4[%mul3A_48, %dma_wait3A_55] : memref<2500x128xi32, #tpu.memory_space<hbm>> -> memref<80x128xi32, #tpu.memory_space<hbm>>
        tpu.wait_dma2 semaphore(%run_scoped3A : memref<!tpu.dma_semaphore, #tpu.memory_space<semaphore_mem>>) src(%dma_wait3A_56 : memref<80x128xi32, #tpu.memory_space<hbm>>) dst(%arg10 : memref<80x128xi32, #tpu.memory_space<vmem>>)
        tpu.yield
      }) : () -> ()
    } else {
    }
    %eq3A = arith.constant 31 : i32
    %eq3A_3 = arith.cmpi eq, %add3A, %eq3A : i32
    %convert_element_type3A_4 = arith.extui %eq3A_3 : i1 to i32
    %cond3A_5 = arith.constant 0 : i32
    %cond3A_6 = arith.cmpi ne, %convert_element_type3A_4, %cond3A_5 : i32
    scf.if %cond3A_6 {
      "tpu.region"() ({
        %run_scoped3A = tpu.sem_alloc : memref<!tpu.dma_semaphore, #tpu.memory_space<semaphore_mem>>
        %dma_start3A_45 = arith.constant 0 : i32
        %dma_start3A_46 = arith.constant 0 : i32
        %dma_start3A_47 = tpu.memref_slice %arg9[%dma_start3A_45, %dma_start3A_46] : memref<80x128xi32, #tpu.memory_space<vmem>> -> memref<20x128xi32, #tpu.memory_space<vmem>>
        %dma_start3A_48 = arith.constant 2480 : i32
        %dma_start3A_49 = arith.constant 0 : i32
        %dma_start3A_50 = tpu.memref_slice %arg3[%dma_start3A_48, %dma_start3A_49] : memref<2500x128xi32, #tpu.memory_space<hbm>> -> memref<20x128xi32, #tpu.memory_space<hbm>>
        %dma_start3A_51 = arith.constant 0 : i32
        %dma_start3A_52 = arith.constant 0 : i32
        %dma_start3A_53 = tpu.memref_slice %arg9[%dma_start3A_51, %dma_start3A_52] : memref<80x128xi32, #tpu.memory_space<vmem>> -> memref<20x128xi32, #tpu.memory_space<vmem>>
        %dma_start3A_54 = arith.constant 2480 : i32
        %dma_start3A_55 = arith.constant 0 : i32
        %dma_start3A_56 = tpu.memref_slice %arg3[%dma_start3A_54, %dma_start3A_55] : memref<2500x128xi32, #tpu.memory_space<hbm>> -> memref<20x128xi32, #tpu.memory_space<hbm>>
        tpu.enqueue_dma source(%dma_start3A_56 : memref<20x128xi32, #tpu.memory_space<hbm>>) target(%dma_start3A_53 : memref<20x128xi32, #tpu.memory_space<vmem>>) target_semaphore(%run_scoped3A : memref<!tpu.dma_semaphore, #tpu.memory_space<semaphore_mem>>)
        %dma_wait3A_57 = arith.constant 0 : i32
        %dma_wait3A_58 = arith.constant 0 : i32
        %dma_wait3A_59 = tpu.memref_slice %arg9[%dma_wait3A_57, %dma_wait3A_58] : memref<80x128xi32, #tpu.memory_space<vmem>> -> memref<20x128xi32, #tpu.memory_space<vmem>>
        %dma_wait3A_60 = arith.constant 2480 : i32
        %dma_wait3A_61 = arith.constant 0 : i32
        %dma_wait3A_62 = tpu.memref_slice %arg3[%dma_wait3A_60, %dma_wait3A_61] : memref<2500x128xi32, #tpu.memory_space<hbm>> -> memref<20x128xi32, #tpu.memory_space<hbm>>
        %dma_wait3A_63 = arith.constant 0 : i32
        %dma_wait3A_64 = arith.constant 0 : i32
        %dma_wait3A_65 = tpu.memref_slice %arg9[%dma_wait3A_63, %dma_wait3A_64] : memref<80x128xi32, #tpu.memory_space<vmem>> -> memref<20x128xi32, #tpu.memory_space<vmem>>
        %dma_wait3A_66 = arith.constant 2480 : i32
        %dma_wait3A_67 = arith.constant 0 : i32
        %dma_wait3A_68 = tpu.memref_slice %arg3[%dma_wait3A_66, %dma_wait3A_67] : memref<2500x128xi32, #tpu.memory_space<hbm>> -> memref<20x128xi32, #tpu.memory_space<hbm>>
        tpu.wait_dma2 semaphore(%run_scoped3A : memref<!tpu.dma_semaphore, #tpu.memory_space<semaphore_mem>>) src(%dma_wait3A_68 : memref<20x128xi32, #tpu.memory_space<hbm>>) dst(%dma_wait3A_65 : memref<20x128xi32, #tpu.memory_space<vmem>>)
        tpu.yield
      }) : () -> ()
      "tpu.region"() ({
        %run_scoped3A = tpu.sem_alloc : memref<!tpu.dma_semaphore, #tpu.memory_space<semaphore_mem>>
        %dma_start3A_45 = arith.constant 20 : i32
        %dma_start3A_46 = arith.constant 0 : i32
        %dma_start3A_47 = tpu.memref_slice %arg9[%dma_start3A_45, %dma_start3A_46] : memref<80x128xi32, #tpu.memory_space<vmem>> -> memref<60x128xi32, #tpu.memory_space<vmem>>
        %dma_start3A_48 = arith.constant 20 : i32
        %dma_start3A_49 = arith.constant 0 : i32
        %dma_start3A_50 = tpu.memref_slice %arg9[%dma_start3A_48, %dma_start3A_49] : memref<80x128xi32, #tpu.memory_space<vmem>> -> memref<60x128xi32, #tpu.memory_space<vmem>>
        tpu.enqueue_dma source(%arg5 : memref<60x128xi32, #tpu.memory_space<hbm>>) target(%dma_start3A_50 : memref<60x128xi32, #tpu.memory_space<vmem>>) target_semaphore(%run_scoped3A : memref<!tpu.dma_semaphore, #tpu.memory_space<semaphore_mem>>)
        %dma_wait3A_51 = arith.constant 20 : i32
        %dma_wait3A_52 = arith.constant 0 : i32
        %dma_wait3A_53 = tpu.memref_slice %arg9[%dma_wait3A_51, %dma_wait3A_52] : memref<80x128xi32, #tpu.memory_space<vmem>> -> memref<60x128xi32, #tpu.memory_space<vmem>>
        %dma_wait3A_54 = arith.constant 20 : i32
        %dma_wait3A_55 = arith.constant 0 : i32
        %dma_wait3A_56 = tpu.memref_slice %arg9[%dma_wait3A_54, %dma_wait3A_55] : memref<80x128xi32, #tpu.memory_space<vmem>> -> memref<60x128xi32, #tpu.memory_space<vmem>>
        tpu.wait_dma2 semaphore(%run_scoped3A : memref<!tpu.dma_semaphore, #tpu.memory_space<semaphore_mem>>) src(%arg5 : memref<60x128xi32, #tpu.memory_space<hbm>>) dst(%dma_wait3A_56 : memref<60x128xi32, #tpu.memory_space<vmem>>)
        tpu.yield
      }) : () -> ()
      "tpu.region"() ({
        %run_scoped3A = tpu.sem_alloc : memref<!tpu.dma_semaphore, #tpu.memory_space<semaphore_mem>>
        %dma_start3A_45 = arith.constant 0 : i32
        %dma_start3A_46 = arith.constant 0 : i32
        %dma_start3A_47 = tpu.memref_slice %arg10[%dma_start3A_45, %dma_start3A_46] : memref<80x128xi32, #tpu.memory_space<vmem>> -> memref<20x128xi32, #tpu.memory_space<vmem>>
        %dma_start3A_48 = arith.constant 2480 : i32
        %dma_start3A_49 = arith.constant 0 : i32
        %dma_start3A_50 = tpu.memref_slice %arg4[%dma_start3A_48, %dma_start3A_49] : memref<2500x128xi32, #tpu.memory_space<hbm>> -> memref<20x128xi32, #tpu.memory_space<hbm>>
        %dma_start3A_51 = arith.constant 0 : i32
        %dma_start3A_52 = arith.constant 0 : i32
        %dma_start3A_53 = tpu.memref_slice %arg10[%dma_start3A_51, %dma_start3A_52] : memref<80x128xi32, #tpu.memory_space<vmem>> -> memref<20x128xi32, #tpu.memory_space<vmem>>
        %dma_start3A_54 = arith.constant 2480 : i32
        %dma_start3A_55 = arith.constant 0 : i32
        %dma_start3A_56 = tpu.memref_slice %arg4[%dma_start3A_54, %dma_start3A_55] : memref<2500x128xi32, #tpu.memory_space<hbm>> -> memref<20x128xi32, #tpu.memory_space<hbm>>
        tpu.enqueue_dma source(%dma_start3A_56 : memref<20x128xi32, #tpu.memory_space<hbm>>) target(%dma_start3A_53 : memref<20x128xi32, #tpu.memory_space<vmem>>) target_semaphore(%run_scoped3A : memref<!tpu.dma_semaphore, #tpu.memory_space<semaphore_mem>>)
        %dma_wait3A_57 = arith.constant 0 : i32
        %dma_wait3A_58 = arith.constant 0 : i32
        %dma_wait3A_59 = tpu.memref_slice %arg10[%dma_wait3A_57, %dma_wait3A_58] : memref<80x128xi32, #tpu.memory_space<vmem>> -> memref<20x128xi32, #tpu.memory_space<vmem>>
        %dma_wait3A_60 = arith.constant 2480 : i32
        %dma_wait3A_61 = arith.constant 0 : i32
        %dma_wait3A_62 = tpu.memref_slice %arg4[%dma_wait3A_60, %dma_wait3A_61] : memref<2500x128xi32, #tpu.memory_space<hbm>> -> memref<20x128xi32, #tpu.memory_space<hbm>>
        %dma_wait3A_63 = arith.constant 0 : i32
        %dma_wait3A_64 = arith.constant 0 : i32
        %dma_wait3A_65 = tpu.memref_slice %arg10[%dma_wait3A_63, %dma_wait3A_64] : memref<80x128xi32, #tpu.memory_space<vmem>> -> memref<20x128xi32, #tpu.memory_space<vmem>>
        %dma_wait3A_66 = arith.constant 2480 : i32
        %dma_wait3A_67 = arith.constant 0 : i32
        %dma_wait3A_68 = tpu.memref_slice %arg4[%dma_wait3A_66, %dma_wait3A_67] : memref<2500x128xi32, #tpu.memory_space<hbm>> -> memref<20x128xi32, #tpu.memory_space<hbm>>
        tpu.wait_dma2 semaphore(%run_scoped3A : memref<!tpu.dma_semaphore, #tpu.memory_space<semaphore_mem>>) src(%dma_wait3A_68 : memref<20x128xi32, #tpu.memory_space<hbm>>) dst(%dma_wait3A_65 : memref<20x128xi32, #tpu.memory_space<vmem>>)
        tpu.yield
      }) : () -> ()
      "tpu.region"() ({
        %run_scoped3A = tpu.sem_alloc : memref<!tpu.dma_semaphore, #tpu.memory_space<semaphore_mem>>
        %dma_start3A_45 = arith.constant 20 : i32
        %dma_start3A_46 = arith.constant 0 : i32
        %dma_start3A_47 = tpu.memref_slice %arg10[%dma_start3A_45, %dma_start3A_46] : memref<80x128xi32, #tpu.memory_space<vmem>> -> memref<60x128xi32, #tpu.memory_space<vmem>>
        %dma_start3A_48 = arith.constant 20 : i32
        %dma_start3A_49 = arith.constant 0 : i32
        %dma_start3A_50 = tpu.memref_slice %arg10[%dma_start3A_48, %dma_start3A_49] : memref<80x128xi32, #tpu.memory_space<vmem>> -> memref<60x128xi32, #tpu.memory_space<vmem>>
        tpu.enqueue_dma source(%arg5 : memref<60x128xi32, #tpu.memory_space<hbm>>) target(%dma_start3A_50 : memref<60x128xi32, #tpu.memory_space<vmem>>) target_semaphore(%run_scoped3A : memref<!tpu.dma_semaphore, #tpu.memory_space<semaphore_mem>>)
        %dma_wait3A_51 = arith.constant 20 : i32
        %dma_wait3A_52 = arith.constant 0 : i32
        %dma_wait3A_53 = tpu.memref_slice %arg10[%dma_wait3A_51, %dma_wait3A_52] : memref<80x128xi32, #tpu.memory_space<vmem>> -> memref<60x128xi32, #tpu.memory_space<vmem>>
        %dma_wait3A_54 = arith.constant 20 : i32
        %dma_wait3A_55 = arith.constant 0 : i32
        %dma_wait3A_56 = tpu.memref_slice %arg10[%dma_wait3A_54, %dma_wait3A_55] : memref<80x128xi32, #tpu.memory_space<vmem>> -> memref<60x128xi32, #tpu.memory_space<vmem>>
        tpu.wait_dma2 semaphore(%run_scoped3A : memref<!tpu.dma_semaphore, #tpu.memory_space<semaphore_mem>>) src(%arg5 : memref<60x128xi32, #tpu.memory_space<hbm>>) dst(%dma_wait3A_56 : memref<60x128xi32, #tpu.memory_space<vmem>>)
        tpu.yield
      }) : () -> ()
    } else {
    }
    %mul3A_7 = arith.constant 640 : i32
    %mul3A_8 = arith.muli %arg1, %mul3A_7 : i32
    "tpu.region"() ({
      %run_scoped3A = tpu.sem_alloc : memref<!tpu.dma_semaphore, #tpu.memory_space<semaphore_mem>>
      %dma_start3A_45 = arith.constant 0 : i32
      %dma_start3A_46 = tpu.memref_slice %arg8[%mul3A_8, %dma_start3A_45] : memref<10240x64xf32, #tpu.memory_space<vmem_shared>> -> memref<640x64xf32, #tpu.memory_space<vmem_shared>>
      tpu.enqueue_dma source(%arg6 : memref<640x64xf32, #tpu.memory_space<hbm>>) target(%dma_start3A_46 : memref<640x64xf32, #tpu.memory_space<vmem_shared>>) target_semaphore(%run_scoped3A : memref<!tpu.dma_semaphore, #tpu.memory_space<semaphore_mem>>)
      %dma_wait3A_47 = arith.constant 0 : i32
      %dma_wait3A_48 = tpu.memref_slice %arg8[%mul3A_8, %dma_wait3A_47] : memref<10240x64xf32, #tpu.memory_space<vmem_shared>> -> memref<640x64xf32, #tpu.memory_space<vmem_shared>>
      tpu.wait_dma2 semaphore(%run_scoped3A : memref<!tpu.dma_semaphore, #tpu.memory_space<semaphore_mem>>) src(%arg6 : memref<640x64xf32, #tpu.memory_space<hbm>>) dst(%dma_wait3A_48 : memref<640x64xf32, #tpu.memory_space<vmem_shared>>)
      tpu.yield
    }) : () -> ()
    %barrier3A = arith.constant 0 : index
    tpu.barrier barrier_id(%barrier3A)
    %dma_start3A = arith.constant 0 : i32
    %dma_start3A_9 = arith.constant 0 : i32
    %dma_start3A_10 = tpu.memref_slice %arg9[%dma_start3A, %dma_start3A_9] : memref<80x128xi32, #tpu.memory_space<vmem>> -> memref<1x128xi32, #tpu.memory_space<vmem>>
    %dma_start3A_11 = tpu.memref_squeeze %dma_start3A_10 : memref<1x128xi32, #tpu.memory_space<vmem>> -> memref<128xi32, #tpu.memory_space<vmem>>
    %dma_start3A_12 = arith.constant 0 : i32
    %dma_start3A_13 = arith.constant 0 : i32
    %dma_start3A_14 = tpu.memref_slice %arg2[%dma_start3A_12, %dma_start3A_13] : memref<10240x64xf32, #tpu.memory_space<hbm>> -> memref<10240x64xf32, #tpu.memory_space<hbm>>
    tpu.enqueue_indirect_dma source(%dma_start3A_14 : memref<10240x64xf32, #tpu.memory_space<hbm>>) target(%arg11 : memref<128x64xf32, #tpu.memory_space<vmem>>) offsets(%dma_start3A_11 : memref<128xi32, #tpu.memory_space<vmem>>) semaphore(%arg15 : memref<!tpu.dma_semaphore, #tpu.memory_space<semaphore_mem>>)
    %dma_start3A_15 = arith.constant 1 : i32
    %dma_start3A_16 = arith.constant 0 : i32
    %dma_start3A_17 = tpu.memref_slice %arg9[%dma_start3A_15, %dma_start3A_16] : memref<80x128xi32, #tpu.memory_space<vmem>> -> memref<1x128xi32, #tpu.memory_space<vmem>>
    %dma_start3A_18 = tpu.memref_squeeze %dma_start3A_17 : memref<1x128xi32, #tpu.memory_space<vmem>> -> memref<128xi32, #tpu.memory_space<vmem>>
    %dma_start3A_19 = arith.constant 0 : i32
    %dma_start3A_20 = arith.constant 0 : i32
    %dma_start3A_21 = tpu.memref_slice %arg2[%dma_start3A_19, %dma_start3A_20] : memref<10240x64xf32, #tpu.memory_space<hbm>> -> memref<10240x64xf32, #tpu.memory_space<hbm>>
    tpu.enqueue_indirect_dma source(%dma_start3A_21 : memref<10240x64xf32, #tpu.memory_space<hbm>>) target(%arg12 : memref<128x64xf32, #tpu.memory_space<vmem>>) offsets(%dma_start3A_18 : memref<128xi32, #tpu.memory_space<vmem>>) semaphore(%arg16 : memref<!tpu.dma_semaphore, #tpu.memory_space<semaphore_mem>>)
    %dma_start3A_22 = arith.constant 2 : i32
    %dma_start3A_23 = arith.constant 0 : i32
    %dma_start3A_24 = tpu.memref_slice %arg9[%dma_start3A_22, %dma_start3A_23] : memref<80x128xi32, #tpu.memory_space<vmem>> -> memref<1x128xi32, #tpu.memory_space<vmem>>
    %dma_start3A_25 = tpu.memref_squeeze %dma_start3A_24 : memref<1x128xi32, #tpu.memory_space<vmem>> -> memref<128xi32, #tpu.memory_space<vmem>>
    %dma_start3A_26 = arith.constant 0 : i32
    %dma_start3A_27 = arith.constant 0 : i32
    %dma_start3A_28 = tpu.memref_slice %arg2[%dma_start3A_26, %dma_start3A_27] : memref<10240x64xf32, #tpu.memory_space<hbm>> -> memref<10240x64xf32, #tpu.memory_space<hbm>>
    tpu.enqueue_indirect_dma source(%dma_start3A_28 : memref<10240x64xf32, #tpu.memory_space<hbm>>) target(%arg13 : memref<128x64xf32, #tpu.memory_space<vmem>>) offsets(%dma_start3A_25 : memref<128xi32, #tpu.memory_space<vmem>>) semaphore(%arg17 : memref<!tpu.dma_semaphore, #tpu.memory_space<semaphore_mem>>)
    %scan3A = arith.constant 0 : i32
    %scan3A_29 = arith.constant 0 : i32
    %scan3A_30 = arith.constant 20 : i32
    %scan3A_31 = arith.addi %scan3A_29, %scan3A_30 : i32
    %scan3A_32 = arith.constant 1 : i32
    scf.for %scan3A_45 = %scan3A_29 to %scan3A_31 step %scan3A_32  : i32 {
      %mul3A_46 = arith.constant 4 : i32
      %mul3A_47 = arith.muli %scan3A_45, %mul3A_46 : i32
      %add3A_48 = arith.constant 0 : i32
      %add3A_49 = arith.addi %mul3A_47, %add3A_48 : i32
      %dma_wait3A_50 = arith.constant 0 : i32
      %dma_wait3A_51 = tpu.memref_slice %arg9[%add3A_49, %dma_wait3A_50] : memref<80x128xi32, #tpu.memory_space<vmem>> -> memref<1x128xi32, #tpu.memory_space<vmem>>
      %dma_wait3A_52 = tpu.memref_squeeze %dma_wait3A_51 : memref<1x128xi32, #tpu.memory_space<vmem>> -> memref<128xi32, #tpu.memory_space<vmem>>
      %dma_wait3A_53 = arith.constant 0 : i32
      %dma_wait3A_54 = arith.constant 0 : i32
      %dma_wait3A_55 = tpu.memref_slice %arg2[%dma_wait3A_53, %dma_wait3A_54] : memref<10240x64xf32, #tpu.memory_space<hbm>> -> memref<10240x64xf32, #tpu.memory_space<hbm>>
      tpu.wait_indirect_dma semaphore(%arg15 : memref<!tpu.dma_semaphore, #tpu.memory_space<semaphore_mem>>) src(%dma_wait3A_55 : memref<10240x64xf32, #tpu.memory_space<hbm>>) dst(%arg11 : memref<128x64xf32, #tpu.memory_space<vmem>>)
      %ge3A = arith.constant 1 : i32
      %ge3A_56 = arith.cmpi sge, %add3A_49, %ge3A : i32
      %convert_element_type3A_57 = arith.extui %ge3A_56 : i1 to i32
      %cond3A_58 = arith.constant 0 : i32
      %cond3A_59 = arith.cmpi ne, %convert_element_type3A_57, %cond3A_58 : i32
      scf.if %cond3A_59 {
        %dma_wait3A_164 = arith.constant 0 : i32
        %dma_wait3A_165 = tpu.memref_slice %arg10[%add3A_49, %dma_wait3A_164] : memref<80x128xi32, #tpu.memory_space<vmem>> -> memref<1x128xi32, #tpu.memory_space<vmem>>
        %dma_wait3A_166 = tpu.memref_squeeze %dma_wait3A_165 : memref<1x128xi32, #tpu.memory_space<vmem>> -> memref<128xi32, #tpu.memory_space<vmem>>
        %dma_wait3A_167 = arith.constant 0 : i32
        %dma_wait3A_168 = arith.constant 0 : i32
        %dma_wait3A_169 = tpu.memref_slice %arg8[%dma_wait3A_167, %dma_wait3A_168] : memref<10240x64xf32, #tpu.memory_space<vmem_shared>> -> memref<10240x64xf32, #tpu.memory_space<vmem_shared>>
        tpu.wait_indirect_dma semaphore(%arg22 : memref<!tpu.dma_semaphore, #tpu.memory_space<semaphore_mem>>) src(%arg14 : memref<128x64xf32, #tpu.memory_space<vmem>>) dst(%dma_wait3A_169 : memref<10240x64xf32, #tpu.memory_space<vmem_shared>>)
      } else {
      }
      %add3A_60 = arith.constant 4 : i32
      %add3A_61 = arith.addi %add3A_49, %add3A_60 : i32
      %sub3A = arith.constant 1 : i32
      %sub3A_62 = arith.subi %add3A_61, %sub3A : i32
      %lt3A_63 = arith.constant 80 : i32
      %lt3A_64 = arith.cmpi slt, %sub3A_62, %lt3A_63 : i32
      %convert_element_type3A_65 = arith.extui %lt3A_64 : i1 to i32
      %cond3A_66 = arith.constant 0 : i32
      %cond3A_67 = arith.cmpi ne, %convert_element_type3A_65, %cond3A_66 : i32
      scf.if %cond3A_67 {
        %add3A_164 = arith.constant 4 : i32
        %add3A_165 = arith.addi %add3A_49, %add3A_164 : i32
        %sub3A_166 = arith.constant 1 : i32
        %sub3A_167 = arith.subi %add3A_165, %sub3A_166 : i32
        %dma_start3A_168 = arith.constant 0 : i32
        %dma_start3A_169 = tpu.memref_slice %arg9[%sub3A_167, %dma_start3A_168] : memref<80x128xi32, #tpu.memory_space<vmem>> -> memref<1x128xi32, #tpu.memory_space<vmem>>
        %dma_start3A_170 = tpu.memref_squeeze %dma_start3A_169 : memref<1x128xi32, #tpu.memory_space<vmem>> -> memref<128xi32, #tpu.memory_space<vmem>>
        %dma_start3A_171 = arith.constant 0 : i32
        %dma_start3A_172 = arith.constant 0 : i32
        %dma_start3A_173 = tpu.memref_slice %arg2[%dma_start3A_171, %dma_start3A_172] : memref<10240x64xf32, #tpu.memory_space<hbm>> -> memref<10240x64xf32, #tpu.memory_space<hbm>>
        tpu.enqueue_indirect_dma source(%dma_start3A_173 : memref<10240x64xf32, #tpu.memory_space<hbm>>) target(%arg14 : memref<128x64xf32, #tpu.memory_space<vmem>>) offsets(%dma_start3A_170 : memref<128xi32, #tpu.memory_space<vmem>>) semaphore(%arg18 : memref<!tpu.dma_semaphore, #tpu.memory_space<semaphore_mem>>)
      } else {
      }
      %dma_start3A_68 = arith.constant 0 : i32
      %dma_start3A_69 = tpu.memref_slice %arg10[%add3A_49, %dma_start3A_68] : memref<80x128xi32, #tpu.memory_space<vmem>> -> memref<1x128xi32, #tpu.memory_space<vmem>>
      %dma_start3A_70 = tpu.memref_squeeze %dma_start3A_69 : memref<1x128xi32, #tpu.memory_space<vmem>> -> memref<128xi32, #tpu.memory_space<vmem>>
      %dma_start3A_71 = arith.constant 0 : i32
      %dma_start3A_72 = arith.constant 0 : i32
      %dma_start3A_73 = tpu.memref_slice %arg8[%dma_start3A_71, %dma_start3A_72] : memref<10240x64xf32, #tpu.memory_space<vmem_shared>> -> memref<10240x64xf32, #tpu.memory_space<vmem_shared>>
      tpu.enqueue_indirect_dma source(%arg11 : memref<128x64xf32, #tpu.memory_space<vmem>>) target(%dma_start3A_73 : memref<10240x64xf32, #tpu.memory_space<vmem_shared>>) offsets(%dma_start3A_70 : memref<128xi32, #tpu.memory_space<vmem>>) semaphore(%arg19 : memref<!tpu.dma_semaphore, #tpu.memory_space<semaphore_mem>>) {add = true}
      %mul3A_74 = arith.constant 4 : i32
      %mul3A_75 = arith.muli %scan3A_45, %mul3A_74 : i32
      %add3A_76 = arith.constant 1 : i32
      %add3A_77 = arith.addi %mul3A_75, %add3A_76 : i32
      %dma_wait3A_78 = arith.constant 0 : i32
      %dma_wait3A_79 = tpu.memref_slice %arg9[%add3A_77, %dma_wait3A_78] : memref<80x128xi32, #tpu.memory_space<vmem>> -> memref<1x128xi32, #tpu.memory_space<vmem>>
      %dma_wait3A_80 = tpu.memref_squeeze %dma_wait3A_79 : memref<1x128xi32, #tpu.memory_space<vmem>> -> memref<128xi32, #tpu.memory_space<vmem>>
      %dma_wait3A_81 = arith.constant 0 : i32
      %dma_wait3A_82 = arith.constant 0 : i32
      %dma_wait3A_83 = tpu.memref_slice %arg2[%dma_wait3A_81, %dma_wait3A_82] : memref<10240x64xf32, #tpu.memory_space<hbm>> -> memref<10240x64xf32, #tpu.memory_space<hbm>>
      tpu.wait_indirect_dma semaphore(%arg16 : memref<!tpu.dma_semaphore, #tpu.memory_space<semaphore_mem>>) src(%dma_wait3A_83 : memref<10240x64xf32, #tpu.memory_space<hbm>>) dst(%arg12 : memref<128x64xf32, #tpu.memory_space<vmem>>)
      %ge3A_84 = arith.constant 1 : i32
      %ge3A_85 = arith.cmpi sge, %add3A_77, %ge3A_84 : i32
      %convert_element_type3A_86 = arith.extui %ge3A_85 : i1 to i32
      %cond3A_87 = arith.constant 0 : i32
      %cond3A_88 = arith.cmpi ne, %convert_element_type3A_86, %cond3A_87 : i32
      scf.if %cond3A_88 {
        %dma_wait3A_164 = arith.constant 0 : i32
        %dma_wait3A_165 = tpu.memref_slice %arg10[%add3A_77, %dma_wait3A_164] : memref<80x128xi32, #tpu.memory_space<vmem>> -> memref<1x128xi32, #tpu.memory_space<vmem>>
        %dma_wait3A_166 = tpu.memref_squeeze %dma_wait3A_165 : memref<1x128xi32, #tpu.memory_space<vmem>> -> memref<128xi32, #tpu.memory_space<vmem>>
        %dma_wait3A_167 = arith.constant 0 : i32
        %dma_wait3A_168 = arith.constant 0 : i32
        %dma_wait3A_169 = tpu.memref_slice %arg8[%dma_wait3A_167, %dma_wait3A_168] : memref<10240x64xf32, #tpu.memory_space<vmem_shared>> -> memref<10240x64xf32, #tpu.memory_space<vmem_shared>>
        tpu.wait_indirect_dma semaphore(%arg19 : memref<!tpu.dma_semaphore, #tpu.memory_space<semaphore_mem>>) src(%arg11 : memref<128x64xf32, #tpu.memory_space<vmem>>) dst(%dma_wait3A_169 : memref<10240x64xf32, #tpu.memory_space<vmem_shared>>)
      } else {
      }
      %add3A_89 = arith.constant 4 : i32
      %add3A_90 = arith.addi %add3A_77, %add3A_89 : i32
      %sub3A_91 = arith.constant 1 : i32
      %sub3A_92 = arith.subi %add3A_90, %sub3A_91 : i32
      %lt3A_93 = arith.constant 80 : i32
      %lt3A_94 = arith.cmpi slt, %sub3A_92, %lt3A_93 : i32
      %convert_element_type3A_95 = arith.extui %lt3A_94 : i1 to i32
      %cond3A_96 = arith.constant 0 : i32
      %cond3A_97 = arith.cmpi ne, %convert_element_type3A_95, %cond3A_96 : i32
      scf.if %cond3A_97 {
        %add3A_164 = arith.constant 4 : i32
        %add3A_165 = arith.addi %add3A_77, %add3A_164 : i32
        %sub3A_166 = arith.constant 1 : i32
        %sub3A_167 = arith.subi %add3A_165, %sub3A_166 : i32
        %dma_start3A_168 = arith.constant 0 : i32
        %dma_start3A_169 = tpu.memref_slice %arg9[%sub3A_167, %dma_start3A_168] : memref<80x128xi32, #tpu.memory_space<vmem>> -> memref<1x128xi32, #tpu.memory_space<vmem>>
        %dma_start3A_170 = tpu.memref_squeeze %dma_start3A_169 : memref<1x128xi32, #tpu.memory_space<vmem>> -> memref<128xi32, #tpu.memory_space<vmem>>
        %dma_start3A_171 = arith.constant 0 : i32
        %dma_start3A_172 = arith.constant 0 : i32
        %dma_start3A_173 = tpu.memref_slice %arg2[%dma_start3A_171, %dma_start3A_172] : memref<10240x64xf32, #tpu.memory_space<hbm>> -> memref<10240x64xf32, #tpu.memory_space<hbm>>
        tpu.enqueue_indirect_dma source(%dma_start3A_173 : memref<10240x64xf32, #tpu.memory_space<hbm>>) target(%arg11 : memref<128x64xf32, #tpu.memory_space<vmem>>) offsets(%dma_start3A_170 : memref<128xi32, #tpu.memory_space<vmem>>) semaphore(%arg15 : memref<!tpu.dma_semaphore, #tpu.memory_space<semaphore_mem>>)
      } else {
      }
      %dma_start3A_98 = arith.constant 0 : i32
      %dma_start3A_99 = tpu.memref_slice %arg10[%add3A_77, %dma_start3A_98] : memref<80x128xi32, #tpu.memory_space<vmem>> -> memref<1x128xi32, #tpu.memory_space<vmem>>
      %dma_start3A_100 = tpu.memref_squeeze %dma_start3A_99 : memref<1x128xi32, #tpu.memory_space<vmem>> -> memref<128xi32, #tpu.memory_space<vmem>>
      %dma_start3A_101 = arith.constant 0 : i32
      %dma_start3A_102 = arith.constant 0 : i32
      %dma_start3A_103 = tpu.memref_slice %arg8[%dma_start3A_101, %dma_start3A_102] : memref<10240x64xf32, #tpu.memory_space<vmem_shared>> -> memref<10240x64xf32, #tpu.memory_space<vmem_shared>>
      tpu.enqueue_indirect_dma source(%arg12 : memref<128x64xf32, #tpu.memory_space<vmem>>) target(%dma_start3A_103 : memref<10240x64xf32, #tpu.memory_space<vmem_shared>>) offsets(%dma_start3A_100 : memref<128xi32, #tpu.memory_space<vmem>>) semaphore(%arg20 : memref<!tpu.dma_semaphore, #tpu.memory_space<semaphore_mem>>) {add = true}
      %mul3A_104 = arith.constant 4 : i32
      %mul3A_105 = arith.muli %scan3A_45, %mul3A_104 : i32
      %add3A_106 = arith.constant 2 : i32
      %add3A_107 = arith.addi %mul3A_105, %add3A_106 : i32
      %dma_wait3A_108 = arith.constant 0 : i32
      %dma_wait3A_109 = tpu.memref_slice %arg9[%add3A_107, %dma_wait3A_108] : memref<80x128xi32, #tpu.memory_space<vmem>> -> memref<1x128xi32, #tpu.memory_space<vmem>>
      %dma_wait3A_110 = tpu.memref_squeeze %dma_wait3A_109 : memref<1x128xi32, #tpu.memory_space<vmem>> -> memref<128xi32, #tpu.memory_space<vmem>>
      %dma_wait3A_111 = arith.constant 0 : i32
      %dma_wait3A_112 = arith.constant 0 : i32
      %dma_wait3A_113 = tpu.memref_slice %arg2[%dma_wait3A_111, %dma_wait3A_112] : memref<10240x64xf32, #tpu.memory_space<hbm>> -> memref<10240x64xf32, #tpu.memory_space<hbm>>
      tpu.wait_indirect_dma semaphore(%arg17 : memref<!tpu.dma_semaphore, #tpu.memory_space<semaphore_mem>>) src(%dma_wait3A_113 : memref<10240x64xf32, #tpu.memory_space<hbm>>) dst(%arg13 : memref<128x64xf32, #tpu.memory_space<vmem>>)
      %ge3A_114 = arith.constant 1 : i32
      %ge3A_115 = arith.cmpi sge, %add3A_107, %ge3A_114 : i32
      %convert_element_type3A_116 = arith.extui %ge3A_115 : i1 to i32
      %cond3A_117 = arith.constant 0 : i32
      %cond3A_118 = arith.cmpi ne, %convert_element_type3A_116, %cond3A_117 : i32
      scf.if %cond3A_118 {
        %dma_wait3A_164 = arith.constant 0 : i32
        %dma_wait3A_165 = tpu.memref_slice %arg10[%add3A_107, %dma_wait3A_164] : memref<80x128xi32, #tpu.memory_space<vmem>> -> memref<1x128xi32, #tpu.memory_space<vmem>>
        %dma_wait3A_166 = tpu.memref_squeeze %dma_wait3A_165 : memref<1x128xi32, #tpu.memory_space<vmem>> -> memref<128xi32, #tpu.memory_space<vmem>>
        %dma_wait3A_167 = arith.constant 0 : i32
        %dma_wait3A_168 = arith.constant 0 : i32
        %dma_wait3A_169 = tpu.memref_slice %arg8[%dma_wait3A_167, %dma_wait3A_168] : memref<10240x64xf32, #tpu.memory_space<vmem_shared>> -> memref<10240x64xf32, #tpu.memory_space<vmem_shared>>
        tpu.wait_indirect_dma semaphore(%arg20 : memref<!tpu.dma_semaphore, #tpu.memory_space<semaphore_mem>>) src(%arg12 : memref<128x64xf32, #tpu.memory_space<vmem>>) dst(%dma_wait3A_169 : memref<10240x64xf32, #tpu.memory_space<vmem_shared>>)
      } else {
      }
      %add3A_119 = arith.constant 4 : i32
      %add3A_120 = arith.addi %add3A_107, %add3A_119 : i32
      %sub3A_121 = arith.constant 1 : i32
      %sub3A_122 = arith.subi %add3A_120, %sub3A_121 : i32
      %lt3A_123 = arith.constant 80 : i32
      %lt3A_124 = arith.cmpi slt, %sub3A_122, %lt3A_123 : i32
      %convert_element_type3A_125 = arith.extui %lt3A_124 : i1 to i32
      %cond3A_126 = arith.constant 0 : i32
      %cond3A_127 = arith.cmpi ne, %convert_element_type3A_125, %cond3A_126 : i32
      scf.if %cond3A_127 {
        %add3A_164 = arith.constant 4 : i32
        %add3A_165 = arith.addi %add3A_107, %add3A_164 : i32
        %sub3A_166 = arith.constant 1 : i32
        %sub3A_167 = arith.subi %add3A_165, %sub3A_166 : i32
        %dma_start3A_168 = arith.constant 0 : i32
        %dma_start3A_169 = tpu.memref_slice %arg9[%sub3A_167, %dma_start3A_168] : memref<80x128xi32, #tpu.memory_space<vmem>> -> memref<1x128xi32, #tpu.memory_space<vmem>>
        %dma_start3A_170 = tpu.memref_squeeze %dma_start3A_169 : memref<1x128xi32, #tpu.memory_space<vmem>> -> memref<128xi32, #tpu.memory_space<vmem>>
        %dma_start3A_171 = arith.constant 0 : i32
        %dma_start3A_172 = arith.constant 0 : i32
        %dma_start3A_173 = tpu.memref_slice %arg2[%dma_start3A_171, %dma_start3A_172] : memref<10240x64xf32, #tpu.memory_space<hbm>> -> memref<10240x64xf32, #tpu.memory_space<hbm>>
        tpu.enqueue_indirect_dma source(%dma_start3A_173 : memref<10240x64xf32, #tpu.memory_space<hbm>>) target(%arg12 : memref<128x64xf32, #tpu.memory_space<vmem>>) offsets(%dma_start3A_170 : memref<128xi32, #tpu.memory_space<vmem>>) semaphore(%arg16 : memref<!tpu.dma_semaphore, #tpu.memory_space<semaphore_mem>>)
      } else {
      }
      %dma_start3A_128 = arith.constant 0 : i32
      %dma_start3A_129 = tpu.memref_slice %arg10[%add3A_107, %dma_start3A_128] : memref<80x128xi32, #tpu.memory_space<vmem>> -> memref<1x128xi32, #tpu.memory_space<vmem>>
      %dma_start3A_130 = tpu.memref_squeeze %dma_start3A_129 : memref<1x128xi32, #tpu.memory_space<vmem>> -> memref<128xi32, #tpu.memory_space<vmem>>
      %dma_start3A_131 = arith.constant 0 : i32
      %dma_start3A_132 = arith.constant 0 : i32
      %dma_start3A_133 = tpu.memref_slice %arg8[%dma_start3A_131, %dma_start3A_132] : memref<10240x64xf32, #tpu.memory_space<vmem_shared>> -> memref<10240x64xf32, #tpu.memory_space<vmem_shared>>
      tpu.enqueue_indirect_dma source(%arg13 : memref<128x64xf32, #tpu.memory_space<vmem>>) target(%dma_start3A_133 : memref<10240x64xf32, #tpu.memory_space<vmem_shared>>) offsets(%dma_start3A_130 : memref<128xi32, #tpu.memory_space<vmem>>) semaphore(%arg21 : memref<!tpu.dma_semaphore, #tpu.memory_space<semaphore_mem>>) {add = true}
      %mul3A_134 = arith.constant 4 : i32
      %mul3A_135 = arith.muli %scan3A_45, %mul3A_134 : i32
      %add3A_136 = arith.constant 3 : i32
      %add3A_137 = arith.addi %mul3A_135, %add3A_136 : i32
      %dma_wait3A_138 = arith.constant 0 : i32
      %dma_wait3A_139 = tpu.memref_slice %arg9[%add3A_137, %dma_wait3A_138] : memref<80x128xi32, #tpu.memory_space<vmem>> -> memref<1x128xi32, #tpu.memory_space<vmem>>
      %dma_wait3A_140 = tpu.memref_squeeze %dma_wait3A_139 : memref<1x128xi32, #tpu.memory_space<vmem>> -> memref<128xi32, #tpu.memory_space<vmem>>
      %dma_wait3A_141 = arith.constant 0 : i32
      %dma_wait3A_142 = arith.constant 0 : i32
      %dma_wait3A_143 = tpu.memref_slice %arg2[%dma_wait3A_141, %dma_wait3A_142] : memref<10240x64xf32, #tpu.memory_space<hbm>> -> memref<10240x64xf32, #tpu.memory_space<hbm>>
      tpu.wait_indirect_dma semaphore(%arg18 : memref<!tpu.dma_semaphore, #tpu.memory_space<semaphore_mem>>) src(%dma_wait3A_143 : memref<10240x64xf32, #tpu.memory_space<hbm>>) dst(%arg14 : memref<128x64xf32, #tpu.memory_space<vmem>>)
      %ge3A_144 = arith.constant 1 : i32
      %ge3A_145 = arith.cmpi sge, %add3A_137, %ge3A_144 : i32
      %convert_element_type3A_146 = arith.extui %ge3A_145 : i1 to i32
      %cond3A_147 = arith.constant 0 : i32
      %cond3A_148 = arith.cmpi ne, %convert_element_type3A_146, %cond3A_147 : i32
      scf.if %cond3A_148 {
        %dma_wait3A_164 = arith.constant 0 : i32
        %dma_wait3A_165 = tpu.memref_slice %arg10[%add3A_137, %dma_wait3A_164] : memref<80x128xi32, #tpu.memory_space<vmem>> -> memref<1x128xi32, #tpu.memory_space<vmem>>
        %dma_wait3A_166 = tpu.memref_squeeze %dma_wait3A_165 : memref<1x128xi32, #tpu.memory_space<vmem>> -> memref<128xi32, #tpu.memory_space<vmem>>
        %dma_wait3A_167 = arith.constant 0 : i32
        %dma_wait3A_168 = arith.constant 0 : i32
        %dma_wait3A_169 = tpu.memref_slice %arg8[%dma_wait3A_167, %dma_wait3A_168] : memref<10240x64xf32, #tpu.memory_space<vmem_shared>> -> memref<10240x64xf32, #tpu.memory_space<vmem_shared>>
        tpu.wait_indirect_dma semaphore(%arg21 : memref<!tpu.dma_semaphore, #tpu.memory_space<semaphore_mem>>) src(%arg13 : memref<128x64xf32, #tpu.memory_space<vmem>>) dst(%dma_wait3A_169 : memref<10240x64xf32, #tpu.memory_space<vmem_shared>>)
      } else {
      }
      %add3A_149 = arith.constant 4 : i32
      %add3A_150 = arith.addi %add3A_137, %add3A_149 : i32
      %sub3A_151 = arith.constant 1 : i32
      %sub3A_152 = arith.subi %add3A_150, %sub3A_151 : i32
      %lt3A_153 = arith.constant 80 : i32
      %lt3A_154 = arith.cmpi slt, %sub3A_152, %lt3A_153 : i32
      %convert_element_type3A_155 = arith.extui %lt3A_154 : i1 to i32
      %cond3A_156 = arith.constant 0 : i32
      %cond3A_157 = arith.cmpi ne, %convert_element_type3A_155, %cond3A_156 : i32
      scf.if %cond3A_157 {
        %add3A_164 = arith.constant 4 : i32
        %add3A_165 = arith.addi %add3A_137, %add3A_164 : i32
        %sub3A_166 = arith.constant 1 : i32
        %sub3A_167 = arith.subi %add3A_165, %sub3A_166 : i32
        %dma_start3A_168 = arith.constant 0 : i32
        %dma_start3A_169 = tpu.memref_slice %arg9[%sub3A_167, %dma_start3A_168] : memref<80x128xi32, #tpu.memory_space<vmem>> -> memref<1x128xi32, #tpu.memory_space<vmem>>
        %dma_start3A_170 = tpu.memref_squeeze %dma_start3A_169 : memref<1x128xi32, #tpu.memory_space<vmem>> -> memref<128xi32, #tpu.memory_space<vmem>>
        %dma_start3A_171 = arith.constant 0 : i32
        %dma_start3A_172 = arith.constant 0 : i32
        %dma_start3A_173 = tpu.memref_slice %arg2[%dma_start3A_171, %dma_start3A_172] : memref<10240x64xf32, #tpu.memory_space<hbm>> -> memref<10240x64xf32, #tpu.memory_space<hbm>>
        tpu.enqueue_indirect_dma source(%dma_start3A_173 : memref<10240x64xf32, #tpu.memory_space<hbm>>) target(%arg13 : memref<128x64xf32, #tpu.memory_space<vmem>>) offsets(%dma_start3A_170 : memref<128xi32, #tpu.memory_space<vmem>>) semaphore(%arg17 : memref<!tpu.dma_semaphore, #tpu.memory_space<semaphore_mem>>)
      } else {
      }
      %dma_start3A_158 = arith.constant 0 : i32
      %dma_start3A_159 = tpu.memref_slice %arg10[%add3A_137, %dma_start3A_158] : memref<80x128xi32, #tpu.memory_space<vmem>> -> memref<1x128xi32, #tpu.memory_space<vmem>>
      %dma_start3A_160 = tpu.memref_squeeze %dma_start3A_159 : memref<1x128xi32, #tpu.memory_space<vmem>> -> memref<128xi32, #tpu.memory_space<vmem>>
      %dma_start3A_161 = arith.constant 0 : i32
      %dma_start3A_162 = arith.constant 0 : i32
      %dma_start3A_163 = tpu.memref_slice %arg8[%dma_start3A_161, %dma_start3A_162] : memref<10240x64xf32, #tpu.memory_space<vmem_shared>> -> memref<10240x64xf32, #tpu.memory_space<vmem_shared>>
      tpu.enqueue_indirect_dma source(%arg14 : memref<128x64xf32, #tpu.memory_space<vmem>>) target(%dma_start3A_163 : memref<10240x64xf32, #tpu.memory_space<vmem_shared>>) offsets(%dma_start3A_160 : memref<128xi32, #tpu.memory_space<vmem>>) semaphore(%arg22 : memref<!tpu.dma_semaphore, #tpu.memory_space<semaphore_mem>>) {add = true}
    }
    %scan3A_33 = arith.constant 20 : i32
    %dma_wait3A = arith.constant 79 : i32
    %dma_wait3A_34 = arith.constant 0 : i32
    %dma_wait3A_35 = tpu.memref_slice %arg10[%dma_wait3A, %dma_wait3A_34] : memref<80x128xi32, #tpu.memory_space<vmem>> -> memref<1x128xi32, #tpu.memory_space<vmem>>
    %dma_wait3A_36 = tpu.memref_squeeze %dma_wait3A_35 : memref<1x128xi32, #tpu.memory_space<vmem>> -> memref<128xi32, #tpu.memory_space<vmem>>
    %dma_wait3A_37 = arith.constant 0 : i32
    %dma_wait3A_38 = arith.constant 0 : i32
    %dma_wait3A_39 = tpu.memref_slice %arg8[%dma_wait3A_37, %dma_wait3A_38] : memref<10240x64xf32, #tpu.memory_space<vmem_shared>> -> memref<10240x64xf32, #tpu.memory_space<vmem_shared>>
    tpu.wait_indirect_dma semaphore(%arg22 : memref<!tpu.dma_semaphore, #tpu.memory_space<semaphore_mem>>) src(%arg14 : memref<128x64xf32, #tpu.memory_space<vmem>>) dst(%dma_wait3A_39 : memref<10240x64xf32, #tpu.memory_space<vmem_shared>>)
    %barrier3A_40 = arith.constant 0 : index
    tpu.barrier barrier_id(%barrier3A_40)
    %mul3A_41 = arith.constant 640 : i32
    %mul3A_42 = arith.muli %arg1, %mul3A_41 : i32
    %mul3A_43 = arith.constant 640 : i32
    %mul3A_44 = arith.muli %arg1, %mul3A_43 : i32
    "tpu.region"() ({
      %run_scoped3A = tpu.sem_alloc : memref<!tpu.dma_semaphore, #tpu.memory_space<semaphore_mem>>
      %dma_start3A_45 = arith.constant 0 : i32
      %dma_start3A_46 = tpu.memref_slice %arg7[%arg0, %mul3A_44, %dma_start3A_45] : memref<2x10240x64xf32, #tpu.memory_space<hbm>> -> memref<1x640x64xf32, #tpu.memory_space<hbm>>
      %dma_start3A_47 = tpu.memref_squeeze %dma_start3A_46 : memref<1x640x64xf32, #tpu.memory_space<hbm>> -> memref<640x64xf32, #tpu.memory_space<hbm>>
      %dma_start3A_48 = arith.constant 0 : i32
      %dma_start3A_49 = tpu.memref_slice %arg8[%mul3A_42, %dma_start3A_48] : memref<10240x64xf32, #tpu.memory_space<vmem_shared>> -> memref<640x64xf32, #tpu.memory_space<vmem_shared>>
      tpu.enqueue_dma source(%dma_start3A_49 : memref<640x64xf32, #tpu.memory_space<vmem_shared>>) target(%dma_start3A_47 : memref<640x64xf32, #tpu.memory_space<hbm>>) target_semaphore(%run_scoped3A : memref<!tpu.dma_semaphore, #tpu.memory_space<semaphore_mem>>)
      %dma_wait3A_50 = arith.constant 0 : i32
      %dma_wait3A_51 = tpu.memref_slice %arg7[%arg0, %mul3A_44, %dma_wait3A_50] : memref<2x10240x64xf32, #tpu.memory_space<hbm>> -> memref<1x640x64xf32, #tpu.memory_space<hbm>>
      %dma_wait3A_52 = tpu.memref_squeeze %dma_wait3A_51 : memref<1x640x64xf32, #tpu.memory_space<hbm>> -> memref<640x64xf32, #tpu.memory_space<hbm>>
      %dma_wait3A_53 = arith.constant 0 : i32
      %dma_wait3A_54 = tpu.memref_slice %arg8[%mul3A_42, %dma_wait3A_53] : memref<10240x64xf32, #tpu.memory_space<vmem_shared>> -> memref<640x64xf32, #tpu.memory_space<vmem_shared>>
      tpu.wait_dma2 semaphore(%run_scoped3A : memref<!tpu.dma_semaphore, #tpu.memory_space<semaphore_mem>>) src(%dma_wait3A_54 : memref<640x64xf32, #tpu.memory_space<vmem_shared>>) dst(%dma_wait3A_52 : memref<640x64xf32, #tpu.memory_space<hbm>>)
      tpu.yield
    }) : () -> ()
    return
  }
}

#map = affine_map<(d0, d1) -> (0, 0, 0)>
#map1 = affine_map<(d0, d1) -> (0, 0)>
module attributes {stable_mosaic.version = 14 : i64} {
  func.func @prop(%arg0: i32, %arg1: i32, %arg2: memref<2x10240x64xf32, #tpu.memory_space<hbm>>, %arg3: memref<2500x128xi32, #tpu.memory_space<hbm>>, %arg4: memref<2500x128xi32, #tpu.memory_space<hbm>>, %arg5: memref<60x128xi32, #tpu.memory_space<hbm>>, %arg6: memref<640x64xf32, #tpu.memory_space<hbm>>, %arg7: memref<2x10240x64xf32, #tpu.memory_space<hbm>>, %arg8: memref<10240x64xf32, #tpu.memory_space<vmem_shared>>, %arg9: memref<160x128xi32, #tpu.memory_space<vmem>>, %arg10: memref<160x128xi32, #tpu.memory_space<vmem>>, %arg11: memref<128x64xf32, #tpu.memory_space<vmem>>, %arg12: memref<128x64xf32, #tpu.memory_space<vmem>>, %arg13: memref<128x64xf32, #tpu.memory_space<vmem>>, %arg14: memref<128x64xf32, #tpu.memory_space<vmem>>, %arg15: memref<!tpu.dma_semaphore, #tpu.memory_space<semaphore_mem>>, %arg16: memref<!tpu.dma_semaphore, #tpu.memory_space<semaphore_mem>>, %arg17: memref<!tpu.dma_semaphore, #tpu.memory_space<semaphore_mem>>, %arg18: memref<!tpu.dma_semaphore, #tpu.memory_space<semaphore_mem>>, %arg19: memref<!tpu.dma_semaphore, #tpu.memory_space<semaphore_mem>>, %arg20: memref<!tpu.dma_semaphore, #tpu.memory_space<semaphore_mem>>, %arg21: memref<!tpu.dma_semaphore, #tpu.memory_space<semaphore_mem>>, %arg22: memref<!tpu.dma_semaphore, #tpu.memory_space<semaphore_mem>>) attributes {dimension_semantics = [#tpu.dimension_semantics<core_parallel>, #tpu.dimension_semantics<subcore_parallel>], iteration_bounds = array<i64: 2, 16>, scalar_prefetch = 0 : i64, scratch_operands = 15 : i64, tpu.core_type = #tpu.core_type<sc_vector_subcore>, window_params = [{transform_indices = #map}, {transform_indices = #map1}, {transform_indices = #map1}, {transform_indices = #map1}, {transform_indices = #map1}, {transform_indices = #map}]} {
    %lt3A = arith.constant 15 : i32
    %lt3A_0 = arith.cmpi slt, %arg1, %lt3A : i32
    %convert_element_type3A = arith.extui %lt3A_0 : i1 to i32
    %cond3A = arith.constant 0 : i32
    %cond3A_1 = arith.cmpi ne, %convert_element_type3A, %cond3A : i32
    scf.if %cond3A_1 {
      %mul3A_55 = arith.constant 160 : i32
      %mul3A_56 = arith.muli %arg1, %mul3A_55 : i32
      "tpu.region"() ({
        %run_scoped3A = tpu.sem_alloc : memref<!tpu.dma_semaphore, #tpu.memory_space<semaphore_mem>>
        %dma_start3A_59 = arith.constant 0 : i32
        %dma_start3A_60 = tpu.memref_slice %arg3[%mul3A_56, %dma_start3A_59] : memref<2500x128xi32, #tpu.memory_space<hbm>> -> memref<160x128xi32, #tpu.memory_space<hbm>>
        %dma_start3A_61 = arith.constant 0 : i32
        %dma_start3A_62 = tpu.memref_slice %arg3[%mul3A_56, %dma_start3A_61] : memref<2500x128xi32, #tpu.memory_space<hbm>> -> memref<160x128xi32, #tpu.memory_space<hbm>>
        tpu.enqueue_dma source(%dma_start3A_62 : memref<160x128xi32, #tpu.memory_space<hbm>>) target(%arg9 : memref<160x128xi32, #tpu.memory_space<vmem>>) target_semaphore(%run_scoped3A : memref<!tpu.dma_semaphore, #tpu.memory_space<semaphore_mem>>)
        %dma_wait3A_63 = arith.constant 0 : i32
        %dma_wait3A_64 = tpu.memref_slice %arg3[%mul3A_56, %dma_wait3A_63] : memref<2500x128xi32, #tpu.memory_space<hbm>> -> memref<160x128xi32, #tpu.memory_space<hbm>>
        %dma_wait3A_65 = arith.constant 0 : i32
        %dma_wait3A_66 = tpu.memref_slice %arg3[%mul3A_56, %dma_wait3A_65] : memref<2500x128xi32, #tpu.memory_space<hbm>> -> memref<160x128xi32, #tpu.memory_space<hbm>>
        tpu.wait_dma2 semaphore(%run_scoped3A : memref<!tpu.dma_semaphore, #tpu.memory_space<semaphore_mem>>) src(%dma_wait3A_66 : memref<160x128xi32, #tpu.memory_space<hbm>>) dst(%arg9 : memref<160x128xi32, #tpu.memory_space<vmem>>)
        tpu.yield
      }) : () -> ()
      %mul3A_57 = arith.constant 160 : i32
      %mul3A_58 = arith.muli %arg1, %mul3A_57 : i32
      "tpu.region"() ({
        %run_scoped3A = tpu.sem_alloc : memref<!tpu.dma_semaphore, #tpu.memory_space<semaphore_mem>>
        %dma_start3A_59 = arith.constant 0 : i32
        %dma_start3A_60 = tpu.memref_slice %arg4[%mul3A_58, %dma_start3A_59] : memref<2500x128xi32, #tpu.memory_space<hbm>> -> memref<160x128xi32, #tpu.memory_space<hbm>>
        %dma_start3A_61 = arith.constant 0 : i32
        %dma_start3A_62 = tpu.memref_slice %arg4[%mul3A_58, %dma_start3A_61] : memref<2500x128xi32, #tpu.memory_space<hbm>> -> memref<160x128xi32, #tpu.memory_space<hbm>>
        tpu.enqueue_dma source(%dma_start3A_62 : memref<160x128xi32, #tpu.memory_space<hbm>>) target(%arg10 : memref<160x128xi32, #tpu.memory_space<vmem>>) target_semaphore(%run_scoped3A : memref<!tpu.dma_semaphore, #tpu.memory_space<semaphore_mem>>)
        %dma_wait3A_63 = arith.constant 0 : i32
        %dma_wait3A_64 = tpu.memref_slice %arg4[%mul3A_58, %dma_wait3A_63] : memref<2500x128xi32, #tpu.memory_space<hbm>> -> memref<160x128xi32, #tpu.memory_space<hbm>>
        %dma_wait3A_65 = arith.constant 0 : i32
        %dma_wait3A_66 = tpu.memref_slice %arg4[%mul3A_58, %dma_wait3A_65] : memref<2500x128xi32, #tpu.memory_space<hbm>> -> memref<160x128xi32, #tpu.memory_space<hbm>>
        tpu.wait_dma2 semaphore(%run_scoped3A : memref<!tpu.dma_semaphore, #tpu.memory_space<semaphore_mem>>) src(%dma_wait3A_66 : memref<160x128xi32, #tpu.memory_space<hbm>>) dst(%arg10 : memref<160x128xi32, #tpu.memory_space<vmem>>)
        tpu.yield
      }) : () -> ()
    } else {
    }
    %eq3A = arith.constant 15 : i32
    %eq3A_2 = arith.cmpi eq, %arg1, %eq3A : i32
    %convert_element_type3A_3 = arith.extui %eq3A_2 : i1 to i32
    %cond3A_4 = arith.constant 0 : i32
    %cond3A_5 = arith.cmpi ne, %convert_element_type3A_3, %cond3A_4 : i32
    scf.if %cond3A_5 {
      "tpu.region"() ({
        %run_scoped3A = tpu.sem_alloc : memref<!tpu.dma_semaphore, #tpu.memory_space<semaphore_mem>>
        %dma_start3A_55 = arith.constant 0 : i32
        %dma_start3A_56 = arith.constant 0 : i32
        %dma_start3A_57 = tpu.memref_slice %arg9[%dma_start3A_55, %dma_start3A_56] : memref<160x128xi32, #tpu.memory_space<vmem>> -> memref<100x128xi32, #tpu.memory_space<vmem>>
        %dma_start3A_58 = arith.constant 2400 : i32
        %dma_start3A_59 = arith.constant 0 : i32
        %dma_start3A_60 = tpu.memref_slice %arg3[%dma_start3A_58, %dma_start3A_59] : memref<2500x128xi32, #tpu.memory_space<hbm>> -> memref<100x128xi32, #tpu.memory_space<hbm>>
        %dma_start3A_61 = arith.constant 0 : i32
        %dma_start3A_62 = arith.constant 0 : i32
        %dma_start3A_63 = tpu.memref_slice %arg9[%dma_start3A_61, %dma_start3A_62] : memref<160x128xi32, #tpu.memory_space<vmem>> -> memref<100x128xi32, #tpu.memory_space<vmem>>
        %dma_start3A_64 = arith.constant 2400 : i32
        %dma_start3A_65 = arith.constant 0 : i32
        %dma_start3A_66 = tpu.memref_slice %arg3[%dma_start3A_64, %dma_start3A_65] : memref<2500x128xi32, #tpu.memory_space<hbm>> -> memref<100x128xi32, #tpu.memory_space<hbm>>
        tpu.enqueue_dma source(%dma_start3A_66 : memref<100x128xi32, #tpu.memory_space<hbm>>) target(%dma_start3A_63 : memref<100x128xi32, #tpu.memory_space<vmem>>) target_semaphore(%run_scoped3A : memref<!tpu.dma_semaphore, #tpu.memory_space<semaphore_mem>>)
        %dma_wait3A_67 = arith.constant 0 : i32
        %dma_wait3A_68 = arith.constant 0 : i32
        %dma_wait3A_69 = tpu.memref_slice %arg9[%dma_wait3A_67, %dma_wait3A_68] : memref<160x128xi32, #tpu.memory_space<vmem>> -> memref<100x128xi32, #tpu.memory_space<vmem>>
        %dma_wait3A_70 = arith.constant 2400 : i32
        %dma_wait3A_71 = arith.constant 0 : i32
        %dma_wait3A_72 = tpu.memref_slice %arg3[%dma_wait3A_70, %dma_wait3A_71] : memref<2500x128xi32, #tpu.memory_space<hbm>> -> memref<100x128xi32, #tpu.memory_space<hbm>>
        %dma_wait3A_73 = arith.constant 0 : i32
        %dma_wait3A_74 = arith.constant 0 : i32
        %dma_wait3A_75 = tpu.memref_slice %arg9[%dma_wait3A_73, %dma_wait3A_74] : memref<160x128xi32, #tpu.memory_space<vmem>> -> memref<100x128xi32, #tpu.memory_space<vmem>>
        %dma_wait3A_76 = arith.constant 2400 : i32
        %dma_wait3A_77 = arith.constant 0 : i32
        %dma_wait3A_78 = tpu.memref_slice %arg3[%dma_wait3A_76, %dma_wait3A_77] : memref<2500x128xi32, #tpu.memory_space<hbm>> -> memref<100x128xi32, #tpu.memory_space<hbm>>
        tpu.wait_dma2 semaphore(%run_scoped3A : memref<!tpu.dma_semaphore, #tpu.memory_space<semaphore_mem>>) src(%dma_wait3A_78 : memref<100x128xi32, #tpu.memory_space<hbm>>) dst(%dma_wait3A_75 : memref<100x128xi32, #tpu.memory_space<vmem>>)
        tpu.yield
      }) : () -> ()
      "tpu.region"() ({
        %run_scoped3A = tpu.sem_alloc : memref<!tpu.dma_semaphore, #tpu.memory_space<semaphore_mem>>
        %dma_start3A_55 = arith.constant 100 : i32
        %dma_start3A_56 = arith.constant 0 : i32
        %dma_start3A_57 = tpu.memref_slice %arg9[%dma_start3A_55, %dma_start3A_56] : memref<160x128xi32, #tpu.memory_space<vmem>> -> memref<60x128xi32, #tpu.memory_space<vmem>>
        %dma_start3A_58 = arith.constant 100 : i32
        %dma_start3A_59 = arith.constant 0 : i32
        %dma_start3A_60 = tpu.memref_slice %arg9[%dma_start3A_58, %dma_start3A_59] : memref<160x128xi32, #tpu.memory_space<vmem>> -> memref<60x128xi32, #tpu.memory_space<vmem>>
        tpu.enqueue_dma source(%arg5 : memref<60x128xi32, #tpu.memory_space<hbm>>) target(%dma_start3A_60 : memref<60x128xi32, #tpu.memory_space<vmem>>) target_semaphore(%run_scoped3A : memref<!tpu.dma_semaphore, #tpu.memory_space<semaphore_mem>>)
        %dma_wait3A_61 = arith.constant 100 : i32
        %dma_wait3A_62 = arith.constant 0 : i32
        %dma_wait3A_63 = tpu.memref_slice %arg9[%dma_wait3A_61, %dma_wait3A_62] : memref<160x128xi32, #tpu.memory_space<vmem>> -> memref<60x128xi32, #tpu.memory_space<vmem>>
        %dma_wait3A_64 = arith.constant 100 : i32
        %dma_wait3A_65 = arith.constant 0 : i32
        %dma_wait3A_66 = tpu.memref_slice %arg9[%dma_wait3A_64, %dma_wait3A_65] : memref<160x128xi32, #tpu.memory_space<vmem>> -> memref<60x128xi32, #tpu.memory_space<vmem>>
        tpu.wait_dma2 semaphore(%run_scoped3A : memref<!tpu.dma_semaphore, #tpu.memory_space<semaphore_mem>>) src(%arg5 : memref<60x128xi32, #tpu.memory_space<hbm>>) dst(%dma_wait3A_66 : memref<60x128xi32, #tpu.memory_space<vmem>>)
        tpu.yield
      }) : () -> ()
      "tpu.region"() ({
        %run_scoped3A = tpu.sem_alloc : memref<!tpu.dma_semaphore, #tpu.memory_space<semaphore_mem>>
        %dma_start3A_55 = arith.constant 0 : i32
        %dma_start3A_56 = arith.constant 0 : i32
        %dma_start3A_57 = tpu.memref_slice %arg10[%dma_start3A_55, %dma_start3A_56] : memref<160x128xi32, #tpu.memory_space<vmem>> -> memref<100x128xi32, #tpu.memory_space<vmem>>
        %dma_start3A_58 = arith.constant 2400 : i32
        %dma_start3A_59 = arith.constant 0 : i32
        %dma_start3A_60 = tpu.memref_slice %arg4[%dma_start3A_58, %dma_start3A_59] : memref<2500x128xi32, #tpu.memory_space<hbm>> -> memref<100x128xi32, #tpu.memory_space<hbm>>
        %dma_start3A_61 = arith.constant 0 : i32
        %dma_start3A_62 = arith.constant 0 : i32
        %dma_start3A_63 = tpu.memref_slice %arg10[%dma_start3A_61, %dma_start3A_62] : memref<160x128xi32, #tpu.memory_space<vmem>> -> memref<100x128xi32, #tpu.memory_space<vmem>>
        %dma_start3A_64 = arith.constant 2400 : i32
        %dma_start3A_65 = arith.constant 0 : i32
        %dma_start3A_66 = tpu.memref_slice %arg4[%dma_start3A_64, %dma_start3A_65] : memref<2500x128xi32, #tpu.memory_space<hbm>> -> memref<100x128xi32, #tpu.memory_space<hbm>>
        tpu.enqueue_dma source(%dma_start3A_66 : memref<100x128xi32, #tpu.memory_space<hbm>>) target(%dma_start3A_63 : memref<100x128xi32, #tpu.memory_space<vmem>>) target_semaphore(%run_scoped3A : memref<!tpu.dma_semaphore, #tpu.memory_space<semaphore_mem>>)
        %dma_wait3A_67 = arith.constant 0 : i32
        %dma_wait3A_68 = arith.constant 0 : i32
        %dma_wait3A_69 = tpu.memref_slice %arg10[%dma_wait3A_67, %dma_wait3A_68] : memref<160x128xi32, #tpu.memory_space<vmem>> -> memref<100x128xi32, #tpu.memory_space<vmem>>
        %dma_wait3A_70 = arith.constant 2400 : i32
        %dma_wait3A_71 = arith.constant 0 : i32
        %dma_wait3A_72 = tpu.memref_slice %arg4[%dma_wait3A_70, %dma_wait3A_71] : memref<2500x128xi32, #tpu.memory_space<hbm>> -> memref<100x128xi32, #tpu.memory_space<hbm>>
        %dma_wait3A_73 = arith.constant 0 : i32
        %dma_wait3A_74 = arith.constant 0 : i32
        %dma_wait3A_75 = tpu.memref_slice %arg10[%dma_wait3A_73, %dma_wait3A_74] : memref<160x128xi32, #tpu.memory_space<vmem>> -> memref<100x128xi32, #tpu.memory_space<vmem>>
        %dma_wait3A_76 = arith.constant 2400 : i32
        %dma_wait3A_77 = arith.constant 0 : i32
        %dma_wait3A_78 = tpu.memref_slice %arg4[%dma_wait3A_76, %dma_wait3A_77] : memref<2500x128xi32, #tpu.memory_space<hbm>> -> memref<100x128xi32, #tpu.memory_space<hbm>>
        tpu.wait_dma2 semaphore(%run_scoped3A : memref<!tpu.dma_semaphore, #tpu.memory_space<semaphore_mem>>) src(%dma_wait3A_78 : memref<100x128xi32, #tpu.memory_space<hbm>>) dst(%dma_wait3A_75 : memref<100x128xi32, #tpu.memory_space<vmem>>)
        tpu.yield
      }) : () -> ()
      "tpu.region"() ({
        %run_scoped3A = tpu.sem_alloc : memref<!tpu.dma_semaphore, #tpu.memory_space<semaphore_mem>>
        %dma_start3A_55 = arith.constant 100 : i32
        %dma_start3A_56 = arith.constant 0 : i32
        %dma_start3A_57 = tpu.memref_slice %arg10[%dma_start3A_55, %dma_start3A_56] : memref<160x128xi32, #tpu.memory_space<vmem>> -> memref<60x128xi32, #tpu.memory_space<vmem>>
        %dma_start3A_58 = arith.constant 100 : i32
        %dma_start3A_59 = arith.constant 0 : i32
        %dma_start3A_60 = tpu.memref_slice %arg10[%dma_start3A_58, %dma_start3A_59] : memref<160x128xi32, #tpu.memory_space<vmem>> -> memref<60x128xi32, #tpu.memory_space<vmem>>
        tpu.enqueue_dma source(%arg5 : memref<60x128xi32, #tpu.memory_space<hbm>>) target(%dma_start3A_60 : memref<60x128xi32, #tpu.memory_space<vmem>>) target_semaphore(%run_scoped3A : memref<!tpu.dma_semaphore, #tpu.memory_space<semaphore_mem>>)
        %dma_wait3A_61 = arith.constant 100 : i32
        %dma_wait3A_62 = arith.constant 0 : i32
        %dma_wait3A_63 = tpu.memref_slice %arg10[%dma_wait3A_61, %dma_wait3A_62] : memref<160x128xi32, #tpu.memory_space<vmem>> -> memref<60x128xi32, #tpu.memory_space<vmem>>
        %dma_wait3A_64 = arith.constant 100 : i32
        %dma_wait3A_65 = arith.constant 0 : i32
        %dma_wait3A_66 = tpu.memref_slice %arg10[%dma_wait3A_64, %dma_wait3A_65] : memref<160x128xi32, #tpu.memory_space<vmem>> -> memref<60x128xi32, #tpu.memory_space<vmem>>
        tpu.wait_dma2 semaphore(%run_scoped3A : memref<!tpu.dma_semaphore, #tpu.memory_space<semaphore_mem>>) src(%arg5 : memref<60x128xi32, #tpu.memory_space<hbm>>) dst(%dma_wait3A_66 : memref<60x128xi32, #tpu.memory_space<vmem>>)
        tpu.yield
      }) : () -> ()
    } else {
    }
    %mul3A = arith.constant 640 : i32
    %mul3A_6 = arith.muli %arg1, %mul3A : i32
    "tpu.region"() ({
      %run_scoped3A = tpu.sem_alloc : memref<!tpu.dma_semaphore, #tpu.memory_space<semaphore_mem>>
      %dma_start3A_55 = arith.constant 0 : i32
      %dma_start3A_56 = tpu.memref_slice %arg8[%mul3A_6, %dma_start3A_55] : memref<10240x64xf32, #tpu.memory_space<vmem_shared>> -> memref<640x64xf32, #tpu.memory_space<vmem_shared>>
      tpu.enqueue_dma source(%arg6 : memref<640x64xf32, #tpu.memory_space<hbm>>) target(%dma_start3A_56 : memref<640x64xf32, #tpu.memory_space<vmem_shared>>) target_semaphore(%run_scoped3A : memref<!tpu.dma_semaphore, #tpu.memory_space<semaphore_mem>>)
      %dma_wait3A_57 = arith.constant 0 : i32
      %dma_wait3A_58 = tpu.memref_slice %arg8[%mul3A_6, %dma_wait3A_57] : memref<10240x64xf32, #tpu.memory_space<vmem_shared>> -> memref<640x64xf32, #tpu.memory_space<vmem_shared>>
      tpu.wait_dma2 semaphore(%run_scoped3A : memref<!tpu.dma_semaphore, #tpu.memory_space<semaphore_mem>>) src(%arg6 : memref<640x64xf32, #tpu.memory_space<hbm>>) dst(%dma_wait3A_58 : memref<640x64xf32, #tpu.memory_space<vmem_shared>>)
      tpu.yield
    }) : () -> ()
    %barrier3A = arith.constant 0 : index
    tpu.barrier barrier_id(%barrier3A)
    %dma_start3A = arith.constant 0 : i32
    %dma_start3A_7 = arith.constant 0 : i32
    %dma_start3A_8 = tpu.memref_slice %arg9[%dma_start3A, %dma_start3A_7] : memref<160x128xi32, #tpu.memory_space<vmem>> -> memref<1x128xi32, #tpu.memory_space<vmem>>
    %dma_start3A_9 = tpu.memref_squeeze %dma_start3A_8 : memref<1x128xi32, #tpu.memory_space<vmem>> -> memref<128xi32, #tpu.memory_space<vmem>>
    %dma_start3A_10 = arith.constant 0 : i32
    %dma_start3A_11 = arith.constant 0 : i32
    %dma_start3A_12 = tpu.memref_slice %arg2[%arg0, %dma_start3A_10, %dma_start3A_11] : memref<2x10240x64xf32, #tpu.memory_space<hbm>> -> memref<1x10240x64xf32, #tpu.memory_space<hbm>>
    %dma_start3A_13 = tpu.memref_squeeze %dma_start3A_12 : memref<1x10240x64xf32, #tpu.memory_space<hbm>> -> memref<10240x64xf32, #tpu.memory_space<hbm>>
    %dma_start3A_14 = arith.constant 0 : i32
    %dma_start3A_15 = arith.constant 0 : i32
    %dma_start3A_16 = tpu.memref_slice %dma_start3A_13[%dma_start3A_14, %dma_start3A_15] : memref<10240x64xf32, #tpu.memory_space<hbm>> -> memref<10240x64xf32, #tpu.memory_space<hbm>>
    tpu.enqueue_indirect_dma source(%dma_start3A_16 : memref<10240x64xf32, #tpu.memory_space<hbm>>) target(%arg11 : memref<128x64xf32, #tpu.memory_space<vmem>>) offsets(%dma_start3A_9 : memref<128xi32, #tpu.memory_space<vmem>>) semaphore(%arg15 : memref<!tpu.dma_semaphore, #tpu.memory_space<semaphore_mem>>)
    %dma_start3A_17 = arith.constant 1 : i32
    %dma_start3A_18 = arith.constant 0 : i32
    %dma_start3A_19 = tpu.memref_slice %arg9[%dma_start3A_17, %dma_start3A_18] : memref<160x128xi32, #tpu.memory_space<vmem>> -> memref<1x128xi32, #tpu.memory_space<vmem>>
    %dma_start3A_20 = tpu.memref_squeeze %dma_start3A_19 : memref<1x128xi32, #tpu.memory_space<vmem>> -> memref<128xi32, #tpu.memory_space<vmem>>
    %dma_start3A_21 = arith.constant 0 : i32
    %dma_start3A_22 = arith.constant 0 : i32
    %dma_start3A_23 = tpu.memref_slice %arg2[%arg0, %dma_start3A_21, %dma_start3A_22] : memref<2x10240x64xf32, #tpu.memory_space<hbm>> -> memref<1x10240x64xf32, #tpu.memory_space<hbm>>
    %dma_start3A_24 = tpu.memref_squeeze %dma_start3A_23 : memref<1x10240x64xf32, #tpu.memory_space<hbm>> -> memref<10240x64xf32, #tpu.memory_space<hbm>>
    %dma_start3A_25 = arith.constant 0 : i32
    %dma_start3A_26 = arith.constant 0 : i32
    %dma_start3A_27 = tpu.memref_slice %dma_start3A_24[%dma_start3A_25, %dma_start3A_26] : memref<10240x64xf32, #tpu.memory_space<hbm>> -> memref<10240x64xf32, #tpu.memory_space<hbm>>
    tpu.enqueue_indirect_dma source(%dma_start3A_27 : memref<10240x64xf32, #tpu.memory_space<hbm>>) target(%arg12 : memref<128x64xf32, #tpu.memory_space<vmem>>) offsets(%dma_start3A_20 : memref<128xi32, #tpu.memory_space<vmem>>) semaphore(%arg16 : memref<!tpu.dma_semaphore, #tpu.memory_space<semaphore_mem>>)
    %dma_start3A_28 = arith.constant 2 : i32
    %dma_start3A_29 = arith.constant 0 : i32
    %dma_start3A_30 = tpu.memref_slice %arg9[%dma_start3A_28, %dma_start3A_29] : memref<160x128xi32, #tpu.memory_space<vmem>> -> memref<1x128xi32, #tpu.memory_space<vmem>>
    %dma_start3A_31 = tpu.memref_squeeze %dma_start3A_30 : memref<1x128xi32, #tpu.memory_space<vmem>> -> memref<128xi32, #tpu.memory_space<vmem>>
    %dma_start3A_32 = arith.constant 0 : i32
    %dma_start3A_33 = arith.constant 0 : i32
    %dma_start3A_34 = tpu.memref_slice %arg2[%arg0, %dma_start3A_32, %dma_start3A_33] : memref<2x10240x64xf32, #tpu.memory_space<hbm>> -> memref<1x10240x64xf32, #tpu.memory_space<hbm>>
    %dma_start3A_35 = tpu.memref_squeeze %dma_start3A_34 : memref<1x10240x64xf32, #tpu.memory_space<hbm>> -> memref<10240x64xf32, #tpu.memory_space<hbm>>
    %dma_start3A_36 = arith.constant 0 : i32
    %dma_start3A_37 = arith.constant 0 : i32
    %dma_start3A_38 = tpu.memref_slice %dma_start3A_35[%dma_start3A_36, %dma_start3A_37] : memref<10240x64xf32, #tpu.memory_space<hbm>> -> memref<10240x64xf32, #tpu.memory_space<hbm>>
    tpu.enqueue_indirect_dma source(%dma_start3A_38 : memref<10240x64xf32, #tpu.memory_space<hbm>>) target(%arg13 : memref<128x64xf32, #tpu.memory_space<vmem>>) offsets(%dma_start3A_31 : memref<128xi32, #tpu.memory_space<vmem>>) semaphore(%arg17 : memref<!tpu.dma_semaphore, #tpu.memory_space<semaphore_mem>>)
    %scan3A = arith.constant 0 : i32
    %scan3A_39 = arith.constant 0 : i32
    %scan3A_40 = arith.constant 40 : i32
    %scan3A_41 = arith.addi %scan3A_39, %scan3A_40 : i32
    %scan3A_42 = arith.constant 1 : i32
    scf.for %scan3A_55 = %scan3A_39 to %scan3A_41 step %scan3A_42  : i32 {
      %mul3A_56 = arith.constant 4 : i32
      %mul3A_57 = arith.muli %scan3A_55, %mul3A_56 : i32
      %add3A = arith.constant 0 : i32
      %add3A_58 = arith.addi %mul3A_57, %add3A : i32
      %dma_wait3A_59 = arith.constant 0 : i32
      %dma_wait3A_60 = tpu.memref_slice %arg9[%add3A_58, %dma_wait3A_59] : memref<160x128xi32, #tpu.memory_space<vmem>> -> memref<1x128xi32, #tpu.memory_space<vmem>>
      %dma_wait3A_61 = tpu.memref_squeeze %dma_wait3A_60 : memref<1x128xi32, #tpu.memory_space<vmem>> -> memref<128xi32, #tpu.memory_space<vmem>>
      %dma_wait3A_62 = arith.constant 0 : i32
      %dma_wait3A_63 = arith.constant 0 : i32
      %dma_wait3A_64 = tpu.memref_slice %arg2[%arg0, %dma_wait3A_62, %dma_wait3A_63] : memref<2x10240x64xf32, #tpu.memory_space<hbm>> -> memref<1x10240x64xf32, #tpu.memory_space<hbm>>
      %dma_wait3A_65 = tpu.memref_squeeze %dma_wait3A_64 : memref<1x10240x64xf32, #tpu.memory_space<hbm>> -> memref<10240x64xf32, #tpu.memory_space<hbm>>
      %dma_wait3A_66 = arith.constant 0 : i32
      %dma_wait3A_67 = arith.constant 0 : i32
      %dma_wait3A_68 = tpu.memref_slice %dma_wait3A_65[%dma_wait3A_66, %dma_wait3A_67] : memref<10240x64xf32, #tpu.memory_space<hbm>> -> memref<10240x64xf32, #tpu.memory_space<hbm>>
      tpu.wait_indirect_dma semaphore(%arg15 : memref<!tpu.dma_semaphore, #tpu.memory_space<semaphore_mem>>) src(%dma_wait3A_68 : memref<10240x64xf32, #tpu.memory_space<hbm>>) dst(%arg11 : memref<128x64xf32, #tpu.memory_space<vmem>>)
      %ge3A = arith.constant 1 : i32
      %ge3A_69 = arith.cmpi sge, %add3A_58, %ge3A : i32
      %convert_element_type3A_70 = arith.extui %ge3A_69 : i1 to i32
      %cond3A_71 = arith.constant 0 : i32
      %cond3A_72 = arith.cmpi ne, %convert_element_type3A_70, %cond3A_71 : i32
      scf.if %cond3A_72 {
        %dma_wait3A_189 = arith.constant 0 : i32
        %dma_wait3A_190 = tpu.memref_slice %arg10[%add3A_58, %dma_wait3A_189] : memref<160x128xi32, #tpu.memory_space<vmem>> -> memref<1x128xi32, #tpu.memory_space<vmem>>
        %dma_wait3A_191 = tpu.memref_squeeze %dma_wait3A_190 : memref<1x128xi32, #tpu.memory_space<vmem>> -> memref<128xi32, #tpu.memory_space<vmem>>
        %dma_wait3A_192 = arith.constant 0 : i32
        %dma_wait3A_193 = arith.constant 0 : i32
        %dma_wait3A_194 = tpu.memref_slice %arg8[%dma_wait3A_192, %dma_wait3A_193] : memref<10240x64xf32, #tpu.memory_space<vmem_shared>> -> memref<10240x64xf32, #tpu.memory_space<vmem_shared>>
        tpu.wait_indirect_dma semaphore(%arg22 : memref<!tpu.dma_semaphore, #tpu.memory_space<semaphore_mem>>) src(%arg14 : memref<128x64xf32, #tpu.memory_space<vmem>>) dst(%dma_wait3A_194 : memref<10240x64xf32, #tpu.memory_space<vmem_shared>>)
      } else {
      }
      %add3A_73 = arith.constant 4 : i32
      %add3A_74 = arith.addi %add3A_58, %add3A_73 : i32
      %sub3A = arith.constant 1 : i32
      %sub3A_75 = arith.subi %add3A_74, %sub3A : i32
      %lt3A_76 = arith.constant 160 : i32
      %lt3A_77 = arith.cmpi slt, %sub3A_75, %lt3A_76 : i32
      %convert_element_type3A_78 = arith.extui %lt3A_77 : i1 to i32
      %cond3A_79 = arith.constant 0 : i32
      %cond3A_80 = arith.cmpi ne, %convert_element_type3A_78, %cond3A_79 : i32
      scf.if %cond3A_80 {
        %add3A_189 = arith.constant 4 : i32
        %add3A_190 = arith.addi %add3A_58, %add3A_189 : i32
        %sub3A_191 = arith.constant 1 : i32
        %sub3A_192 = arith.subi %add3A_190, %sub3A_191 : i32
        %dma_start3A_193 = arith.constant 0 : i32
        %dma_start3A_194 = tpu.memref_slice %arg9[%sub3A_192, %dma_start3A_193] : memref<160x128xi32, #tpu.memory_space<vmem>> -> memref<1x128xi32, #tpu.memory_space<vmem>>
        %dma_start3A_195 = tpu.memref_squeeze %dma_start3A_194 : memref<1x128xi32, #tpu.memory_space<vmem>> -> memref<128xi32, #tpu.memory_space<vmem>>
        %dma_start3A_196 = arith.constant 0 : i32
        %dma_start3A_197 = arith.constant 0 : i32
        %dma_start3A_198 = tpu.memref_slice %arg2[%arg0, %dma_start3A_196, %dma_start3A_197] : memref<2x10240x64xf32, #tpu.memory_space<hbm>> -> memref<1x10240x64xf32, #tpu.memory_space<hbm>>
        %dma_start3A_199 = tpu.memref_squeeze %dma_start3A_198 : memref<1x10240x64xf32, #tpu.memory_space<hbm>> -> memref<10240x64xf32, #tpu.memory_space<hbm>>
        %dma_start3A_200 = arith.constant 0 : i32
        %dma_start3A_201 = arith.constant 0 : i32
        %dma_start3A_202 = tpu.memref_slice %dma_start3A_199[%dma_start3A_200, %dma_start3A_201] : memref<10240x64xf32, #tpu.memory_space<hbm>> -> memref<10240x64xf32, #tpu.memory_space<hbm>>
        tpu.enqueue_indirect_dma source(%dma_start3A_202 : memref<10240x64xf32, #tpu.memory_space<hbm>>) target(%arg14 : memref<128x64xf32, #tpu.memory_space<vmem>>) offsets(%dma_start3A_195 : memref<128xi32, #tpu.memory_space<vmem>>) semaphore(%arg18 : memref<!tpu.dma_semaphore, #tpu.memory_space<semaphore_mem>>)
      } else {
      }
      %dma_start3A_81 = arith.constant 0 : i32
      %dma_start3A_82 = tpu.memref_slice %arg10[%add3A_58, %dma_start3A_81] : memref<160x128xi32, #tpu.memory_space<vmem>> -> memref<1x128xi32, #tpu.memory_space<vmem>>
      %dma_start3A_83 = tpu.memref_squeeze %dma_start3A_82 : memref<1x128xi32, #tpu.memory_space<vmem>> -> memref<128xi32, #tpu.memory_space<vmem>>
      %dma_start3A_84 = arith.constant 0 : i32
      %dma_start3A_85 = arith.constant 0 : i32
      %dma_start3A_86 = tpu.memref_slice %arg8[%dma_start3A_84, %dma_start3A_85] : memref<10240x64xf32, #tpu.memory_space<vmem_shared>> -> memref<10240x64xf32, #tpu.memory_space<vmem_shared>>
      tpu.enqueue_indirect_dma source(%arg11 : memref<128x64xf32, #tpu.memory_space<vmem>>) target(%dma_start3A_86 : memref<10240x64xf32, #tpu.memory_space<vmem_shared>>) offsets(%dma_start3A_83 : memref<128xi32, #tpu.memory_space<vmem>>) semaphore(%arg19 : memref<!tpu.dma_semaphore, #tpu.memory_space<semaphore_mem>>) {add = true}
      %mul3A_87 = arith.constant 4 : i32
      %mul3A_88 = arith.muli %scan3A_55, %mul3A_87 : i32
      %add3A_89 = arith.constant 1 : i32
      %add3A_90 = arith.addi %mul3A_88, %add3A_89 : i32
      %dma_wait3A_91 = arith.constant 0 : i32
      %dma_wait3A_92 = tpu.memref_slice %arg9[%add3A_90, %dma_wait3A_91] : memref<160x128xi32, #tpu.memory_space<vmem>> -> memref<1x128xi32, #tpu.memory_space<vmem>>
      %dma_wait3A_93 = tpu.memref_squeeze %dma_wait3A_92 : memref<1x128xi32, #tpu.memory_space<vmem>> -> memref<128xi32, #tpu.memory_space<vmem>>
      %dma_wait3A_94 = arith.constant 0 : i32
      %dma_wait3A_95 = arith.constant 0 : i32
      %dma_wait3A_96 = tpu.memref_slice %arg2[%arg0, %dma_wait3A_94, %dma_wait3A_95] : memref<2x10240x64xf32, #tpu.memory_space<hbm>> -> memref<1x10240x64xf32, #tpu.memory_space<hbm>>
      %dma_wait3A_97 = tpu.memref_squeeze %dma_wait3A_96 : memref<1x10240x64xf32, #tpu.memory_space<hbm>> -> memref<10240x64xf32, #tpu.memory_space<hbm>>
      %dma_wait3A_98 = arith.constant 0 : i32
      %dma_wait3A_99 = arith.constant 0 : i32
      %dma_wait3A_100 = tpu.memref_slice %dma_wait3A_97[%dma_wait3A_98, %dma_wait3A_99] : memref<10240x64xf32, #tpu.memory_space<hbm>> -> memref<10240x64xf32, #tpu.memory_space<hbm>>
      tpu.wait_indirect_dma semaphore(%arg16 : memref<!tpu.dma_semaphore, #tpu.memory_space<semaphore_mem>>) src(%dma_wait3A_100 : memref<10240x64xf32, #tpu.memory_space<hbm>>) dst(%arg12 : memref<128x64xf32, #tpu.memory_space<vmem>>)
      %ge3A_101 = arith.constant 1 : i32
      %ge3A_102 = arith.cmpi sge, %add3A_90, %ge3A_101 : i32
      %convert_element_type3A_103 = arith.extui %ge3A_102 : i1 to i32
      %cond3A_104 = arith.constant 0 : i32
      %cond3A_105 = arith.cmpi ne, %convert_element_type3A_103, %cond3A_104 : i32
      scf.if %cond3A_105 {
        %dma_wait3A_189 = arith.constant 0 : i32
        %dma_wait3A_190 = tpu.memref_slice %arg10[%add3A_90, %dma_wait3A_189] : memref<160x128xi32, #tpu.memory_space<vmem>> -> memref<1x128xi32, #tpu.memory_space<vmem>>
        %dma_wait3A_191 = tpu.memref_squeeze %dma_wait3A_190 : memref<1x128xi32, #tpu.memory_space<vmem>> -> memref<128xi32, #tpu.memory_space<vmem>>
        %dma_wait3A_192 = arith.constant 0 : i32
        %dma_wait3A_193 = arith.constant 0 : i32
        %dma_wait3A_194 = tpu.memref_slice %arg8[%dma_wait3A_192, %dma_wait3A_193] : memref<10240x64xf32, #tpu.memory_space<vmem_shared>> -> memref<10240x64xf32, #tpu.memory_space<vmem_shared>>
        tpu.wait_indirect_dma semaphore(%arg19 : memref<!tpu.dma_semaphore, #tpu.memory_space<semaphore_mem>>) src(%arg11 : memref<128x64xf32, #tpu.memory_space<vmem>>) dst(%dma_wait3A_194 : memref<10240x64xf32, #tpu.memory_space<vmem_shared>>)
      } else {
      }
      %add3A_106 = arith.constant 4 : i32
      %add3A_107 = arith.addi %add3A_90, %add3A_106 : i32
      %sub3A_108 = arith.constant 1 : i32
      %sub3A_109 = arith.subi %add3A_107, %sub3A_108 : i32
      %lt3A_110 = arith.constant 160 : i32
      %lt3A_111 = arith.cmpi slt, %sub3A_109, %lt3A_110 : i32
      %convert_element_type3A_112 = arith.extui %lt3A_111 : i1 to i32
      %cond3A_113 = arith.constant 0 : i32
      %cond3A_114 = arith.cmpi ne, %convert_element_type3A_112, %cond3A_113 : i32
      scf.if %cond3A_114 {
        %add3A_189 = arith.constant 4 : i32
        %add3A_190 = arith.addi %add3A_90, %add3A_189 : i32
        %sub3A_191 = arith.constant 1 : i32
        %sub3A_192 = arith.subi %add3A_190, %sub3A_191 : i32
        %dma_start3A_193 = arith.constant 0 : i32
        %dma_start3A_194 = tpu.memref_slice %arg9[%sub3A_192, %dma_start3A_193] : memref<160x128xi32, #tpu.memory_space<vmem>> -> memref<1x128xi32, #tpu.memory_space<vmem>>
        %dma_start3A_195 = tpu.memref_squeeze %dma_start3A_194 : memref<1x128xi32, #tpu.memory_space<vmem>> -> memref<128xi32, #tpu.memory_space<vmem>>
        %dma_start3A_196 = arith.constant 0 : i32
        %dma_start3A_197 = arith.constant 0 : i32
        %dma_start3A_198 = tpu.memref_slice %arg2[%arg0, %dma_start3A_196, %dma_start3A_197] : memref<2x10240x64xf32, #tpu.memory_space<hbm>> -> memref<1x10240x64xf32, #tpu.memory_space<hbm>>
        %dma_start3A_199 = tpu.memref_squeeze %dma_start3A_198 : memref<1x10240x64xf32, #tpu.memory_space<hbm>> -> memref<10240x64xf32, #tpu.memory_space<hbm>>
        %dma_start3A_200 = arith.constant 0 : i32
        %dma_start3A_201 = arith.constant 0 : i32
        %dma_start3A_202 = tpu.memref_slice %dma_start3A_199[%dma_start3A_200, %dma_start3A_201] : memref<10240x64xf32, #tpu.memory_space<hbm>> -> memref<10240x64xf32, #tpu.memory_space<hbm>>
        tpu.enqueue_indirect_dma source(%dma_start3A_202 : memref<10240x64xf32, #tpu.memory_space<hbm>>) target(%arg11 : memref<128x64xf32, #tpu.memory_space<vmem>>) offsets(%dma_start3A_195 : memref<128xi32, #tpu.memory_space<vmem>>) semaphore(%arg15 : memref<!tpu.dma_semaphore, #tpu.memory_space<semaphore_mem>>)
      } else {
      }
      %dma_start3A_115 = arith.constant 0 : i32
      %dma_start3A_116 = tpu.memref_slice %arg10[%add3A_90, %dma_start3A_115] : memref<160x128xi32, #tpu.memory_space<vmem>> -> memref<1x128xi32, #tpu.memory_space<vmem>>
      %dma_start3A_117 = tpu.memref_squeeze %dma_start3A_116 : memref<1x128xi32, #tpu.memory_space<vmem>> -> memref<128xi32, #tpu.memory_space<vmem>>
      %dma_start3A_118 = arith.constant 0 : i32
      %dma_start3A_119 = arith.constant 0 : i32
      %dma_start3A_120 = tpu.memref_slice %arg8[%dma_start3A_118, %dma_start3A_119] : memref<10240x64xf32, #tpu.memory_space<vmem_shared>> -> memref<10240x64xf32, #tpu.memory_space<vmem_shared>>
      tpu.enqueue_indirect_dma source(%arg12 : memref<128x64xf32, #tpu.memory_space<vmem>>) target(%dma_start3A_120 : memref<10240x64xf32, #tpu.memory_space<vmem_shared>>) offsets(%dma_start3A_117 : memref<128xi32, #tpu.memory_space<vmem>>) semaphore(%arg20 : memref<!tpu.dma_semaphore, #tpu.memory_space<semaphore_mem>>) {add = true}
      %mul3A_121 = arith.constant 4 : i32
      %mul3A_122 = arith.muli %scan3A_55, %mul3A_121 : i32
      %add3A_123 = arith.constant 2 : i32
      %add3A_124 = arith.addi %mul3A_122, %add3A_123 : i32
      %dma_wait3A_125 = arith.constant 0 : i32
      %dma_wait3A_126 = tpu.memref_slice %arg9[%add3A_124, %dma_wait3A_125] : memref<160x128xi32, #tpu.memory_space<vmem>> -> memref<1x128xi32, #tpu.memory_space<vmem>>
      %dma_wait3A_127 = tpu.memref_squeeze %dma_wait3A_126 : memref<1x128xi32, #tpu.memory_space<vmem>> -> memref<128xi32, #tpu.memory_space<vmem>>
      %dma_wait3A_128 = arith.constant 0 : i32
      %dma_wait3A_129 = arith.constant 0 : i32
      %dma_wait3A_130 = tpu.memref_slice %arg2[%arg0, %dma_wait3A_128, %dma_wait3A_129] : memref<2x10240x64xf32, #tpu.memory_space<hbm>> -> memref<1x10240x64xf32, #tpu.memory_space<hbm>>
      %dma_wait3A_131 = tpu.memref_squeeze %dma_wait3A_130 : memref<1x10240x64xf32, #tpu.memory_space<hbm>> -> memref<10240x64xf32, #tpu.memory_space<hbm>>
      %dma_wait3A_132 = arith.constant 0 : i32
      %dma_wait3A_133 = arith.constant 0 : i32
      %dma_wait3A_134 = tpu.memref_slice %dma_wait3A_131[%dma_wait3A_132, %dma_wait3A_133] : memref<10240x64xf32, #tpu.memory_space<hbm>> -> memref<10240x64xf32, #tpu.memory_space<hbm>>
      tpu.wait_indirect_dma semaphore(%arg17 : memref<!tpu.dma_semaphore, #tpu.memory_space<semaphore_mem>>) src(%dma_wait3A_134 : memref<10240x64xf32, #tpu.memory_space<hbm>>) dst(%arg13 : memref<128x64xf32, #tpu.memory_space<vmem>>)
      %ge3A_135 = arith.constant 1 : i32
      %ge3A_136 = arith.cmpi sge, %add3A_124, %ge3A_135 : i32
      %convert_element_type3A_137 = arith.extui %ge3A_136 : i1 to i32
      %cond3A_138 = arith.constant 0 : i32
      %cond3A_139 = arith.cmpi ne, %convert_element_type3A_137, %cond3A_138 : i32
      scf.if %cond3A_139 {
        %dma_wait3A_189 = arith.constant 0 : i32
        %dma_wait3A_190 = tpu.memref_slice %arg10[%add3A_124, %dma_wait3A_189] : memref<160x128xi32, #tpu.memory_space<vmem>> -> memref<1x128xi32, #tpu.memory_space<vmem>>
        %dma_wait3A_191 = tpu.memref_squeeze %dma_wait3A_190 : memref<1x128xi32, #tpu.memory_space<vmem>> -> memref<128xi32, #tpu.memory_space<vmem>>
        %dma_wait3A_192 = arith.constant 0 : i32
        %dma_wait3A_193 = arith.constant 0 : i32
        %dma_wait3A_194 = tpu.memref_slice %arg8[%dma_wait3A_192, %dma_wait3A_193] : memref<10240x64xf32, #tpu.memory_space<vmem_shared>> -> memref<10240x64xf32, #tpu.memory_space<vmem_shared>>
        tpu.wait_indirect_dma semaphore(%arg20 : memref<!tpu.dma_semaphore, #tpu.memory_space<semaphore_mem>>) src(%arg12 : memref<128x64xf32, #tpu.memory_space<vmem>>) dst(%dma_wait3A_194 : memref<10240x64xf32, #tpu.memory_space<vmem_shared>>)
      } else {
      }
      %add3A_140 = arith.constant 4 : i32
      %add3A_141 = arith.addi %add3A_124, %add3A_140 : i32
      %sub3A_142 = arith.constant 1 : i32
      %sub3A_143 = arith.subi %add3A_141, %sub3A_142 : i32
      %lt3A_144 = arith.constant 160 : i32
      %lt3A_145 = arith.cmpi slt, %sub3A_143, %lt3A_144 : i32
      %convert_element_type3A_146 = arith.extui %lt3A_145 : i1 to i32
      %cond3A_147 = arith.constant 0 : i32
      %cond3A_148 = arith.cmpi ne, %convert_element_type3A_146, %cond3A_147 : i32
      scf.if %cond3A_148 {
        %add3A_189 = arith.constant 4 : i32
        %add3A_190 = arith.addi %add3A_124, %add3A_189 : i32
        %sub3A_191 = arith.constant 1 : i32
        %sub3A_192 = arith.subi %add3A_190, %sub3A_191 : i32
        %dma_start3A_193 = arith.constant 0 : i32
        %dma_start3A_194 = tpu.memref_slice %arg9[%sub3A_192, %dma_start3A_193] : memref<160x128xi32, #tpu.memory_space<vmem>> -> memref<1x128xi32, #tpu.memory_space<vmem>>
        %dma_start3A_195 = tpu.memref_squeeze %dma_start3A_194 : memref<1x128xi32, #tpu.memory_space<vmem>> -> memref<128xi32, #tpu.memory_space<vmem>>
        %dma_start3A_196 = arith.constant 0 : i32
        %dma_start3A_197 = arith.constant 0 : i32
        %dma_start3A_198 = tpu.memref_slice %arg2[%arg0, %dma_start3A_196, %dma_start3A_197] : memref<2x10240x64xf32, #tpu.memory_space<hbm>> -> memref<1x10240x64xf32, #tpu.memory_space<hbm>>
        %dma_start3A_199 = tpu.memref_squeeze %dma_start3A_198 : memref<1x10240x64xf32, #tpu.memory_space<hbm>> -> memref<10240x64xf32, #tpu.memory_space<hbm>>
        %dma_start3A_200 = arith.constant 0 : i32
        %dma_start3A_201 = arith.constant 0 : i32
        %dma_start3A_202 = tpu.memref_slice %dma_start3A_199[%dma_start3A_200, %dma_start3A_201] : memref<10240x64xf32, #tpu.memory_space<hbm>> -> memref<10240x64xf32, #tpu.memory_space<hbm>>
        tpu.enqueue_indirect_dma source(%dma_start3A_202 : memref<10240x64xf32, #tpu.memory_space<hbm>>) target(%arg12 : memref<128x64xf32, #tpu.memory_space<vmem>>) offsets(%dma_start3A_195 : memref<128xi32, #tpu.memory_space<vmem>>) semaphore(%arg16 : memref<!tpu.dma_semaphore, #tpu.memory_space<semaphore_mem>>)
      } else {
      }
      %dma_start3A_149 = arith.constant 0 : i32
      %dma_start3A_150 = tpu.memref_slice %arg10[%add3A_124, %dma_start3A_149] : memref<160x128xi32, #tpu.memory_space<vmem>> -> memref<1x128xi32, #tpu.memory_space<vmem>>
      %dma_start3A_151 = tpu.memref_squeeze %dma_start3A_150 : memref<1x128xi32, #tpu.memory_space<vmem>> -> memref<128xi32, #tpu.memory_space<vmem>>
      %dma_start3A_152 = arith.constant 0 : i32
      %dma_start3A_153 = arith.constant 0 : i32
      %dma_start3A_154 = tpu.memref_slice %arg8[%dma_start3A_152, %dma_start3A_153] : memref<10240x64xf32, #tpu.memory_space<vmem_shared>> -> memref<10240x64xf32, #tpu.memory_space<vmem_shared>>
      tpu.enqueue_indirect_dma source(%arg13 : memref<128x64xf32, #tpu.memory_space<vmem>>) target(%dma_start3A_154 : memref<10240x64xf32, #tpu.memory_space<vmem_shared>>) offsets(%dma_start3A_151 : memref<128xi32, #tpu.memory_space<vmem>>) semaphore(%arg21 : memref<!tpu.dma_semaphore, #tpu.memory_space<semaphore_mem>>) {add = true}
      %mul3A_155 = arith.constant 4 : i32
      %mul3A_156 = arith.muli %scan3A_55, %mul3A_155 : i32
      %add3A_157 = arith.constant 3 : i32
      %add3A_158 = arith.addi %mul3A_156, %add3A_157 : i32
      %dma_wait3A_159 = arith.constant 0 : i32
      %dma_wait3A_160 = tpu.memref_slice %arg9[%add3A_158, %dma_wait3A_159] : memref<160x128xi32, #tpu.memory_space<vmem>> -> memref<1x128xi32, #tpu.memory_space<vmem>>
      %dma_wait3A_161 = tpu.memref_squeeze %dma_wait3A_160 : memref<1x128xi32, #tpu.memory_space<vmem>> -> memref<128xi32, #tpu.memory_space<vmem>>
      %dma_wait3A_162 = arith.constant 0 : i32
      %dma_wait3A_163 = arith.constant 0 : i32
      %dma_wait3A_164 = tpu.memref_slice %arg2[%arg0, %dma_wait3A_162, %dma_wait3A_163] : memref<2x10240x64xf32, #tpu.memory_space<hbm>> -> memref<1x10240x64xf32, #tpu.memory_space<hbm>>
      %dma_wait3A_165 = tpu.memref_squeeze %dma_wait3A_164 : memref<1x10240x64xf32, #tpu.memory_space<hbm>> -> memref<10240x64xf32, #tpu.memory_space<hbm>>
      %dma_wait3A_166 = arith.constant 0 : i32
      %dma_wait3A_167 = arith.constant 0 : i32
      %dma_wait3A_168 = tpu.memref_slice %dma_wait3A_165[%dma_wait3A_166, %dma_wait3A_167] : memref<10240x64xf32, #tpu.memory_space<hbm>> -> memref<10240x64xf32, #tpu.memory_space<hbm>>
      tpu.wait_indirect_dma semaphore(%arg18 : memref<!tpu.dma_semaphore, #tpu.memory_space<semaphore_mem>>) src(%dma_wait3A_168 : memref<10240x64xf32, #tpu.memory_space<hbm>>) dst(%arg14 : memref<128x64xf32, #tpu.memory_space<vmem>>)
      %ge3A_169 = arith.constant 1 : i32
      %ge3A_170 = arith.cmpi sge, %add3A_158, %ge3A_169 : i32
      %convert_element_type3A_171 = arith.extui %ge3A_170 : i1 to i32
      %cond3A_172 = arith.constant 0 : i32
      %cond3A_173 = arith.cmpi ne, %convert_element_type3A_171, %cond3A_172 : i32
      scf.if %cond3A_173 {
        %dma_wait3A_189 = arith.constant 0 : i32
        %dma_wait3A_190 = tpu.memref_slice %arg10[%add3A_158, %dma_wait3A_189] : memref<160x128xi32, #tpu.memory_space<vmem>> -> memref<1x128xi32, #tpu.memory_space<vmem>>
        %dma_wait3A_191 = tpu.memref_squeeze %dma_wait3A_190 : memref<1x128xi32, #tpu.memory_space<vmem>> -> memref<128xi32, #tpu.memory_space<vmem>>
        %dma_wait3A_192 = arith.constant 0 : i32
        %dma_wait3A_193 = arith.constant 0 : i32
        %dma_wait3A_194 = tpu.memref_slice %arg8[%dma_wait3A_192, %dma_wait3A_193] : memref<10240x64xf32, #tpu.memory_space<vmem_shared>> -> memref<10240x64xf32, #tpu.memory_space<vmem_shared>>
        tpu.wait_indirect_dma semaphore(%arg21 : memref<!tpu.dma_semaphore, #tpu.memory_space<semaphore_mem>>) src(%arg13 : memref<128x64xf32, #tpu.memory_space<vmem>>) dst(%dma_wait3A_194 : memref<10240x64xf32, #tpu.memory_space<vmem_shared>>)
      } else {
      }
      %add3A_174 = arith.constant 4 : i32
      %add3A_175 = arith.addi %add3A_158, %add3A_174 : i32
      %sub3A_176 = arith.constant 1 : i32
      %sub3A_177 = arith.subi %add3A_175, %sub3A_176 : i32
      %lt3A_178 = arith.constant 160 : i32
      %lt3A_179 = arith.cmpi slt, %sub3A_177, %lt3A_178 : i32
      %convert_element_type3A_180 = arith.extui %lt3A_179 : i1 to i32
      %cond3A_181 = arith.constant 0 : i32
      %cond3A_182 = arith.cmpi ne, %convert_element_type3A_180, %cond3A_181 : i32
      scf.if %cond3A_182 {
        %add3A_189 = arith.constant 4 : i32
        %add3A_190 = arith.addi %add3A_158, %add3A_189 : i32
        %sub3A_191 = arith.constant 1 : i32
        %sub3A_192 = arith.subi %add3A_190, %sub3A_191 : i32
        %dma_start3A_193 = arith.constant 0 : i32
        %dma_start3A_194 = tpu.memref_slice %arg9[%sub3A_192, %dma_start3A_193] : memref<160x128xi32, #tpu.memory_space<vmem>> -> memref<1x128xi32, #tpu.memory_space<vmem>>
        %dma_start3A_195 = tpu.memref_squeeze %dma_start3A_194 : memref<1x128xi32, #tpu.memory_space<vmem>> -> memref<128xi32, #tpu.memory_space<vmem>>
        %dma_start3A_196 = arith.constant 0 : i32
        %dma_start3A_197 = arith.constant 0 : i32
        %dma_start3A_198 = tpu.memref_slice %arg2[%arg0, %dma_start3A_196, %dma_start3A_197] : memref<2x10240x64xf32, #tpu.memory_space<hbm>> -> memref<1x10240x64xf32, #tpu.memory_space<hbm>>
        %dma_start3A_199 = tpu.memref_squeeze %dma_start3A_198 : memref<1x10240x64xf32, #tpu.memory_space<hbm>> -> memref<10240x64xf32, #tpu.memory_space<hbm>>
        %dma_start3A_200 = arith.constant 0 : i32
        %dma_start3A_201 = arith.constant 0 : i32
        %dma_start3A_202 = tpu.memref_slice %dma_start3A_199[%dma_start3A_200, %dma_start3A_201] : memref<10240x64xf32, #tpu.memory_space<hbm>> -> memref<10240x64xf32, #tpu.memory_space<hbm>>
        tpu.enqueue_indirect_dma source(%dma_start3A_202 : memref<10240x64xf32, #tpu.memory_space<hbm>>) target(%arg13 : memref<128x64xf32, #tpu.memory_space<vmem>>) offsets(%dma_start3A_195 : memref<128xi32, #tpu.memory_space<vmem>>) semaphore(%arg17 : memref<!tpu.dma_semaphore, #tpu.memory_space<semaphore_mem>>)
      } else {
      }
      %dma_start3A_183 = arith.constant 0 : i32
      %dma_start3A_184 = tpu.memref_slice %arg10[%add3A_158, %dma_start3A_183] : memref<160x128xi32, #tpu.memory_space<vmem>> -> memref<1x128xi32, #tpu.memory_space<vmem>>
      %dma_start3A_185 = tpu.memref_squeeze %dma_start3A_184 : memref<1x128xi32, #tpu.memory_space<vmem>> -> memref<128xi32, #tpu.memory_space<vmem>>
      %dma_start3A_186 = arith.constant 0 : i32
      %dma_start3A_187 = arith.constant 0 : i32
      %dma_start3A_188 = tpu.memref_slice %arg8[%dma_start3A_186, %dma_start3A_187] : memref<10240x64xf32, #tpu.memory_space<vmem_shared>> -> memref<10240x64xf32, #tpu.memory_space<vmem_shared>>
      tpu.enqueue_indirect_dma source(%arg14 : memref<128x64xf32, #tpu.memory_space<vmem>>) target(%dma_start3A_188 : memref<10240x64xf32, #tpu.memory_space<vmem_shared>>) offsets(%dma_start3A_185 : memref<128xi32, #tpu.memory_space<vmem>>) semaphore(%arg22 : memref<!tpu.dma_semaphore, #tpu.memory_space<semaphore_mem>>) {add = true}
    }
    %scan3A_43 = arith.constant 40 : i32
    %dma_wait3A = arith.constant 159 : i32
    %dma_wait3A_44 = arith.constant 0 : i32
    %dma_wait3A_45 = tpu.memref_slice %arg10[%dma_wait3A, %dma_wait3A_44] : memref<160x128xi32, #tpu.memory_space<vmem>> -> memref<1x128xi32, #tpu.memory_space<vmem>>
    %dma_wait3A_46 = tpu.memref_squeeze %dma_wait3A_45 : memref<1x128xi32, #tpu.memory_space<vmem>> -> memref<128xi32, #tpu.memory_space<vmem>>
    %dma_wait3A_47 = arith.constant 0 : i32
    %dma_wait3A_48 = arith.constant 0 : i32
    %dma_wait3A_49 = tpu.memref_slice %arg8[%dma_wait3A_47, %dma_wait3A_48] : memref<10240x64xf32, #tpu.memory_space<vmem_shared>> -> memref<10240x64xf32, #tpu.memory_space<vmem_shared>>
    tpu.wait_indirect_dma semaphore(%arg22 : memref<!tpu.dma_semaphore, #tpu.memory_space<semaphore_mem>>) src(%arg14 : memref<128x64xf32, #tpu.memory_space<vmem>>) dst(%dma_wait3A_49 : memref<10240x64xf32, #tpu.memory_space<vmem_shared>>)
    %barrier3A_50 = arith.constant 0 : index
    tpu.barrier barrier_id(%barrier3A_50)
    %mul3A_51 = arith.constant 640 : i32
    %mul3A_52 = arith.muli %arg1, %mul3A_51 : i32
    %mul3A_53 = arith.constant 640 : i32
    %mul3A_54 = arith.muli %arg1, %mul3A_53 : i32
    "tpu.region"() ({
      %run_scoped3A = tpu.sem_alloc : memref<!tpu.dma_semaphore, #tpu.memory_space<semaphore_mem>>
      %dma_start3A_55 = arith.constant 0 : i32
      %dma_start3A_56 = tpu.memref_slice %arg7[%arg0, %mul3A_54, %dma_start3A_55] : memref<2x10240x64xf32, #tpu.memory_space<hbm>> -> memref<1x640x64xf32, #tpu.memory_space<hbm>>
      %dma_start3A_57 = tpu.memref_squeeze %dma_start3A_56 : memref<1x640x64xf32, #tpu.memory_space<hbm>> -> memref<640x64xf32, #tpu.memory_space<hbm>>
      %dma_start3A_58 = arith.constant 0 : i32
      %dma_start3A_59 = tpu.memref_slice %arg8[%mul3A_52, %dma_start3A_58] : memref<10240x64xf32, #tpu.memory_space<vmem_shared>> -> memref<640x64xf32, #tpu.memory_space<vmem_shared>>
      tpu.enqueue_dma source(%dma_start3A_59 : memref<640x64xf32, #tpu.memory_space<vmem_shared>>) target(%dma_start3A_57 : memref<640x64xf32, #tpu.memory_space<hbm>>) target_semaphore(%run_scoped3A : memref<!tpu.dma_semaphore, #tpu.memory_space<semaphore_mem>>)
      %dma_wait3A_60 = arith.constant 0 : i32
      %dma_wait3A_61 = tpu.memref_slice %arg7[%arg0, %mul3A_54, %dma_wait3A_60] : memref<2x10240x64xf32, #tpu.memory_space<hbm>> -> memref<1x640x64xf32, #tpu.memory_space<hbm>>
      %dma_wait3A_62 = tpu.memref_squeeze %dma_wait3A_61 : memref<1x640x64xf32, #tpu.memory_space<hbm>> -> memref<640x64xf32, #tpu.memory_space<hbm>>
      %dma_wait3A_63 = arith.constant 0 : i32
      %dma_wait3A_64 = tpu.memref_slice %arg8[%mul3A_52, %dma_wait3A_63] : memref<10240x64xf32, #tpu.memory_space<vmem_shared>> -> memref<640x64xf32, #tpu.memory_space<vmem_shared>>
      tpu.wait_dma2 semaphore(%run_scoped3A : memref<!tpu.dma_semaphore, #tpu.memory_space<semaphore_mem>>) src(%dma_wait3A_64 : memref<640x64xf32, #tpu.memory_space<vmem_shared>>) dst(%dma_wait3A_62 : memref<640x64xf32, #tpu.memory_space<hbm>>)
      tpu.yield
    }) : () -> ()
    return
  }
}

#map = affine_map<(d0, d1) -> (0, 0)>
#map1 = affine_map<(d0, d1) -> (0, 0, 0)>
module attributes {stable_mosaic.version = 14 : i64} {
  func.func @deg(%arg0: i32, %arg1: i32, %arg2: memref<2500x128xi32, #tpu.memory_space<hbm>>, %arg3: memref<60x128xi32, #tpu.memory_space<hbm>>, %arg4: memref<128x16xf32, #tpu.memory_space<hbm>>, %arg5: memref<640x16xf32, #tpu.memory_space<hbm>>, %arg6: memref<2x10240x16xf32, #tpu.memory_space<hbm>>, %arg7: memref<10240x16xf32, #tpu.memory_space<vmem_shared>>, %arg8: memref<80x128xi32, #tpu.memory_space<vmem>>, %arg9: memref<128x16xf32, #tpu.memory_space<vmem>>, %arg10: memref<!tpu.dma_semaphore, #tpu.memory_space<semaphore_mem>>) attributes {dimension_semantics = [#tpu.dimension_semantics<core_parallel>, #tpu.dimension_semantics<subcore_parallel>], iteration_bounds = array<i64: 2, 16>, scalar_prefetch = 0 : i64, scratch_operands = 4 : i64, tpu.core_type = #tpu.core_type<sc_vector_subcore>, window_params = [{transform_indices = #map}, {transform_indices = #map}, {transform_indices = #map}, {transform_indices = #map}, {transform_indices = #map1}]} {
    %mul3A = arith.constant 16 : i32
    %mul3A_0 = arith.muli %arg0, %mul3A : i32
    %add3A = arith.addi %mul3A_0, %arg1 : i32
    %lt3A = arith.constant 31 : i32
    %lt3A_1 = arith.cmpi slt, %add3A, %lt3A : i32
    %convert_element_type3A = arith.extui %lt3A_1 : i1 to i32
    %cond3A = arith.constant 0 : i32
    %cond3A_2 = arith.cmpi ne, %convert_element_type3A, %cond3A : i32
    scf.if %cond3A_2 {
      %mul3A_74 = arith.constant 80 : i32
      %mul3A_75 = arith.muli %add3A, %mul3A_74 : i32
      "tpu.region"() ({
        %run_scoped3A = tpu.sem_alloc : memref<!tpu.dma_semaphore, #tpu.memory_space<semaphore_mem>>
        %dma_start3A = arith.constant 0 : i32
        %dma_start3A_76 = tpu.memref_slice %arg2[%mul3A_75, %dma_start3A] : memref<2500x128xi32, #tpu.memory_space<hbm>> -> memref<80x128xi32, #tpu.memory_space<hbm>>
        %dma_start3A_77 = arith.constant 0 : i32
        %dma_start3A_78 = tpu.memref_slice %arg2[%mul3A_75, %dma_start3A_77] : memref<2500x128xi32, #tpu.memory_space<hbm>> -> memref<80x128xi32, #tpu.memory_space<hbm>>
        tpu.enqueue_dma source(%dma_start3A_78 : memref<80x128xi32, #tpu.memory_space<hbm>>) target(%arg8 : memref<80x128xi32, #tpu.memory_space<vmem>>) target_semaphore(%run_scoped3A : memref<!tpu.dma_semaphore, #tpu.memory_space<semaphore_mem>>)
        %dma_wait3A_79 = arith.constant 0 : i32
        %dma_wait3A_80 = tpu.memref_slice %arg2[%mul3A_75, %dma_wait3A_79] : memref<2500x128xi32, #tpu.memory_space<hbm>> -> memref<80x128xi32, #tpu.memory_space<hbm>>
        %dma_wait3A_81 = arith.constant 0 : i32
        %dma_wait3A_82 = tpu.memref_slice %arg2[%mul3A_75, %dma_wait3A_81] : memref<2500x128xi32, #tpu.memory_space<hbm>> -> memref<80x128xi32, #tpu.memory_space<hbm>>
        tpu.wait_dma2 semaphore(%run_scoped3A : memref<!tpu.dma_semaphore, #tpu.memory_space<semaphore_mem>>) src(%dma_wait3A_82 : memref<80x128xi32, #tpu.memory_space<hbm>>) dst(%arg8 : memref<80x128xi32, #tpu.memory_space<vmem>>)
        tpu.yield
      }) : () -> ()
    } else {
    }
    %eq3A = arith.constant 31 : i32
    %eq3A_3 = arith.cmpi eq, %add3A, %eq3A : i32
    %convert_element_type3A_4 = arith.extui %eq3A_3 : i1 to i32
    %cond3A_5 = arith.constant 0 : i32
    %cond3A_6 = arith.cmpi ne, %convert_element_type3A_4, %cond3A_5 : i32
    scf.if %cond3A_6 {
      "tpu.region"() ({
        %run_scoped3A = tpu.sem_alloc : memref<!tpu.dma_semaphore, #tpu.memory_space<semaphore_mem>>
        %dma_start3A = arith.constant 0 : i32
        %dma_start3A_74 = arith.constant 0 : i32
        %dma_start3A_75 = tpu.memref_slice %arg8[%dma_start3A, %dma_start3A_74] : memref<80x128xi32, #tpu.memory_space<vmem>> -> memref<20x128xi32, #tpu.memory_space<vmem>>
        %dma_start3A_76 = arith.constant 2480 : i32
        %dma_start3A_77 = arith.constant 0 : i32
        %dma_start3A_78 = tpu.memref_slice %arg2[%dma_start3A_76, %dma_start3A_77] : memref<2500x128xi32, #tpu.memory_space<hbm>> -> memref<20x128xi32, #tpu.memory_space<hbm>>
        %dma_start3A_79 = arith.constant 0 : i32
        %dma_start3A_80 = arith.constant 0 : i32
        %dma_start3A_81 = tpu.memref_slice %arg8[%dma_start3A_79, %dma_start3A_80] : memref<80x128xi32, #tpu.memory_space<vmem>> -> memref<20x128xi32, #tpu.memory_space<vmem>>
        %dma_start3A_82 = arith.constant 2480 : i32
        %dma_start3A_83 = arith.constant 0 : i32
        %dma_start3A_84 = tpu.memref_slice %arg2[%dma_start3A_82, %dma_start3A_83] : memref<2500x128xi32, #tpu.memory_space<hbm>> -> memref<20x128xi32, #tpu.memory_space<hbm>>
        tpu.enqueue_dma source(%dma_start3A_84 : memref<20x128xi32, #tpu.memory_space<hbm>>) target(%dma_start3A_81 : memref<20x128xi32, #tpu.memory_space<vmem>>) target_semaphore(%run_scoped3A : memref<!tpu.dma_semaphore, #tpu.memory_space<semaphore_mem>>)
        %dma_wait3A_85 = arith.constant 0 : i32
        %dma_wait3A_86 = arith.constant 0 : i32
        %dma_wait3A_87 = tpu.memref_slice %arg8[%dma_wait3A_85, %dma_wait3A_86] : memref<80x128xi32, #tpu.memory_space<vmem>> -> memref<20x128xi32, #tpu.memory_space<vmem>>
        %dma_wait3A_88 = arith.constant 2480 : i32
        %dma_wait3A_89 = arith.constant 0 : i32
        %dma_wait3A_90 = tpu.memref_slice %arg2[%dma_wait3A_88, %dma_wait3A_89] : memref<2500x128xi32, #tpu.memory_space<hbm>> -> memref<20x128xi32, #tpu.memory_space<hbm>>
        %dma_wait3A_91 = arith.constant 0 : i32
        %dma_wait3A_92 = arith.constant 0 : i32
        %dma_wait3A_93 = tpu.memref_slice %arg8[%dma_wait3A_91, %dma_wait3A_92] : memref<80x128xi32, #tpu.memory_space<vmem>> -> memref<20x128xi32, #tpu.memory_space<vmem>>
        %dma_wait3A_94 = arith.constant 2480 : i32
        %dma_wait3A_95 = arith.constant 0 : i32
        %dma_wait3A_96 = tpu.memref_slice %arg2[%dma_wait3A_94, %dma_wait3A_95] : memref<2500x128xi32, #tpu.memory_space<hbm>> -> memref<20x128xi32, #tpu.memory_space<hbm>>
        tpu.wait_dma2 semaphore(%run_scoped3A : memref<!tpu.dma_semaphore, #tpu.memory_space<semaphore_mem>>) src(%dma_wait3A_96 : memref<20x128xi32, #tpu.memory_space<hbm>>) dst(%dma_wait3A_93 : memref<20x128xi32, #tpu.memory_space<vmem>>)
        tpu.yield
      }) : () -> ()
      "tpu.region"() ({
        %run_scoped3A = tpu.sem_alloc : memref<!tpu.dma_semaphore, #tpu.memory_space<semaphore_mem>>
        %dma_start3A = arith.constant 20 : i32
        %dma_start3A_74 = arith.constant 0 : i32
        %dma_start3A_75 = tpu.memref_slice %arg8[%dma_start3A, %dma_start3A_74] : memref<80x128xi32, #tpu.memory_space<vmem>> -> memref<60x128xi32, #tpu.memory_space<vmem>>
        %dma_start3A_76 = arith.constant 20 : i32
        %dma_start3A_77 = arith.constant 0 : i32
        %dma_start3A_78 = tpu.memref_slice %arg8[%dma_start3A_76, %dma_start3A_77] : memref<80x128xi32, #tpu.memory_space<vmem>> -> memref<60x128xi32, #tpu.memory_space<vmem>>
        tpu.enqueue_dma source(%arg3 : memref<60x128xi32, #tpu.memory_space<hbm>>) target(%dma_start3A_78 : memref<60x128xi32, #tpu.memory_space<vmem>>) target_semaphore(%run_scoped3A : memref<!tpu.dma_semaphore, #tpu.memory_space<semaphore_mem>>)
        %dma_wait3A_79 = arith.constant 20 : i32
        %dma_wait3A_80 = arith.constant 0 : i32
        %dma_wait3A_81 = tpu.memref_slice %arg8[%dma_wait3A_79, %dma_wait3A_80] : memref<80x128xi32, #tpu.memory_space<vmem>> -> memref<60x128xi32, #tpu.memory_space<vmem>>
        %dma_wait3A_82 = arith.constant 20 : i32
        %dma_wait3A_83 = arith.constant 0 : i32
        %dma_wait3A_84 = tpu.memref_slice %arg8[%dma_wait3A_82, %dma_wait3A_83] : memref<80x128xi32, #tpu.memory_space<vmem>> -> memref<60x128xi32, #tpu.memory_space<vmem>>
        tpu.wait_dma2 semaphore(%run_scoped3A : memref<!tpu.dma_semaphore, #tpu.memory_space<semaphore_mem>>) src(%arg3 : memref<60x128xi32, #tpu.memory_space<hbm>>) dst(%dma_wait3A_84 : memref<60x128xi32, #tpu.memory_space<vmem>>)
        tpu.yield
      }) : () -> ()
    } else {
    }
    %mul3A_7 = arith.constant 640 : i32
    %mul3A_8 = arith.muli %arg1, %mul3A_7 : i32
    "tpu.region"() ({
      %run_scoped3A = tpu.sem_alloc : memref<!tpu.dma_semaphore, #tpu.memory_space<semaphore_mem>>
      %dma_start3A = arith.constant 0 : i32
      %dma_start3A_74 = tpu.memref_slice %arg7[%mul3A_8, %dma_start3A] : memref<10240x16xf32, #tpu.memory_space<vmem_shared>> -> memref<640x16xf32, #tpu.memory_space<vmem_shared>>
      tpu.enqueue_dma source(%arg5 : memref<640x16xf32, #tpu.memory_space<hbm>>) target(%dma_start3A_74 : memref<640x16xf32, #tpu.memory_space<vmem_shared>>) target_semaphore(%run_scoped3A : memref<!tpu.dma_semaphore, #tpu.memory_space<semaphore_mem>>)
      %dma_wait3A_75 = arith.constant 0 : i32
      %dma_wait3A_76 = tpu.memref_slice %arg7[%mul3A_8, %dma_wait3A_75] : memref<10240x16xf32, #tpu.memory_space<vmem_shared>> -> memref<640x16xf32, #tpu.memory_space<vmem_shared>>
      tpu.wait_dma2 semaphore(%run_scoped3A : memref<!tpu.dma_semaphore, #tpu.memory_space<semaphore_mem>>) src(%arg5 : memref<640x16xf32, #tpu.memory_space<hbm>>) dst(%dma_wait3A_76 : memref<640x16xf32, #tpu.memory_space<vmem_shared>>)
      tpu.yield
    }) : () -> ()
    "tpu.region"() ({
      %run_scoped3A = tpu.sem_alloc : memref<!tpu.dma_semaphore, #tpu.memory_space<semaphore_mem>>
      tpu.enqueue_dma source(%arg4 : memref<128x16xf32, #tpu.memory_space<hbm>>) target(%arg9 : memref<128x16xf32, #tpu.memory_space<vmem>>) target_semaphore(%run_scoped3A : memref<!tpu.dma_semaphore, #tpu.memory_space<semaphore_mem>>)
      tpu.wait_dma2 semaphore(%run_scoped3A : memref<!tpu.dma_semaphore, #tpu.memory_space<semaphore_mem>>) src(%arg4 : memref<128x16xf32, #tpu.memory_space<hbm>>) dst(%arg9 : memref<128x16xf32, #tpu.memory_space<vmem>>)
      tpu.yield
    }) : () -> ()
    %barrier3A = arith.constant 0 : index
    tpu.barrier barrier_id(%barrier3A)
    %scan3A = arith.constant 0 : i32
    %scan3A_9 = arith.constant 0 : i32
    %scan3A_10 = arith.constant 80 : i32
    %scan3A_11 = arith.addi %scan3A_9, %scan3A_10 : i32
    %scan3A_12 = arith.constant 1 : i32
    scf.for %scan3A_74 = %scan3A_9 to %scan3A_11 step %scan3A_12  : i32 {
      %dma_start3A = arith.constant 0 : i32
      %dma_start3A_75 = tpu.memref_slice %arg8[%scan3A_74, %dma_start3A] : memref<80x128xi32, #tpu.memory_space<vmem>> -> memref<1x128xi32, #tpu.memory_space<vmem>>
      %dma_start3A_76 = tpu.memref_squeeze %dma_start3A_75 : memref<1x128xi32, #tpu.memory_space<vmem>> -> memref<128xi32, #tpu.memory_space<vmem>>
      %dma_start3A_77 = arith.constant 0 : i32
      %dma_start3A_78 = arith.constant 0 : i32
      %dma_start3A_79 = tpu.memref_slice %arg7[%dma_start3A_77, %dma_start3A_78] : memref<10240x16xf32, #tpu.memory_space<vmem_shared>> -> memref<10240x16xf32, #tpu.memory_space<vmem_shared>>
      tpu.enqueue_indirect_dma source(%arg9 : memref<128x16xf32, #tpu.memory_space<vmem>>) target(%dma_start3A_79 : memref<10240x16xf32, #tpu.memory_space<vmem_shared>>) offsets(%dma_start3A_76 : memref<128xi32, #tpu.memory_space<vmem>>) semaphore(%arg10 : memref<!tpu.dma_semaphore, #tpu.memory_space<semaphore_mem>>) {add = true}
      %ge3A = arith.constant 8 : i32
      %ge3A_80 = arith.cmpi sge, %scan3A_74, %ge3A : i32
      %convert_element_type3A_81 = arith.extui %ge3A_80 : i1 to i32
      %cond3A_82 = arith.constant 0 : i32
      %cond3A_83 = arith.cmpi ne, %convert_element_type3A_81, %cond3A_82 : i32
      scf.if %cond3A_83 {
        %dma_wait3A_84 = arith.constant 0 : i32
        %dma_wait3A_85 = tpu.memref_slice %arg8[%scan3A_74, %dma_wait3A_84] : memref<80x128xi32, #tpu.memory_space<vmem>> -> memref<1x128xi32, #tpu.memory_space<vmem>>
        %dma_wait3A_86 = tpu.memref_squeeze %dma_wait3A_85 : memref<1x128xi32, #tpu.memory_space<vmem>> -> memref<128xi32, #tpu.memory_space<vmem>>
        %dma_wait3A_87 = arith.constant 0 : i32
        %dma_wait3A_88 = arith.constant 0 : i32
        %dma_wait3A_89 = tpu.memref_slice %arg7[%dma_wait3A_87, %dma_wait3A_88] : memref<10240x16xf32, #tpu.memory_space<vmem_shared>> -> memref<10240x16xf32, #tpu.memory_space<vmem_shared>>
        tpu.wait_indirect_dma semaphore(%arg10 : memref<!tpu.dma_semaphore, #tpu.memory_space<semaphore_mem>>) src(%arg9 : memref<128x16xf32, #tpu.memory_space<vmem>>) dst(%dma_wait3A_89 : memref<10240x16xf32, #tpu.memory_space<vmem_shared>>)
      } else {
      }
    }
    %scan3A_13 = arith.constant 80 : i32
    %dma_wait3A = arith.constant 0 : i32
    %dma_wait3A_14 = arith.constant 0 : i32
    %dma_wait3A_15 = tpu.memref_slice %arg8[%dma_wait3A, %dma_wait3A_14] : memref<80x128xi32, #tpu.memory_space<vmem>> -> memref<1x128xi32, #tpu.memory_space<vmem>>
    %dma_wait3A_16 = tpu.memref_squeeze %dma_wait3A_15 : memref<1x128xi32, #tpu.memory_space<vmem>> -> memref<128xi32, #tpu.memory_space<vmem>>
    %dma_wait3A_17 = arith.constant 0 : i32
    %dma_wait3A_18 = arith.constant 0 : i32
    %dma_wait3A_19 = tpu.memref_slice %arg7[%dma_wait3A_17, %dma_wait3A_18] : memref<10240x16xf32, #tpu.memory_space<vmem_shared>> -> memref<10240x16xf32, #tpu.memory_space<vmem_shared>>
    tpu.wait_indirect_dma semaphore(%arg10 : memref<!tpu.dma_semaphore, #tpu.memory_space<semaphore_mem>>) src(%arg9 : memref<128x16xf32, #tpu.memory_space<vmem>>) dst(%dma_wait3A_19 : memref<10240x16xf32, #tpu.memory_space<vmem_shared>>)
    %dma_wait3A_20 = arith.constant 0 : i32
    %dma_wait3A_21 = arith.constant 0 : i32
    %dma_wait3A_22 = tpu.memref_slice %arg8[%dma_wait3A_20, %dma_wait3A_21] : memref<80x128xi32, #tpu.memory_space<vmem>> -> memref<1x128xi32, #tpu.memory_space<vmem>>
    %dma_wait3A_23 = tpu.memref_squeeze %dma_wait3A_22 : memref<1x128xi32, #tpu.memory_space<vmem>> -> memref<128xi32, #tpu.memory_space<vmem>>
    %dma_wait3A_24 = arith.constant 0 : i32
    %dma_wait3A_25 = arith.constant 0 : i32
    %dma_wait3A_26 = tpu.memref_slice %arg7[%dma_wait3A_24, %dma_wait3A_25] : memref<10240x16xf32, #tpu.memory_space<vmem_shared>> -> memref<10240x16xf32, #tpu.memory_space<vmem_shared>>
    tpu.wait_indirect_dma semaphore(%arg10 : memref<!tpu.dma_semaphore, #tpu.memory_space<semaphore_mem>>) src(%arg9 : memref<128x16xf32, #tpu.memory_space<vmem>>) dst(%dma_wait3A_26 : memref<10240x16xf32, #tpu.memory_space<vmem_shared>>)
    %dma_wait3A_27 = arith.constant 0 : i32
    %dma_wait3A_28 = arith.constant 0 : i32
    %dma_wait3A_29 = tpu.memref_slice %arg8[%dma_wait3A_27, %dma_wait3A_28] : memref<80x128xi32, #tpu.memory_space<vmem>> -> memref<1x128xi32, #tpu.memory_space<vmem>>
    %dma_wait3A_30 = tpu.memref_squeeze %dma_wait3A_29 : memref<1x128xi32, #tpu.memory_space<vmem>> -> memref<128xi32, #tpu.memory_space<vmem>>
    %dma_wait3A_31 = arith.constant 0 : i32
    %dma_wait3A_32 = arith.constant 0 : i32
    %dma_wait3A_33 = tpu.memref_slice %arg7[%dma_wait3A_31, %dma_wait3A_32] : memref<10240x16xf32, #tpu.memory_space<vmem_shared>> -> memref<10240x16xf32, #tpu.memory_space<vmem_shared>>
    tpu.wait_indirect_dma semaphore(%arg10 : memref<!tpu.dma_semaphore, #tpu.memory_space<semaphore_mem>>) src(%arg9 : memref<128x16xf32, #tpu.memory_space<vmem>>) dst(%dma_wait3A_33 : memref<10240x16xf32, #tpu.memory_space<vmem_shared>>)
    %dma_wait3A_34 = arith.constant 0 : i32
    %dma_wait3A_35 = arith.constant 0 : i32
    %dma_wait3A_36 = tpu.memref_slice %arg8[%dma_wait3A_34, %dma_wait3A_35] : memref<80x128xi32, #tpu.memory_space<vmem>> -> memref<1x128xi32, #tpu.memory_space<vmem>>
    %dma_wait3A_37 = tpu.memref_squeeze %dma_wait3A_36 : memref<1x128xi32, #tpu.memory_space<vmem>> -> memref<128xi32, #tpu.memory_space<vmem>>
    %dma_wait3A_38 = arith.constant 0 : i32
    %dma_wait3A_39 = arith.constant 0 : i32
    %dma_wait3A_40 = tpu.memref_slice %arg7[%dma_wait3A_38, %dma_wait3A_39] : memref<10240x16xf32, #tpu.memory_space<vmem_shared>> -> memref<10240x16xf32, #tpu.memory_space<vmem_shared>>
    tpu.wait_indirect_dma semaphore(%arg10 : memref<!tpu.dma_semaphore, #tpu.memory_space<semaphore_mem>>) src(%arg9 : memref<128x16xf32, #tpu.memory_space<vmem>>) dst(%dma_wait3A_40 : memref<10240x16xf32, #tpu.memory_space<vmem_shared>>)
    %dma_wait3A_41 = arith.constant 0 : i32
    %dma_wait3A_42 = arith.constant 0 : i32
    %dma_wait3A_43 = tpu.memref_slice %arg8[%dma_wait3A_41, %dma_wait3A_42] : memref<80x128xi32, #tpu.memory_space<vmem>> -> memref<1x128xi32, #tpu.memory_space<vmem>>
    %dma_wait3A_44 = tpu.memref_squeeze %dma_wait3A_43 : memref<1x128xi32, #tpu.memory_space<vmem>> -> memref<128xi32, #tpu.memory_space<vmem>>
    %dma_wait3A_45 = arith.constant 0 : i32
    %dma_wait3A_46 = arith.constant 0 : i32
    %dma_wait3A_47 = tpu.memref_slice %arg7[%dma_wait3A_45, %dma_wait3A_46] : memref<10240x16xf32, #tpu.memory_space<vmem_shared>> -> memref<10240x16xf32, #tpu.memory_space<vmem_shared>>
    tpu.wait_indirect_dma semaphore(%arg10 : memref<!tpu.dma_semaphore, #tpu.memory_space<semaphore_mem>>) src(%arg9 : memref<128x16xf32, #tpu.memory_space<vmem>>) dst(%dma_wait3A_47 : memref<10240x16xf32, #tpu.memory_space<vmem_shared>>)
    %dma_wait3A_48 = arith.constant 0 : i32
    %dma_wait3A_49 = arith.constant 0 : i32
    %dma_wait3A_50 = tpu.memref_slice %arg8[%dma_wait3A_48, %dma_wait3A_49] : memref<80x128xi32, #tpu.memory_space<vmem>> -> memref<1x128xi32, #tpu.memory_space<vmem>>
    %dma_wait3A_51 = tpu.memref_squeeze %dma_wait3A_50 : memref<1x128xi32, #tpu.memory_space<vmem>> -> memref<128xi32, #tpu.memory_space<vmem>>
    %dma_wait3A_52 = arith.constant 0 : i32
    %dma_wait3A_53 = arith.constant 0 : i32
    %dma_wait3A_54 = tpu.memref_slice %arg7[%dma_wait3A_52, %dma_wait3A_53] : memref<10240x16xf32, #tpu.memory_space<vmem_shared>> -> memref<10240x16xf32, #tpu.memory_space<vmem_shared>>
    tpu.wait_indirect_dma semaphore(%arg10 : memref<!tpu.dma_semaphore, #tpu.memory_space<semaphore_mem>>) src(%arg9 : memref<128x16xf32, #tpu.memory_space<vmem>>) dst(%dma_wait3A_54 : memref<10240x16xf32, #tpu.memory_space<vmem_shared>>)
    %dma_wait3A_55 = arith.constant 0 : i32
    %dma_wait3A_56 = arith.constant 0 : i32
    %dma_wait3A_57 = tpu.memref_slice %arg8[%dma_wait3A_55, %dma_wait3A_56] : memref<80x128xi32, #tpu.memory_space<vmem>> -> memref<1x128xi32, #tpu.memory_space<vmem>>
    %dma_wait3A_58 = tpu.memref_squeeze %dma_wait3A_57 : memref<1x128xi32, #tpu.memory_space<vmem>> -> memref<128xi32, #tpu.memory_space<vmem>>
    %dma_wait3A_59 = arith.constant 0 : i32
    %dma_wait3A_60 = arith.constant 0 : i32
    %dma_wait3A_61 = tpu.memref_slice %arg7[%dma_wait3A_59, %dma_wait3A_60] : memref<10240x16xf32, #tpu.memory_space<vmem_shared>> -> memref<10240x16xf32, #tpu.memory_space<vmem_shared>>
    tpu.wait_indirect_dma semaphore(%arg10 : memref<!tpu.dma_semaphore, #tpu.memory_space<semaphore_mem>>) src(%arg9 : memref<128x16xf32, #tpu.memory_space<vmem>>) dst(%dma_wait3A_61 : memref<10240x16xf32, #tpu.memory_space<vmem_shared>>)
    %dma_wait3A_62 = arith.constant 0 : i32
    %dma_wait3A_63 = arith.constant 0 : i32
    %dma_wait3A_64 = tpu.memref_slice %arg8[%dma_wait3A_62, %dma_wait3A_63] : memref<80x128xi32, #tpu.memory_space<vmem>> -> memref<1x128xi32, #tpu.memory_space<vmem>>
    %dma_wait3A_65 = tpu.memref_squeeze %dma_wait3A_64 : memref<1x128xi32, #tpu.memory_space<vmem>> -> memref<128xi32, #tpu.memory_space<vmem>>
    %dma_wait3A_66 = arith.constant 0 : i32
    %dma_wait3A_67 = arith.constant 0 : i32
    %dma_wait3A_68 = tpu.memref_slice %arg7[%dma_wait3A_66, %dma_wait3A_67] : memref<10240x16xf32, #tpu.memory_space<vmem_shared>> -> memref<10240x16xf32, #tpu.memory_space<vmem_shared>>
    tpu.wait_indirect_dma semaphore(%arg10 : memref<!tpu.dma_semaphore, #tpu.memory_space<semaphore_mem>>) src(%arg9 : memref<128x16xf32, #tpu.memory_space<vmem>>) dst(%dma_wait3A_68 : memref<10240x16xf32, #tpu.memory_space<vmem_shared>>)
    %barrier3A_69 = arith.constant 0 : index
    tpu.barrier barrier_id(%barrier3A_69)
    %mul3A_70 = arith.constant 640 : i32
    %mul3A_71 = arith.muli %arg1, %mul3A_70 : i32
    %mul3A_72 = arith.constant 640 : i32
    %mul3A_73 = arith.muli %arg1, %mul3A_72 : i32
    "tpu.region"() ({
      %run_scoped3A = tpu.sem_alloc : memref<!tpu.dma_semaphore, #tpu.memory_space<semaphore_mem>>
      %dma_start3A = arith.constant 0 : i32
      %dma_start3A_74 = tpu.memref_slice %arg6[%arg0, %mul3A_73, %dma_start3A] : memref<2x10240x16xf32, #tpu.memory_space<hbm>> -> memref<1x640x16xf32, #tpu.memory_space<hbm>>
      %dma_start3A_75 = tpu.memref_squeeze %dma_start3A_74 : memref<1x640x16xf32, #tpu.memory_space<hbm>> -> memref<640x16xf32, #tpu.memory_space<hbm>>
      %dma_start3A_76 = arith.constant 0 : i32
      %dma_start3A_77 = tpu.memref_slice %arg7[%mul3A_71, %dma_start3A_76] : memref<10240x16xf32, #tpu.memory_space<vmem_shared>> -> memref<640x16xf32, #tpu.memory_space<vmem_shared>>
      tpu.enqueue_dma source(%dma_start3A_77 : memref<640x16xf32, #tpu.memory_space<vmem_shared>>) target(%dma_start3A_75 : memref<640x16xf32, #tpu.memory_space<hbm>>) target_semaphore(%run_scoped3A : memref<!tpu.dma_semaphore, #tpu.memory_space<semaphore_mem>>)
      %dma_wait3A_78 = arith.constant 0 : i32
      %dma_wait3A_79 = tpu.memref_slice %arg6[%arg0, %mul3A_73, %dma_wait3A_78] : memref<2x10240x16xf32, #tpu.memory_space<hbm>> -> memref<1x640x16xf32, #tpu.memory_space<hbm>>
      %dma_wait3A_80 = tpu.memref_squeeze %dma_wait3A_79 : memref<1x640x16xf32, #tpu.memory_space<hbm>> -> memref<640x16xf32, #tpu.memory_space<hbm>>
      %dma_wait3A_81 = arith.constant 0 : i32
      %dma_wait3A_82 = tpu.memref_slice %arg7[%mul3A_71, %dma_wait3A_81] : memref<10240x16xf32, #tpu.memory_space<vmem_shared>> -> memref<640x16xf32, #tpu.memory_space<vmem_shared>>
      tpu.wait_dma2 semaphore(%run_scoped3A : memref<!tpu.dma_semaphore, #tpu.memory_space<semaphore_mem>>) src(%dma_wait3A_82 : memref<640x16xf32, #tpu.memory_space<vmem_shared>>) dst(%dma_wait3A_80 : memref<640x16xf32, #tpu.memory_space<hbm>>)
      tpu.yield
    }) : () -> ()
    return
  }
}

module attributes {stable_mosaic.version = 14 : i64} {
  func.func @_tc_prescale_body(%arg0: i32, %arg1: memref<2048x128xf32, #tpu.memory_space<vmem>>, %arg2: memref<2x2048x16xf32, #tpu.memory_space<vmem>>, %arg3: memref<2x2048x64xf32, #tpu.memory_space<vmem>>, %arg4: memref<2048x16xf32, #tpu.memory_space<vmem>>) attributes {dimension_semantics = [#tpu.dimension_semantics<arbitrary>], iteration_bounds = array<i64: 5>, scalar_prefetch = 0 : i64, scratch_operands = 0 : i64, tpu.core_type = #tpu.core_type<tc>, window_params = [{transform_indices = @transform_0, window_bounds = array<i64: 2048, 128>}, {transform_indices = @transform_1, window_bounds = array<i64: 2, 2048, 16>}, {transform_indices = @transform_2, window_bounds = array<i64: 2, 2048, 64>}, {transform_indices = @transform_3, window_bounds = array<i64: 2048, 16>}]} {
    %get3A = arith.constant 0 : index
    %get3A_0 = arith.constant 0 : index
    %get3A_1 = arith.constant 0 : index
    %get3A_2 = vector.load %arg2[%get3A, %get3A_0, %get3A_1] : memref<2x2048x16xf32, #tpu.memory_space<vmem>>, vector<1x2048x1xf32>
    %get3A_3 = vector.shape_cast %get3A_2 : vector<1x2048x1xf32> to vector<2048x1xf32>
    %add3A = arith.constant 1.000000e+00 : f32
    %add3A_4 = vector.broadcast %add3A : f32 to vector<2048x1xf32>
    %add3A_5 = arith.addf %add3A_4, %get3A_3 : vector<2048x1xf32>
    %get3A_6 = arith.constant 1 : index
    %get3A_7 = arith.constant 0 : index
    %get3A_8 = arith.constant 0 : index
    %get3A_9 = vector.load %arg2[%get3A_6, %get3A_7, %get3A_8] : memref<2x2048x16xf32, #tpu.memory_space<vmem>>, vector<1x2048x1xf32>
    %get3A_10 = vector.shape_cast %get3A_9 : vector<1x2048x1xf32> to vector<2048x1xf32>
    %add3A_11 = arith.addf %add3A_5, %get3A_10 : vector<2048x1xf32>
    %rsqrt3A = math.rsqrt %add3A_11 : vector<2048x1xf32>
    %get3A_12 = arith.constant 0 : index
    %get3A_13 = arith.constant 0 : index
    %get3A_14 = vector.load %arg1[%get3A_12, %get3A_13] : memref<2048x128xf32, #tpu.memory_space<vmem>>, vector<2048x64xf32>
    %mul3A = vector.broadcast %rsqrt3A : vector<2048x1xf32> to vector<2048x64xf32>
    %mul3A_15 = arith.mulf %get3A_14, %mul3A : vector<2048x64xf32>
    %swap3A = arith.constant 0 : index
    %swap3A_16 = arith.constant 0 : index
    %swap3A_17 = arith.constant 0 : index
    %swap3A_18 = vector.load %arg3[%swap3A, %swap3A_16, %swap3A_17] : memref<2x2048x64xf32, #tpu.memory_space<vmem>>, vector<1x2048x64xf32>
    %swap3A_19 = vector.shape_cast %swap3A_18 : vector<1x2048x64xf32> to vector<2048x64xf32>
    %swap3A_20 = vector.shape_cast %mul3A_15 : vector<2048x64xf32> to vector<1x2048x64xf32>
    tpu.vector_store %arg3[%swap3A, %swap3A_16, %swap3A_17], %swap3A_20 {strides = array<i32>} : memref<2x2048x64xf32, #tpu.memory_space<vmem>>, vector<1x2048x64xf32>,
    %get3A_21 = arith.constant 0 : index
    %get3A_22 = arith.constant 64 : index
    %get3A_23 = vector.load %arg1[%get3A_21, %get3A_22] : memref<2048x128xf32, #tpu.memory_space<vmem>>, vector<2048x64xf32>
    %mul3A_24 = vector.broadcast %rsqrt3A : vector<2048x1xf32> to vector<2048x64xf32>
    %mul3A_25 = arith.mulf %get3A_23, %mul3A_24 : vector<2048x64xf32>
    %swap3A_26 = arith.constant 1 : index
    %swap3A_27 = arith.constant 0 : index
    %swap3A_28 = arith.constant 0 : index
    %swap3A_29 = vector.load %arg3[%swap3A_26, %swap3A_27, %swap3A_28] : memref<2x2048x64xf32, #tpu.memory_space<vmem>>, vector<1x2048x64xf32>
    %swap3A_30 = vector.shape_cast %swap3A_29 : vector<1x2048x64xf32> to vector<2048x64xf32>
    %swap3A_31 = vector.shape_cast %mul3A_25 : vector<2048x64xf32> to vector<1x2048x64xf32>
    tpu.vector_store %arg3[%swap3A_26, %swap3A_27, %swap3A_28], %swap3A_31 {strides = array<i32>} : memref<2x2048x64xf32, #tpu.memory_space<vmem>>, vector<1x2048x64xf32>,
    %broadcast_in_dim3A = vector.shape_cast %rsqrt3A : vector<2048x1xf32> to vector<2048x1xf32>
    %broadcast_in_dim3A_32 = vector.broadcast %broadcast_in_dim3A : vector<2048x1xf32> to vector<2048x16xf32>
    %swap3A_33 = arith.constant 0 : index
    %swap3A_34 = arith.constant 0 : index
    %swap3A_35 = vector.load %arg4[%swap3A_33, %swap3A_34] : memref<2048x16xf32, #tpu.memory_space<vmem>>, vector<2048x16xf32>
    tpu.vector_store %arg4[%swap3A_33, %swap3A_34], %broadcast_in_dim3A_32 {strides = array<i32>} : memref<2048x16xf32, #tpu.memory_space<vmem>>, vector<2048x16xf32>,
    return
  }
  func.func @transform_0(%arg0: i32) -> (i32, i32) {
    %c0_i32 = arith.constant 0 : i32
    %c0_i32_0 = arith.constant 0 : i32
    return %arg0, %c0_i32 : i32, i32
  }
  func.func @transform_1(%arg0: i32) -> (i32, i32, i32) {
    %c0_i32 = arith.constant 0 : i32
    %c0_i32_0 = arith.constant 0 : i32
    %c0_i32_1 = arith.constant 0 : i32
    return %c0_i32, %arg0, %c0_i32_0 : i32, i32, i32
  }
  func.func @transform_2(%arg0: i32) -> (i32, i32, i32) {
    %c0_i32 = arith.constant 0 : i32
    %c0_i32_0 = arith.constant 0 : i32
    %c0_i32_1 = arith.constant 0 : i32
    return %c0_i32, %arg0, %c0_i32_0 : i32, i32, i32
  }
  func.func @transform_3(%arg0: i32) -> (i32, i32) {
    %c0_i32 = arith.constant 0 : i32
    %c0_i32_0 = arith.constant 0 : i32
    return %arg0, %c0_i32 : i32, i32
  }
}

module attributes {stable_mosaic.version = 14 : i64} {
  func.func @_tc_layer1_body(%arg0: i32, %arg1: memref<2x2048x64xf32, #tpu.memory_space<vmem>>, %arg2: memref<2x2048x64xf32, #tpu.memory_space<vmem>>, %arg3: memref<2048x16xf32, #tpu.memory_space<vmem>>, %arg4: memref<128x512xf32, #tpu.memory_space<vmem>>, %arg5: memref<1x512xf32, #tpu.memory_space<vmem>>, %arg6: memref<512x64xf32, #tpu.memory_space<vmem>>, %arg7: memref<2048x64xf32, #tpu.memory_space<vmem>>) attributes {dimension_semantics = [#tpu.dimension_semantics<arbitrary>], iteration_bounds = array<i64: 5>, scalar_prefetch = 0 : i64, scratch_operands = 0 : i64, tpu.core_type = #tpu.core_type<tc>, window_params = [{transform_indices = @transform_0, window_bounds = array<i64: 2, 2048, 64>}, {transform_indices = @transform_1, window_bounds = array<i64: 2, 2048, 64>}, {transform_indices = @transform_2, window_bounds = array<i64: 2048, 16>}, {pipeline_mode = #tpu.pipeline_mode<synchronous>, transform_indices = @transform_3, window_bounds = array<i64: 128, 512>}, {pipeline_mode = #tpu.pipeline_mode<synchronous>, transform_indices = @transform_4, window_bounds = array<i64: 1, 512>}, {pipeline_mode = #tpu.pipeline_mode<synchronous>, transform_indices = @transform_5, window_bounds = array<i64: 512, 64>}, {transform_indices = @transform_6, window_bounds = array<i64: 2048, 64>}]} {
    %get3A = arith.constant 0 : index
    %get3A_0 = arith.constant 0 : index
    %get3A_1 = vector.load %arg3[%get3A, %get3A_0] : memref<2048x16xf32, #tpu.memory_space<vmem>>, vector<2048x1xf32>
    %get3A_2 = arith.constant 0 : index
    %get3A_3 = arith.constant 0 : index
    %get3A_4 = arith.constant 0 : index
    %get3A_5 = vector.load %arg1[%get3A_2, %get3A_3, %get3A_4] : memref<2x2048x64xf32, #tpu.memory_space<vmem>>, vector<1x2048x64xf32>
    %get3A_6 = vector.shape_cast %get3A_5 : vector<1x2048x64xf32> to vector<2048x64xf32>
    %get3A_7 = arith.constant 0 : index
    %get3A_8 = arith.constant 0 : index
    %get3A_9 = arith.constant 0 : index
    %get3A_10 = vector.load %arg2[%get3A_7, %get3A_8, %get3A_9] : memref<2x2048x64xf32, #tpu.memory_space<vmem>>, vector<1x2048x64xf32>
    %get3A_11 = vector.shape_cast %get3A_10 : vector<1x2048x64xf32> to vector<2048x64xf32>
    %add3A = arith.addf %get3A_6, %get3A_11 : vector<2048x64xf32>
    %get3A_12 = arith.constant 1 : index
    %get3A_13 = arith.constant 0 : index
    %get3A_14 = arith.constant 0 : index
    %get3A_15 = vector.load %arg1[%get3A_12, %get3A_13, %get3A_14] : memref<2x2048x64xf32, #tpu.memory_space<vmem>>, vector<1x2048x64xf32>
    %get3A_16 = vector.shape_cast %get3A_15 : vector<1x2048x64xf32> to vector<2048x64xf32>
    %get3A_17 = arith.constant 1 : index
    %get3A_18 = arith.constant 0 : index
    %get3A_19 = arith.constant 0 : index
    %get3A_20 = vector.load %arg2[%get3A_17, %get3A_18, %get3A_19] : memref<2x2048x64xf32, #tpu.memory_space<vmem>>, vector<1x2048x64xf32>
    %get3A_21 = vector.shape_cast %get3A_20 : vector<1x2048x64xf32> to vector<2048x64xf32>
    %add3A_22 = arith.addf %get3A_16, %get3A_21 : vector<2048x64xf32>
    %concatenate3A = tpu.concatenate %add3A, %add3A_22 in 1 : vector<2048x64xf32>, vector<2048x64xf32> -> vector<2048x128xf32>
    %mul3A = vector.broadcast %get3A_1 : vector<2048x1xf32> to vector<2048x128xf32>
    %mul3A_23 = arith.mulf %mul3A, %concatenate3A : vector<2048x128xf32>
    %get3A_24 = arith.constant 0 : index
    %get3A_25 = arith.constant 0 : index
    %get3A_26 = vector.load %arg4[%get3A_24, %get3A_25] : memref<128x512xf32, #tpu.memory_space<vmem>>, vector<128x512xf32>
    %dot_general3A = arith.constant dense<0.000000e+00> : vector<2048x512xf32>
    %dot_general3A_27 = tpu.matmul %mul3A_23, %get3A_26, %dot_general3A {dimension_numbers = #tpu.dot_dimension_numbers<[1], [0], [0], [1], [0, 0, 1, 1], [], []>, transpose_lhs_hint = false} : vector<2048x128xf32>, vector<128x512xf32>, vector<2048x512xf32> -> vector<2048x512xf32>
    %get3A_28 = arith.constant 0 : index
    %get3A_29 = arith.constant 0 : index
    %get3A_30 = vector.load %arg5[%get3A_28, %get3A_29] : memref<1x512xf32, #tpu.memory_space<vmem>>, vector<1x512xf32>
    %add3A_31 = vector.broadcast %get3A_30 : vector<1x512xf32> to vector<2048x512xf32>
    %add3A_32 = arith.addf %dot_general3A_27, %add3A_31 : vector<2048x512xf32>
    %max3A = arith.constant 0.000000e+00 : f32
    %max3A_33 = vector.broadcast %max3A : f32 to vector<2048x512xf32>
    %max3A_34 = arith.maximumf %add3A_32, %max3A_33 : vector<2048x512xf32>
    %get3A_35 = arith.constant 0 : index
    %get3A_36 = arith.constant 0 : index
    %get3A_37 = vector.load %arg6[%get3A_35, %get3A_36] : memref<512x64xf32, #tpu.memory_space<vmem>>, vector<512x64xf32>
    %dot_general3A_38 = arith.constant dense<0.000000e+00> : vector<2048x64xf32>
    %dot_general3A_39 = tpu.matmul %max3A_34, %get3A_37, %dot_general3A_38 {dimension_numbers = #tpu.dot_dimension_numbers<[1], [0], [0], [1], [0, 0, 1, 1], [], []>, transpose_lhs_hint = false} : vector<2048x512xf32>, vector<512x64xf32>, vector<2048x64xf32> -> vector<2048x64xf32>
    %mul3A_40 = arith.constant 2048 : i32
    %mul3A_41 = arith.muli %arg0, %mul3A_40 : i32
    %iota3A = tpu.iota {dimensions = array<i32: 0>} : vector<2048x1xi32>
    %add3A_42 = vector.broadcast %mul3A_41 : i32 to vector<2048x1xi32>
    %add3A_43 = arith.addi %add3A_42, %iota3A : vector<2048x1xi32>
    %lt3A = arith.constant 10000 : i32
    %lt3A_44 = vector.broadcast %lt3A : i32 to vector<2048x1xi32>
    %lt3A_45 = arith.cmpi slt, %add3A_43, %lt3A_44 : vector<2048x1xi32>
    %mul3A_46 = vector.broadcast %get3A_1 : vector<2048x1xf32> to vector<2048x64xf32>
    %mul3A_47 = arith.mulf %mul3A_46, %dot_general3A_39 : vector<2048x64xf32>
    %jit3A = arith.constant 0.000000e+00 : f32
    %broadcast_in_dim3A = vector.shape_cast %lt3A_45 : vector<2048x1xi1> to vector<2048x1xi1>
    %broadcast_in_dim3A_48 = vector.broadcast %broadcast_in_dim3A : vector<2048x1xi1> to vector<2048x64xi1>
    %broadcast_in_dim3A_49 = vector.broadcast %jit3A : f32 to vector<2048x64xf32>
    %select_n3A = arith.select %broadcast_in_dim3A_48, %mul3A_47, %broadcast_in_dim3A_49 : vector<2048x64xi1>, vector<2048x64xf32>
    %swap3A = arith.constant 0 : index
    %swap3A_50 = arith.constant 0 : index
    %swap3A_51 = vector.load %arg7[%swap3A, %swap3A_50] : memref<2048x64xf32, #tpu.memory_space<vmem>>, vector<2048x64xf32>
    tpu.vector_store %arg7[%swap3A, %swap3A_50], %select_n3A {strides = array<i32>} : memref<2048x64xf32, #tpu.memory_space<vmem>>, vector<2048x64xf32>,
    return
  }
  func.func @transform_0(%arg0: i32) -> (i32, i32, i32) {
    %c0_i32 = arith.constant 0 : i32
    %c0_i32_0 = arith.constant 0 : i32
    %c0_i32_1 = arith.constant 0 : i32
    return %c0_i32, %arg0, %c0_i32_0 : i32, i32, i32
  }
  func.func @transform_1(%arg0: i32) -> (i32, i32, i32) {
    %c0_i32 = arith.constant 0 : i32
    %c0_i32_0 = arith.constant 0 : i32
    %c0_i32_1 = arith.constant 0 : i32
    return %c0_i32, %arg0, %c0_i32_0 : i32, i32, i32
  }
  func.func @transform_2(%arg0: i32) -> (i32, i32) {
    %c0_i32 = arith.constant 0 : i32
    %c0_i32_0 = arith.constant 0 : i32
    return %arg0, %c0_i32 : i32, i32
  }
  func.func @transform_3(%arg0: i32) -> (i32, i32) {
    %c0_i32 = arith.constant 0 : i32
    %c0_i32_0 = arith.constant 0 : i32
    %c0_i32_1 = arith.constant 0 : i32
    return %c0_i32, %c0_i32_0 : i32, i32
  }
  func.func @transform_4(%arg0: i32) -> (i32, i32) {
    %c0_i32 = arith.constant 0 : i32
    %c0_i32_0 = arith.constant 0 : i32
    %c0_i32_1 = arith.constant 0 : i32
    return %c0_i32, %c0_i32_0 : i32, i32
  }
  func.func @transform_5(%arg0: i32) -> (i32, i32) {
    %c0_i32 = arith.constant 0 : i32
    %c0_i32_0 = arith.constant 0 : i32
    %c0_i32_1 = arith.constant 0 : i32
    return %c0_i32, %c0_i32_0 : i32, i32
  }
  func.func @transform_6(%arg0: i32) -> (i32, i32) {
    %c0_i32 = arith.constant 0 : i32
    %c0_i32_0 = arith.constant 0 : i32
    return %arg0, %c0_i32 : i32, i32
  }
}

module attributes {stable_mosaic.version = 14 : i64} {
  func.func @_tc_pool_body(%arg0: i32, %arg1: memref<2048x64xf32, #tpu.memory_space<vmem>>, %arg2: memref<2x2048x64xf32, #tpu.memory_space<vmem>>, %arg3: memref<2048x16xf32, #tpu.memory_space<vmem>>, %arg4: memref<1x64xf32, #tpu.memory_space<vmem>>, %arg5: memref<2048x1xi32, #tpu.memory_space<vmem>>, %arg6: memref<64x64xf32, #tpu.memory_space<vmem>>, %arg7: memref<64x128xf32, #tpu.memory_space<vmem>>) attributes {dimension_semantics = [#tpu.dimension_semantics<arbitrary>], iteration_bounds = array<i64: 5>, scalar_prefetch = 0 : i64, scratch_operands = 1 : i64, tpu.core_type = #tpu.core_type<tc>, window_params = [{transform_indices = @transform_0, window_bounds = array<i64: 2048, 64>}, {transform_indices = @transform_1, window_bounds = array<i64: 2, 2048, 64>}, {transform_indices = @transform_2, window_bounds = array<i64: 2048, 16>}, {pipeline_mode = #tpu.pipeline_mode<synchronous>, transform_indices = @transform_3, window_bounds = array<i64: 1, 64>}, {transform_indices = @transform_4, window_bounds = array<i64: 2048, 1>}, {pipeline_mode = #tpu.pipeline_mode<synchronous>, transform_indices = @transform_5, window_bounds = array<i64: 64, 64>}]} {
    %get3A = arith.constant 0 : index
    %get3A_0 = arith.constant 0 : index
    %get3A_1 = vector.load %arg3[%get3A, %get3A_0] : memref<2048x16xf32, #tpu.memory_space<vmem>>, vector<2048x1xf32>
    %get3A_2 = arith.constant 0 : index
    %get3A_3 = arith.constant 0 : index
    %get3A_4 = vector.load %arg1[%get3A_2, %get3A_3] : memref<2048x64xf32, #tpu.memory_space<vmem>>, vector<2048x64xf32>
    %get3A_5 = arith.constant 0 : index
    %get3A_6 = arith.constant 0 : index
    %get3A_7 = arith.constant 0 : index
    %get3A_8 = vector.load %arg2[%get3A_5, %get3A_6, %get3A_7] : memref<2x2048x64xf32, #tpu.memory_space<vmem>>, vector<1x2048x64xf32>
    %get3A_9 = vector.shape_cast %get3A_8 : vector<1x2048x64xf32> to vector<2048x64xf32>
    %add3A = arith.addf %get3A_4, %get3A_9 : vector<2048x64xf32>
    %get3A_10 = arith.constant 1 : index
    %get3A_11 = arith.constant 0 : index
    %get3A_12 = arith.constant 0 : index
    %get3A_13 = vector.load %arg2[%get3A_10, %get3A_11, %get3A_12] : memref<2x2048x64xf32, #tpu.memory_space<vmem>>, vector<1x2048x64xf32>
    %get3A_14 = vector.shape_cast %get3A_13 : vector<1x2048x64xf32> to vector<2048x64xf32>
    %add3A_15 = arith.addf %add3A, %get3A_14 : vector<2048x64xf32>
    %mul3A = vector.broadcast %get3A_1 : vector<2048x1xf32> to vector<2048x64xf32>
    %mul3A_16 = arith.mulf %mul3A, %add3A_15 : vector<2048x64xf32>
    %get3A_17 = arith.constant 0 : index
    %get3A_18 = arith.constant 0 : index
    %get3A_19 = vector.load %arg4[%get3A_17, %get3A_18] : memref<1x64xf32, #tpu.memory_space<vmem>>, vector<1x64xf32>
    %add3A_20 = vector.broadcast %get3A_19 : vector<1x64xf32> to vector<2048x64xf32>
    %add3A_21 = arith.addf %mul3A_16, %add3A_20 : vector<2048x64xf32>
    %max3A = arith.constant 0.000000e+00 : f32
    %max3A_22 = vector.broadcast %max3A : f32 to vector<2048x64xf32>
    %max3A_23 = arith.maximumf %add3A_21, %max3A_22 : vector<2048x64xf32>
    %mul3A_24 = arith.constant 2048 : i32
    %mul3A_25 = arith.muli %arg0, %mul3A_24 : i32
    %iota3A = tpu.iota {dimensions = array<i32: 0>} : vector<2048x1xi32>
    %add3A_26 = vector.broadcast %mul3A_25 : i32 to vector<2048x1xi32>
    %add3A_27 = arith.addi %add3A_26, %iota3A : vector<2048x1xi32>
    %lt3A = arith.constant 10000 : i32
    %lt3A_28 = vector.broadcast %lt3A : i32 to vector<2048x1xi32>
    %lt3A_29 = arith.cmpi slt, %add3A_27, %lt3A_28 : vector<2048x1xi32>
    %jit3A = arith.constant 0.000000e+00 : f32
    %broadcast_in_dim3A = vector.shape_cast %lt3A_29 : vector<2048x1xi1> to vector<2048x1xi1>
    %broadcast_in_dim3A_30 = vector.broadcast %broadcast_in_dim3A : vector<2048x1xi1> to vector<2048x64xi1>
    %broadcast_in_dim3A_31 = vector.broadcast %jit3A : f32 to vector<2048x64xf32>
    %select_n3A = arith.select %broadcast_in_dim3A_30, %max3A_23, %broadcast_in_dim3A_31 : vector<2048x64xi1>, vector<2048x64xf32>
    %get3A_32 = arith.constant 0 : index
    %get3A_33 = arith.constant 0 : index
    %get3A_34 = vector.load %arg5[%get3A_32, %get3A_33] : memref<2048x1xi32, #tpu.memory_space<vmem>>, vector<2048x1xi32>
    %iota3A_35 = tpu.iota {dimensions = array<i32: 1>} : vector<1x64xi32>
    %eq3A = vector.broadcast %get3A_34 : vector<2048x1xi32> to vector<2048x64xi32>
    %eq3A_36 = vector.broadcast %iota3A_35 : vector<1x64xi32> to vector<2048x64xi32>
    %eq3A_37 = arith.cmpi eq, %eq3A, %eq3A_36 : vector<2048x64xi32>
    %convert_element_type3A = arith.extui %eq3A_37 : vector<2048x64xi1> to vector<2048x64xi32>
    %convert_element_type3A_38 = arith.sitofp %convert_element_type3A : vector<2048x64xi32> to vector<2048x64xf32>
    %dot_general3A = arith.constant dense<0.000000e+00> : vector<64x64xf32>
    %dot_general3A_39 = tpu.matmul %convert_element_type3A_38, %select_n3A, %dot_general3A {dimension_numbers = #tpu.dot_dimension_numbers<[0], [0], [1], [1], [0, 1, 1, 1], [], []>, transpose_lhs_hint = false} : vector<2048x64xf32>, vector<2048x64xf32>, vector<64x64xf32> -> vector<64x64xf32>
    %broadcast_in_dim3A_40 = arith.constant 1.000000e+00 : f32
    %broadcast_in_dim3A_41 = vector.broadcast %broadcast_in_dim3A_40 : f32 to vector<2048x1xf32>
    %dot_general3A_42 = arith.constant dense<0.000000e+00> : vector<64x1xf32>
    %dot_general3A_43 = tpu.matmul %convert_element_type3A_38, %broadcast_in_dim3A_41, %dot_general3A_42 {dimension_numbers = #tpu.dot_dimension_numbers<[0], [0], [1], [1], [0, 1, 1, 1], [], []>, transpose_lhs_hint = false} : vector<2048x64xf32>, vector<2048x1xf32>, vector<64x1xf32> -> vector<64x1xf32>
    %eq3A_44 = arith.constant 0 : i32
    %eq3A_45 = arith.cmpi eq, %arg0, %eq3A_44 : i32
    %convert_element_type3A_46 = arith.extui %eq3A_45 : i1 to i32
    %cond3A = arith.constant 0 : i32
    %cond3A_47 = arith.cmpi ne, %convert_element_type3A_46, %cond3A : i32
    scf.if %cond3A_47 {
      %broadcast_in_dim3A_66 = arith.constant 0.000000e+00 : f32
      %broadcast_in_dim3A_67 = vector.broadcast %broadcast_in_dim3A_66 : f32 to vector<64x64xf32>
      %swap3A_68 = arith.constant 0 : index
      %swap3A_69 = arith.constant 0 : index
      %swap3A_70 = vector.load %arg6[%swap3A_68, %swap3A_69] : memref<64x64xf32, #tpu.memory_space<vmem>>, vector<64x64xf32>
      tpu.vector_store %arg6[%swap3A_68, %swap3A_69], %broadcast_in_dim3A_67 {strides = array<i32>} : memref<64x64xf32, #tpu.memory_space<vmem>>, vector<64x64xf32>,
      %broadcast_in_dim3A_71 = arith.constant 0.000000e+00 : f32
      %broadcast_in_dim3A_72 = vector.broadcast %broadcast_in_dim3A_71 : f32 to vector<64x128xf32>
      %swap3A_73 = arith.constant 0 : index
      %swap3A_74 = arith.constant 0 : index
      %swap3A_75 = vector.load %arg7[%swap3A_73, %swap3A_74] : memref<64x128xf32, #tpu.memory_space<vmem>>, vector<64x128xf32>
      tpu.vector_store %arg7[%swap3A_73, %swap3A_74], %broadcast_in_dim3A_72 {strides = array<i32>} : memref<64x128xf32, #tpu.memory_space<vmem>>, vector<64x128xf32>,
    } else {
    }
    %get3A_48 = arith.constant 0 : index
    %get3A_49 = arith.constant 0 : index
    %get3A_50 = vector.load %arg6[%get3A_48, %get3A_49] : memref<64x64xf32, #tpu.memory_space<vmem>>, vector<64x64xf32>
    %add3A_51 = arith.addf %get3A_50, %dot_general3A_39 : vector<64x64xf32>
    %swap3A = arith.constant 0 : index
    %swap3A_52 = arith.constant 0 : index
    %swap3A_53 = vector.load %arg6[%swap3A, %swap3A_52] : memref<64x64xf32, #tpu.memory_space<vmem>>, vector<64x64xf32>
    tpu.vector_store %arg6[%swap3A, %swap3A_52], %add3A_51 {strides = array<i32>} : memref<64x64xf32, #tpu.memory_space<vmem>>, vector<64x64xf32>,
    %get3A_54 = arith.constant 0 : index
    %get3A_55 = arith.constant 0 : index
    %get3A_56 = vector.load %arg7[%get3A_54, %get3A_55] : memref<64x128xf32, #tpu.memory_space<vmem>>, vector<64x1xf32>
    %add3A_57 = arith.addf %get3A_56, %dot_general3A_43 : vector<64x1xf32>
    %swap3A_58 = arith.constant 0 : index
    %swap3A_59 = arith.constant 0 : index
    %swap3A_60 = vector.load %arg7[%swap3A_58, %swap3A_59] : memref<64x128xf32, #tpu.memory_space<vmem>>, vector<64x1xf32>
    tpu.vector_store %arg7[%swap3A_58, %swap3A_59], %add3A_57 {strides = array<i32>} : memref<64x128xf32, #tpu.memory_space<vmem>>, vector<64x1xf32>,
    %eq3A_61 = arith.constant 4 : i32
    %eq3A_62 = arith.cmpi eq, %arg0, %eq3A_61 : i32
    %convert_element_type3A_63 = arith.extui %eq3A_62 : i1 to i32
    %cond3A_64 = arith.constant 0 : i32
    %cond3A_65 = arith.cmpi ne, %convert_element_type3A_63, %cond3A_64 : i32
    scf.if %cond3A_65 {
      %get3A_66 = arith.constant 0 : index
      %get3A_67 = arith.constant 0 : index
      %get3A_68 = vector.load %arg6[%get3A_66, %get3A_67] : memref<64x64xf32, #tpu.memory_space<vmem>>, vector<64x64xf32>
      %get3A_69 = arith.constant 0 : index
      %get3A_70 = arith.constant 0 : index
      %get3A_71 = vector.load %arg7[%get3A_69, %get3A_70] : memref<64x128xf32, #tpu.memory_space<vmem>>, vector<64x1xf32>
      %max3A_72 = arith.constant 1.000000e+00 : f32
      %max3A_73 = vector.broadcast %max3A_72 : f32 to vector<64x1xf32>
      %max3A_74 = arith.maximumf %get3A_71, %max3A_73 : vector<64x1xf32>
      %div3A = vector.broadcast %max3A_74 : vector<64x1xf32> to vector<64x64xf32>
      %div3A_75 = arith.divf %get3A_68, %div3A : vector<64x64xf32>
      %swap3A_76 = arith.constant 0 : index
      %swap3A_77 = arith.constant 0 : index
      %swap3A_78 = vector.load %arg6[%swap3A_76, %swap3A_77] : memref<64x64xf32, #tpu.memory_space<vmem>>, vector<64x64xf32>
      tpu.vector_store %arg6[%swap3A_76, %swap3A_77], %div3A_75 {strides = array<i32>} : memref<64x64xf32, #tpu.memory_space<vmem>>, vector<64x64xf32>,
    } else {
    }
    return
  }
  func.func @transform_0(%arg0: i32) -> (i32, i32) {
    %c0_i32 = arith.constant 0 : i32
    %c0_i32_0 = arith.constant 0 : i32
    return %arg0, %c0_i32 : i32, i32
  }
  func.func @transform_1(%arg0: i32) -> (i32, i32, i32) {
    %c0_i32 = arith.constant 0 : i32
    %c0_i32_0 = arith.constant 0 : i32
    %c0_i32_1 = arith.constant 0 : i32
    return %c0_i32, %arg0, %c0_i32_0 : i32, i32, i32
  }
  func.func @transform_2(%arg0: i32) -> (i32, i32) {
    %c0_i32 = arith.constant 0 : i32
    %c0_i32_0 = arith.constant 0 : i32
    return %arg0, %c0_i32 : i32, i32
  }
  func.func @transform_3(%arg0: i32) -> (i32, i32) {
    %c0_i32 = arith.constant 0 : i32
    %c0_i32_0 = arith.constant 0 : i32
    %c0_i32_1 = arith.constant 0 : i32
    return %c0_i32, %c0_i32_0 : i32, i32
  }
  func.func @transform_4(%arg0: i32) -> (i32, i32) {
    %c0_i32 = arith.constant 0 : i32
    %c0_i32_0 = arith.constant 0 : i32
    return %arg0, %c0_i32 : i32, i32
  }
  func.func @transform_5(%arg0: i32) -> (i32, i32) {
    %c0_i32 = arith.constant 0 : i32
    %c0_i32_0 = arith.constant 0 : i32
    %c0_i32_1 = arith.constant 0 : i32
    return %c0_i32, %c0_i32_0 : i32, i32
  }
}

</mosaic_0001>

<sc_bundles>
// kernel: kernel.11.cloned.1.call-start
scs
__scs_entry_jumppad:
0x0: {  	(pc) =	sbr.rel $0x88, $3  }
0x1: {  	(tag) =	ssettag $0x0;
	lr =	simm.s32 $0x1  }
0x2: {  	[smem:$0x3F9A] =	sst lr;
	_ =	strace $0xD0000000  }
0x3: {  	_ = 	snop  }
0x4: {  	_ = 	snop  }
0x5: {  	_ = 	snop  }
0x6: {  	_ = 	snop  }
0x7: {  	_ = 	snop  }
__scs_overlays_trampoline_lowered:
0x8: {  	[smem:$0x3FA9] =	sst s0  }
0x9: {  	[smem:$0x3FAA] =	sst s1  }
0xa: {  	[smem:$0x3FAB] =	sst s2  }
0xb: {  	[smem:$0x3FAC] =	sst s3  }
0xc: {  	[smem:$0x3FAD] =	sst s4  }
0xd: {  	[smem:$0x3FAE] =	sst s5  }
0xe: {  	[smem:$0x3FAF] =	sst s6  }
0xf: {  	[smem:$0x3FB0] =	sst s7  }
0x10: {  	[smem:$0x3FB1] =	sst s8  }
0x11: {  	[smem:$0x3FB2] =	sst s9;
	s0 =	simm.s32 @!p0 $0x0  }
0x12: {  	s1 =	sld [smem:$0x3F98];
	s0 =	simm.s32 @p0 $0x1  }
0x13: {  	[smem:$0x3FB3] =	sst s0;
	s0 =	simm.s32 @!p1 $0x0  }
0x14: {  	s2 =	sld [smem:$0x3F97];
	s0 =	simm.s32 @p1 $0x1  }
0x15: {  	[smem:$0x3FB4] =	sst s0;
	s0 =	simm.s32 @!p2 $0x0  }
0x16: {  	s3 =	sld [smem:$0x3FDB];
	s0 =	simm.s32 @p2 $0x1  }
0x17: {  	s4 =	simm.s32 $0x1BF5;
	[smem:$0x3FB6] =	sst s0  }
0x18: {  	s0 =	sld [smem:$0x3F99];
	_ =	swait.ge [sflag:s4], $0x0  }
0x19: {  	s7 =	sld [smem:$0x3F9A]  }
0x1a: {  	s8 =	sadd.s32 $0xFFFFE003, lr  }
0x1b: {  	s9 =	sadd.s32 $0xFFFFFEF7, lr;
	s5 =	simm.s32 $0xFFFFFFFF;
	p2 =	slt.u32 s8, $0xFFFFF086  }
0x1c: {  	p1 =	slt.u32 s9, $0xF7A;
	s5 =	simm.s32 @!p2 $0x0  }
0x1d: {  	s5 =	simm.s32 @p1 $0x1;
	p0 =	seq.s32 s7, s2  }
0x1e: {  	s7 =	smul.u32 @!p0 $0xF7A, s2;
	p2 =	seq.s32 @!p0 s5, $0x0  }
0x1f: {  	s9 =	smul.u32 $0xF7A, s1;
	s8 =	simm.s32 @!p0 $0x1BF5;
	p2 =	por !p2, p0  }
0x20: {  	[sflag:s8] =	ssyncset.s32 @!p0 $0xFFFFF086;
	s6 =	sadd.s32 @!p0 s3, s7;
	s7 =	simm.s32 @!p0 $0x108  }
0x21: {  	s3 =	sadd.s32 s3, s9;
	s6 =	sadd.s32 @!p0 $0x88, s6;
	s7 =	simm.s32 @p2 $0x1082  }
0x22: {  	[simem:s7], [sflag:s8] =	dma.local @!p0 [hbm:s6], $0xF7A  }
0x23: {  	s9 =	sor.u32 $0xD0000000, s2;
	s6 =	simm.s32 $0x108;
	_ =	swait.ge @!p0 [sflag:s8], $0x0  }
0x24: {  	s3 =	sadd.s32 $0x88, s3;
	s6 =	simm.s32 @!p1 $0x1082;
	[sflag:s4] =	ssyncset.s32 $0xFFFFF086  }
0x25: {  	[simem:s6], [sflag:s4] =	dma.local [hbm:s3], $0xF7A  }
0x26: {  	[smem:$0x3F9A] =	sst s1;
	(tag) =	ssettag s2;
	_ =	strace s9  }
0x27: {  	s1 =	sld [smem:$0x3FAA]  }
0x28: {  	s2 =	sld [smem:$0x3FAB]  }
0x29: {  	s4 =	sld [smem:$0x3FAD]  }
0x2a: {  	p0 =	seq.s32 s5, $0x0;
	s5 =	sld [smem:$0x3FAE]  }
0x2b: {  	s6 =	sld [smem:$0x3FAF]  }
0x2c: {  	s7 =	sld [smem:$0x3FB0]  }
0x2d: {  	s3 =	simm.s32 $0x108;
	s8 =	sld [smem:$0x3FB1]  }
0x2e: {  	s3 =	simm.s32 @!p0 $0x1082;
	s9 =	sld [smem:$0x3FB2]  }
0x2f: {  	lr =	sadd.s32 s0, s3;
	s0 =	sld [smem:$0x3FA9]  }
0x30: {  	s3 =	sld [smem:$0x3FAC]  }
0x31: {  	[smem:$0x3FB5] =	sst s10  }
0x32: {  	s10 =	sld [smem:$0x3FB3];
	_ =	sdelay $0x3  }
0x33: {  	p0 =	seq.s32 s10, $0x1;
	s10 =	sld [smem:$0x3FB5];
	_ =	sdelay $0x3  }
0x34: {  	[smem:$0x3FB5] =	sst s10  }
0x35: {  	s10 =	sld [smem:$0x3FB4];
	_ =	sdelay $0x3  }
0x36: {  	p1 =	seq.s32 s10, $0x1;
	s10 =	sld [smem:$0x3FB5];
	_ =	sdelay $0x3  }
0x37: {  	[smem:$0x3FB5] =	sst s10  }
0x38: {  	s10 =	sld [smem:$0x3FB6]  }
0x39: {  	_ = 	snop;
	(pc) =	sbr.ind lr, $3  }
0x3a: {  	_ = 	snop  }
0x3b: {  	_ = 	snop  }
0x3c: {  	p2 =	seq.s32 s10, $0x1;
	s10 =	sld [smem:$0x3FB5]  }
0x3d: {  	_ =	shalt  }
0x3e: {  	_ =	shalt  }
0x3f: {  	_ =	shalt  }
0x40: {  	_ =	shalt  }
0x41: {  	_ =	shalt  }
0x42: {  	_ =	shalt  }
0x43: {  	_ =	shalt  }
0x44: {  	_ =	shalt  }
0x45: {  	_ =	shalt  }
0x46: {  	_ =	shalt  }
0x47: {  	_ =	shalt  }
0x48: {  	_ =	shalt  }
0x49: {  	_ =	shalt  }
0x4a: {  	_ =	shalt  }
0x4b: {  	_ =	shalt  }
0x4c: {  	_ =	shalt  }
0x4d: {  	_ =	shalt  }
0x4e: {  	_ =	shalt  }
0x4f: {  	_ =	shalt  }
0x50: {  	_ =	shalt  }
0x51: {  	_ =	shalt  }
0x52: {  	_ =	shalt  }
0x53: {  	_ =	shalt  }
0x54: {  	_ =	shalt  }
0x55: {  	_ =	shalt  }
0x56: {  	_ =	shalt  }
0x57: {  	_ =	shalt  }
0x58: {  	_ =	shalt  }
0x59: {  	_ =	shalt  }
0x5a: {  	_ =	shalt  }
0x5b: {  	_ =	shalt  }
0x5c: {  	_ =	shalt  }
0x5d: {  	_ =	shalt  }
0x5e: {  	_ =	shalt  }
0x5f: {  	_ =	shalt  }
0x60: {  	_ =	shalt  }
0x61: {  	_ =	shalt  }
0x62: {  	_ =	shalt  }
0x63: {  	_ =	shalt  }
0x64: {  	_ =	shalt  }
0x65: {  	_ =	shalt  }
0x66: {  	_ =	shalt  }
0x67: {  	_ =	shalt  }
0x68: {  	_ =	shalt  }
0x69: {  	_ =	shalt  }
0x6a: {  	_ =	shalt  }
0x6b: {  	_ =	shalt  }
0x6c: {  	_ =	shalt  }
0x6d: {  	_ =	shalt  }
0x6e: {  	_ =	shalt  }
0x6f: {  	_ =	shalt  }
0x70: {  	_ =	shalt  }
0x71: {  	_ =	shalt  }
0x72: {  	_ =	shalt  }
0x73: {  	_ =	shalt  }
0x74: {  	_ =	shalt  }
0x75: {  	_ =	shalt  }
0x76: {  	_ =	shalt  }
0x77: {  	_ =	shalt  }
0x78: {  	_ =	shalt  }
0x79: {  	_ =	shalt  }
0x7a: {  	_ =	shalt  }
0x7b: {  	_ =	shalt  }
0x7c: {  	_ =	shalt  }
0x7d: {  	_ =	shalt  }
0x7e: {  	_ =	shalt  }
0x7f: {  	_ =	shalt  }
0x80: {  	_ =	shalt  }
0x81: {  	_ =	shalt  }
0x82: {  	_ =	shalt  }
0x83: {  	_ =	shalt  }
0x84: {  	_ =	shalt  }
0x85: {  	_ =	shalt  }
0x86: {  	_ =	shalt  }
0x87: {  	_ =	shalt  }
.Lfunc_end0:
.L_simem_size_0:
called_computation.1_lowered:
.L_overlay_start_0:
0x88: {  	s2 =	sld [smem:$0x3FD9]  }
0x89: {  	s3 =	sld [smem:$0x3FFE];
	_ =	sdelay $0x1  }
0x8a: {  	s1 =	srdreg.scid  }
0x8b: {  	s0 =	sand.u32 $0x1, s1  }
0x8c: {  	s17 =	sshll.u32 s0, $0xA;
	s2 =	sadd.s32 s3, s2  }
0x8d: {  	s2 =	sadd.s32 s2, s17  }
0x8e: {  	[smem:$0x3FC1] =	sst s2  }
0x8f: {  	_ = 	snop  }
0x90: {  	s2 =	sld [smem:$0x3FD0];
	(tm) =	ssettm $0x1  }
0x91: {  	s18 =	sld [smem:$0x3FFB];
	_ =	sdelay $0x3  }
0x92: {  	_ =	strace s18  }
0x93: {  	s3 =	sld [smem:$0x3FFC];
	_ =	sdelay $0x3  }
0x94: {  	_ =	strace s3  }
0x95: {  	s3 =	sld [smem:$0x3FFD];
	_ =	sdelay $0x3  }
0x96: {  	_ =	strace s3  }
0x97: {  	_ =	strace $0x8FFFFFFF  }
0x98: {  	s19 =	sld [smem:$0x3FDB];
	_ =	sdelay $0x1  }
0x99: {  	s4 =	simm.s32 $_scs_section_size  }
0x9a: {  	s5 =	simm.s32 $_size__tile_overlayer_lowered;
	s6 =	simm.s32 $_tile_overlayer_lowered  }
0x9b: {  	s22 =	simm.s32 $0x1BFF;
	s21 =	sshll.u32 s6, $0x1;
	s3 =	sadd.s32 s4, s19  }
0x9c: {  	s7 =	simm.s32 $0x0;
	s20 =	sshll.u32 s5, $0x1;
	s5 =	sadd.s32 s21, s3  }
0x9d: {  	[timem:s7], [sflag:s22] =	dma.local [hbm:s5], s20  }
0x9e: {  	_ =	swait.ge [sflag:s22], s20  }
0x9f: {  	s4 =	ssub.s32 $0x0, s20;
	[sflag:s22] =	ssyncset.done $0x0  }
0xa0: {  	[sflag:s22] =	ssyncadd.s32 s4;
	_ =	sdelay $0x1  }
0xa1: {  	s23 =	simm.s32 $0x1B8B  }
0xa2: {  	_ =	swait.ge [sflag:s23], $0x1  }
0xa3: {  	[sflag:s23] =	ssyncset.done $0x0  }
0xa4: {  	s25 =	simm.s32 $0x1B8E;
	s24 =	sld [smem:$0x3FFE];
	[sflag:s23] =	ssyncadd.s32 $0xFFFFFFFF  }
0xa5: {  	s26 =	simm.s32 $execute0_lowered;
	[smem:$0x3FD2] =	sst s25  }
0xa6: {  	s5 =	sshll.u32 s26, $0x1;
	_ =	strace $0x80000049;
	[dreg:$0x1] =	wrdreg $0xFFFFFFFF  }
0xa7: {  	s28 =	simm.s32 $_size_execute0_lowered;
	s3 =	sadd.s32 s3, s5;
	[dreg:$0x0] =	wrdreg $0x0  }
0xa8: {  	s5 =	sshll.u32 s28, $0x1;
	[dreg:$0x2] =	wrdreg s3  }
0xa9: {  	[dreg:$0x3] =	wrdreg s5  }
0xaa: {  	[dreg:$0x4] =	wrdreg $0xC0  }
0xab: {  	_ =	task [dreg:s7], $0x5FFFF  }
0xac: {  	[dreg:$0x1] =	wrdreg $0xFFFFFFFF  }
0xad: {  	[dreg:$0x0] =	wrdreg $0x60  }
0xae: {  	[dreg:$0x2] =	wrdreg s24  }
0xaf: {  	[dreg:$0x3] =	wrdreg s2  }
0xb0: {  	[dreg:$0x4] =	wrdreg $0x0  }
0xb1: {  	[dreg:$0x5] =	wrdreg $0x9  }
0xb2: {  	_ =	task.clear_ibuf [dreg:s7], $0x6FFFF;
	_ =	strace $0x90000049  }
0xb3: {  	s29 =	simm.s32 $0x9;
	_ =	strace $0x8000004B  }
0xb4: {  	_ =	swait.ge [sflag:s29], $0x1  }
0xb5: {  	[sflag:s29] =	ssyncadd.s32 $0xFFFFFFFF  }
0xb6: {  	_ =	strace $0x9000004B  }
0xb7: {  	_ =	sfence  }
0xb8: {  	s30 =	sld [smem:$0x0];
	_ =	sdelay $0x2  }
0xb9: {  	s31 =	sshll.u32 s1, $0xD;
	s1 =	sshrl.u32 s1, $0x2  }
0xba: {  	s3 =	sand.u32 $0x4000, s31;
	s1 =	sadd.s32 s1, s30  }
0xbb: {  	s0 =	sor.u32 s3, s0;
	s1 =	sshll.u32 s1, $0x11  }
0xbc: {  	s0 =	sor.u32 s1, s0  }
0xbd: {  	s0 =	sadd.s32 $0x8F2B, s0  }
0xbe: {  	[sflag:s0] =	ssyncadd.remote.s32 $0x1  }
0xbf: {  	_ =	sfence.sel $0xFFFF  }
0xc0: {  	[dreg:$0x0] =	wrdreg $0xFFFFFFFF;
	(pc) =	sbr.abs _section_cstart, $3  }
0xc1: {  	[dreg:$0x1] =	wrdreg $0xFFFFFFFF  }
0xc2: {  	_ =	task.clear_ibuf [dreg:s7], $0x2FFFF;
	_ =	strace $0x9FFFFFFF  }
0xc3: {  	(tm) =	ssettm $0x7FFFFFFF  }
tec
execute0_lowered:
.L_overlay_start_1:
0x0: {  	(tag) =	ssettag $0x1  }
0x1: {  	s0 =	rddreg [dreg:$0x0];
	s2 =	srdreg.scid  }
0x2: {  	s3 =	rddreg [dreg:$0x2];
	s1 =	stileid.u32  }
0x3: {  	s4 =	simm.s32 $0x0;
	s15 =	simm.s32 $0x9;
	s16 =	simm.s32 $0x80  }
0x4: {  	s18 =	simm.s32 $0x14000;
	s20 =	simm.s32 $0x16000;
	s22 =	simm.s32 $0x18000  }
0x5: {  	s28 =	simm.s32 $0x2;
	s29 =	simm.s32 $0x5;
	s21 =	simm.s32 $0x4  }
0x6: {  	s31 =	simm.s32 $0x8;
	s2 =	sand.u32 $0x1, s2;
	s6 =	smul.u32 $0xA00, s1  }
0x7: {  	[smem:$0x7FF] =	sst s4;
	s10 =	smul.u32 $0xA000, s1;
	s25 =	sadd.s32 $0x3D400, s0  }
0x8: {  	s9 =	sadd.s32 $0x14C00, s0;
	p0 =	seq.s32 s1, $0xF;
	s30 =	sshll.u32 s1, $0x6  }
0x9: {  	s5 =	smul.u32 $0xA0000, s2;
	_ =	strace $0x8000004A;
	s2 =	ssub.s32 $0x2, s2  }
0xa: {  	[dreg:$0x4] =	wrdreg s25;
	s13 =	sor.u32 $0x1C09, s30;
	s25 =	simm.s32 $0x1A000  }
0xb: {  	s23 =	sadd.s32 s6, s0;
	s8 =	sshrl.u32 s2, $0x1;
	s26 =	sadd.s32 s10, s3  }
0xc: {  	s7 =	sshrl.u32 s5, $0x3;
	s24 =	sadd.s32 s10, s5;
	s2 =	ssub.s32 s2, s8  }
.Ltmp0:
0xd: {  	s8 =	sadd.s32 $0xAE00, s0;
	s14 =	sshrl.u32 s26, $0x3;
	(pc) =	sbr.rel .LBB2_1-.Ltmp0, $4  }
0xe: {  	s11 =	sadd.s32 s7, s0;
	s6 =	sshrl.u32 s24, $0x3;
	s7 =	sadd.s32 $0xB600, s23  }
0xf: {  	s24 =	simm.s32 $0x7;
	s12 =	sadd.s32 s6, s0;
	s6 =	sadd.s32 $0x1800, s23  }
0x10: {  	s10 =	sadd.s32 $0x15400, s11;
	s23 =	simm.s32 $0x1;
	s0 =	simm.s32 $0x3  }
0x11: {  	s11 =	sadd.s32 $0x3E800, s12;
	s12 =	smax.u32 s2, $0x1;
	s2 =	simm.s32 $0x6  }
.LBB2_4:
0x12: {  	[spmem:s3] =	stream.indirect.scatter.add.f32 [tilespmem:s25], [sflag:$0x8], $0x40, s26, s16, $0xb8;
	[tilespmem:$0x1C000] =	vst v63  }
0x13: {  	_ =	swait.ge [sflag:s31], $0x2000  }
0x14: {  	s4 =	sadd.s32 $0x1, s4;
	[sflag:s31] =	ssyncset.done $0x0  }
0x15: {  	p1 =	sne.s32 s4, s12;
	[sflag:s31] =	ssyncadd.s32 $0xFFFFE000  }
.Ltmp1:
0x16: {  	[bflag:$0x0] =	sbarrier.arrive $0xFFFF;
	(pc) =	sbr.rel @!p1 .LBB2_5-.Ltmp1, $4  }
0x17: {  	[hbm:s11], [sflag:s13] =	dma.local [spmem:s14], $0x1400  }
0x18: {  	_ =	swait.ge [sflag:s15], $0x1400  }
0x19: {  	[sflag:s15] =	ssyncset.done $0x0  }
0x1a: {  	[sflag:s15] =	ssyncadd.s32 $0xFFFFEC00  }
.LBB2_1:
0x1b: {  	s17 =	simm.s32 @p0 $0x0;
	s19 =	simm.s32 @p0 $0xA000  }
0x1c: {  	[tilespmem:s19], [sflag:$0x9] =	stream.linear.gather @p0 [hbm4b:s8+s17], $0x3200, $0x38;
	[tilespmem:$0x1C000] =	vst v63  }
0x1d: {  	s19 =	simm.s32 @p0 $0x9  }
0x1e: {  	_ =	swait.ge @p0 [sflag:s19], $0x3200  }
0x1f: {  	[sflag:s19] =	ssyncset.done @p0 $0x0  }
0x20: {  	[sflag:s19] =	ssyncadd.s32 @p0 $0xFFFFCE00  }
0x21: {  	s26 =	simm.s32 @p0 $0xD200;
	s1 =	rddreg [dreg:$0x1]  }
0x22: {  	[tilespmem:s26], [sflag:$0x9] =	stream.linear.gather @p0 [hbm4b:s1+s17], $0x1E00, $0x38;
	[tilespmem:$0x1C000] =	vst v63  }
0x23: {  	_ =	swait.ge @p0 [sflag:s19], $0x1E00  }
0x24: {  	[sflag:s19] =	ssyncset.done @p0 $0x0  }
0x25: {  	s26 =	simm.s32 @p0 $0xF000;
	[sflag:s19] =	ssyncadd.s32 @p0 $0xFFFFE200  }
0x26: {  	[tilespmem:s26], [sflag:$0x9] =	stream.linear.gather @p0 [hbm4b:s9+s17], $0x3200, $0x38;
	[tilespmem:$0x1C000] =	vst v63  }
0x27: {  	_ =	swait.ge @p0 [sflag:s19], $0x3200  }
0x28: {  	[sflag:s19] =	ssyncset.done @p0 $0x0  }
0x29: {  	s26 =	simm.s32 @p0 $0x12200;
	[sflag:s19] =	ssyncadd.s32 @p0 $0xFFFFCE00  }
0x2a: {  	[tilespmem:s26], [sflag:$0x9] =	stream.linear.gather @p0 [hbm4b:s1+s17], $0x1E00, $0x38;
	[tilespmem:$0x1C000] =	vst v63  }
0x2b: {  	_ =	swait.ge @p0 [sflag:s19], $0x1E00  }
0x2c: {  	[sflag:s19] =	ssyncset.done @p0 $0x0  }
0x2d: {  	s17 =	simm.s32 @!p0 $0x0;
	[sflag:s19] =	ssyncadd.s32 @p0 $0xFFFFE200;
	s19 =	simm.s32 @!p0 $0xA000  }
0x2e: {  	[tilespmem:s19], [sflag:$0x9] =	stream.linear.gather @!p0 [hbm4b:s6+s17], $0x5000, $0x38;
	[tilespmem:$0x1C000] =	vst v63  }
0x2f: {  	s19 =	simm.s32 @!p0 $0x9  }
0x30: {  	_ =	swait.ge @!p0 [sflag:s19], $0x5000  }
0x31: {  	[sflag:s19] =	ssyncset.done @!p0 $0x0  }
0x32: {  	s26 =	simm.s32 @!p0 $0xF000;
	[sflag:s19] =	ssyncadd.s32 @!p0 $0xFFFFB000  }
0x33: {  	[tilespmem:s26], [sflag:$0x9] =	stream.linear.gather @!p0 [hbm4b:s7+s17], $0x5000, $0x38;
	[tilespmem:$0x1C000] =	vst v63  }
0x34: {  	_ =	swait.ge @!p0 [sflag:s19], $0x5000  }
0x35: {  	[sflag:s19] =	ssyncset.done @!p0 $0x0  }
0x36: {  	s26 =	rddreg [dreg:$0x4];
	[sflag:s19] =	ssyncadd.s32 @!p0 $0xFFFFB000  }
0x37: {  	[spmem:s14], [sflag:s13] =	dma.local [hbm:s26], $0x1400  }
0x38: {  	_ =	swait.ge [sflag:s15], $0x1400  }
0x39: {  	[sflag:s15] =	ssyncset.done $0x0  }
0x3a: {  	[sflag:s15] =	ssyncadd.s32 $0xFFFFEC00  }
0x3b: {  	s30 =	simm.s32 $0xA000;
	[bflag:$0x0] =	sbarrier.arrive $0xFFFF  }
0x3c: {  	[tilespmem:s18], [sflag:$0x1] =	stream.indirect.gather [hbm4b:s10+s16], $0x40, s30, s16, $0xb8;
	[tilespmem:$0x1C000] =	vst v63  }
0x3d: {  	s5 =	simm.s32 $0xA080  }
0x3e: {  	[tilespmem:s20], [sflag:$0x2] =	stream.indirect.gather [hbm4b:s10+s16], $0x40, s5, s16, $0xb8;
	[tilespmem:$0x1C000] =	vst v63  }
0x3f: {  	s17 =	simm.s32 $0xA100  }
0x40: {  	[tilespmem:s22], [sflag:$0x3] =	stream.indirect.gather [hbm4b:s10+s16], $0x40, s17, s16, $0xb8;
	[tilespmem:$0x1C000] =	vst v63  }
0x41: {  	_ =	swait.ge [sflag:s23], $0x2000  }
0x42: {  	[sflag:s23] =	ssyncset.done $0x0  }
0x43: {  	s19 =	simm.s32 $0xA180;
	[sflag:s23] =	ssyncadd.s32 $0xFFFFE000  }
0x44: {  	[tilespmem:s25], [sflag:$0x4] =	stream.indirect.gather [hbm4b:s10+s16], $0x40, s19, s16, $0xb8;
	[tilespmem:$0x1C000] =	vst v63  }
0x45: {  	s26 =	simm.s32 $0xF000  }
0x46: {  	[spmem:s3] =	stream.indirect.scatter.add.f32 [tilespmem:s18], [sflag:$0x5], $0x40, s26, s16, $0xb8;
	[tilespmem:$0x1C000] =	vst v63  }
0x47: {  	_ =	swait.ge [sflag:s28], $0x2000  }
0x48: {  	[sflag:s28] =	ssyncset.done $0x0  }
0x49: {  	[sflag:s28] =	ssyncadd.s32 $0xFFFFE000  }
0x4a: {  	_ =	swait.ge [sflag:s29], $0x2000  }
0x4b: {  	[sflag:s29] =	ssyncset.done $0x0  }
0x4c: {  	s30 =	simm.s32 $0xA200;
	[sflag:s29] =	ssyncadd.s32 $0xFFFFE000  }
0x4d: {  	[tilespmem:s18], [sflag:$0x1] =	stream.indirect.gather [hbm4b:s10+s16], $0x40, s30, s16, $0xb8;
	[tilespmem:$0x1C000] =	vst v63  }
0x4e: {  	s5 =	simm.s32 $0xF080  }
0x4f: {  	[spmem:s3] =	stream.indirect.scatter.add.f32 [tilespmem:s20], [sflag:$0x6], $0x40, s5, s16, $0xb8;
	[tilespmem:$0x1C000] =	vst v63  }
0x50: {  	_ =	swait.ge [sflag:s0], $0x2000  }
0x51: {  	[sflag:s0] =	ssyncset.done $0x0  }
0x52: {  	[sflag:s0] =	ssyncadd.s32 $0xFFFFE000  }
0x53: {  	_ =	swait.ge [sflag:s2], $0x2000  }
0x54: {  	[sflag:s2] =	ssyncset.done $0x0  }
0x55: {  	s17 =	simm.s32 $0xA280;
	[sflag:s2] =	ssyncadd.s32 $0xFFFFE000  }
0x56: {  	[tilespmem:s20], [sflag:$0x2] =	stream.indirect.gather [hbm4b:s10+s16], $0x40, s17, s16, $0xb8;
	[tilespmem:$0x1C000] =	vst v63  }
0x57: {  	s19 =	simm.s32 $0xF100  }
0x58: {  	[spmem:s3] =	stream.indirect.scatter.add.f32 [tilespmem:s22], [sflag:$0x7], $0x40, s19, s16, $0xb8;
	[tilespmem:$0x1C000] =	vst v63  }
0x59: {  	_ =	swait.ge [sflag:s21], $0x2000  }
0x5a: {  	[sflag:s21] =	ssyncset.done $0x0  }
0x5b: {  	[sflag:s21] =	ssyncadd.s32 $0xFFFFE000  }
0x5c: {  	_ =	swait.ge [sflag:s24], $0x2000  }
0x5d: {  	[sflag:s24] =	ssyncset.done $0x0  }
0x5e: {  	s26 =	simm.s32 $0xA300;
	[sflag:s24] =	ssyncadd.s32 $0xFFFFE000  }
0x5f: {  	[tilespmem:s22], [sflag:$0x3] =	stream.indirect.gather [hbm4b:s10+s16], $0x40, s26, s16, $0xb8;
	[tilespmem:$0x1C000] =	vst v63  }
0x60: {  	s30 =	simm.s32 $0xF180;
	s17 =	simm.s32 $0x0  }
0x61: {  	[spmem:s3] =	stream.indirect.scatter.add.f32 [tilespmem:s25], [sflag:$0x8], $0x40, s30, s16, $0xb8;
	[tilespmem:$0x1C000] =	vst v63  }
.LBB2_2:
0x62: {  	_ =	swait.ge [sflag:s23], $0x2000  }
0x63: {  	[sflag:s23] =	ssyncset.done $0x0  }
0x64: {  	[sflag:s23] =	ssyncadd.s32 $0xFFFFE000  }
0x65: {  	_ =	swait.ge [sflag:s31], $0x2000  }
0x66: {  	s19 =	sshra.s32 s17, $0x2;
	[sflag:s31] =	ssyncset.done $0x0  }
0x67: {  	s26 =	sadd.s32 $0xA380, s19;
	[sflag:s31] =	ssyncadd.s32 $0xFFFFE000  }
0x68: {  	[tilespmem:s25], [sflag:$0x4] =	stream.indirect.gather [hbm4b:s10+s16], $0x40, s26, s16, $0xb8;
	[tilespmem:$0x1C000] =	vst v63  }
0x69: {  	s5 =	sadd.s32 $0xF200, s19  }
0x6a: {  	[spmem:s3] =	stream.indirect.scatter.add.f32 [tilespmem:s18], [sflag:$0x5], $0x40, s5, s16, $0xb8;
	[tilespmem:$0x1C000] =	vst v63  }
0x6b: {  	_ =	swait.ge [sflag:s28], $0x2000  }
0x6c: {  	[sflag:s28] =	ssyncset.done $0x0  }
0x6d: {  	[sflag:s28] =	ssyncadd.s32 $0xFFFFE000  }
0x6e: {  	p1 =	seq.s32 s17, $0x13000;
	_ =	swait.ge [sflag:s29], $0x2000  }
0x6f: {  	s30 =	simm.s32 @p1 $0x80;
	s26 =	sshra.s32 @p1 s17, $0x2;
	[sflag:s29] =	ssyncset.done $0x0  }
0x70: {  	s1 =	simm.s32 @p1 $0x16000;
	s26 =	sadd.s32 @p1 $0xF280, s26;
	[sflag:s29] =	ssyncadd.s32 $0xFFFFE000  }
0x71: {  	[spmem:s3] =	stream.indirect.scatter.add.f32 @p1 [tilespmem:s1], [sflag:$0x6], $0x40, s26, s30, $0xb8;
	[tilespmem:$0x1C000] =	vst v63  }
0x72: {  	s1 =	simm.s32 @p1 $0x3  }
0x73: {  	_ =	swait.ge @p1 [sflag:s1], $0x2000  }
0x74: {  	[sflag:s1] =	ssyncset.done @p1 $0x0  }
0x75: {  	[sflag:s1] =	ssyncadd.s32 @p1 $0xFFFFE000;
	s1 =	simm.s32 @p1 $0x6  }
0x76: {  	_ =	swait.ge @p1 [sflag:s1], $0x2000  }
0x77: {  	[sflag:s1] =	ssyncset.done @p1 $0x0  }
0x78: {  	[sflag:s1] =	ssyncadd.s32 @p1 $0xFFFFE000;
	s1 =	sshra.s32 @!p1 s17, $0x2  }
0x79: {  	s5 =	simm.s32 @!p1 $0x14000;
	s30 =	simm.s32 @!p1 $0x80;
	s26 =	sadd.s32 @!p1 $0xA400, s1  }
0x7a: {  	[tilespmem:s5], [sflag:$0x1] =	stream.indirect.gather @!p1 [hbm4b:s10+s30], $0x40, s26, s30, $0xb8;
	[tilespmem:$0x1C000] =	vst v63  }
0x7b: {  	s5 =	sadd.s32 @!p1 $0xF280, s1;
	s26 =	simm.s32 @!p1 $0x16000  }
0x7c: {  	[spmem:s3] =	stream.indirect.scatter.add.f32 @!p1 [tilespmem:s26], [sflag:$0x6], $0x40, s5, s30, $0xb8;
	[tilespmem:$0x1C000] =	vst v63  }
0x7d: {  	s5 =	simm.s32 @!p1 $0x3  }
0x7e: {  	_ =	swait.ge @!p1 [sflag:s5], $0x2000  }
0x7f: {  	[sflag:s5] =	ssyncset.done @!p1 $0x0  }
0x80: {  	[sflag:s5] =	ssyncadd.s32 @!p1 $0xFFFFE000;
	s5 =	simm.s32 @!p1 $0x6  }
0x81: {  	_ =	swait.ge @!p1 [sflag:s5], $0x2000  }
0x82: {  	[sflag:s5] =	ssyncset.done @!p1 $0x0  }
0x83: {  	s1 =	sadd.s32 @!p1 $0xA480, s1;
	[sflag:s5] =	ssyncadd.s32 @!p1 $0xFFFFE000  }
0x84: {  	[tilespmem:s26], [sflag:$0x2] =	stream.indirect.gather @!p1 [hbm4b:s10+s30], $0x40, s1, s30, $0xb8;
	[tilespmem:$0x1C000] =	vst v63  }
0x85: {  	s30 =	sadd.s32 $0xF300, s19  }
0x86: {  	[spmem:s3] =	stream.indirect.scatter.add.f32 [tilespmem:s22], [sflag:$0x7], $0x40, s30, s16, $0xb8;
	[tilespmem:$0x1C000] =	vst v63  }
0x87: {  	_ =	swait.ge [sflag:s21], $0x2000  }
.Ltmp2:
0x88: {  	[sflag:s21] =	ssyncset.done $0x0;
	(pc) =	sbr.rel @p1 .LBB2_4-.Ltmp2, $4  }
0x89: {  	[sflag:s21] =	ssyncadd.s32 $0xFFFFE000  }
0x8a: {  	_ =	swait.ge [sflag:s24], $0x2000  }
0x8b: {  	[sflag:s24] =	ssyncset.done $0x0  }
0x8c: {  	s26 =	sadd.s32 $0xF380, s19;
	[sflag:s24] =	ssyncadd.s32 $0xFFFFE000  }
.Ltmp3:
0x8d: {  	(pc) =	sbr.rel .LBB2_2-.Ltmp3, $4  }
0x8e: {  	s1 =	sadd.s32 $0xA500, s19  }
0x8f: {  	[tilespmem:s22], [sflag:$0x3] =	stream.indirect.gather [hbm4b:s10+s16], $0x40, s1, s16, $0xb8;
	[tilespmem:$0x1C000] =	vst v63  }
0x90: {  	s17 =	sadd.s32 $0x800, s17  }
0x91: {  	[spmem:s3] =	stream.indirect.scatter.add.f32 [tilespmem:s25], [sflag:$0x8], $0x40, s26, s16, $0xb8;
	[tilespmem:$0x1C000] =	vst v63  }
.LBB2_5:
0x92: {  	_ =	sfence.sel $0x180000  }
0x93: {  	[bflag:$0x0] =	sbarrier.arrive $0xFFFF  }
0x94: {  	_ =	strace $0x9000004A  }
0x95: {  	s0 =	stileid.u32;
	[bflag:$0x2] =	sbarrier.arrive $0xFFFF  }
0x96: {  	p0 =	sne.s32 s0, $0x0;
	s0 =	rddreg [dreg:$0x3]  }
0x97: {  	s0 =	sadd.s32 @!p0 $0x100000, s0  }
0x98: {  	[sflag:s0] =	ssyncadd.tile.s32 @!p0 $0x1;
	_ =	shalt  }
.Lfunc_end2:
_tile_overlayer_lowered:
.L_overlay_start_2:
0x99: {  	(tag) =	ssettag $0x2  }
0x9a: {  	s0 =	rddreg [dreg:$0x0];
	s2 =	stileid.u32  }
0x9b: {  	s1 =	rddreg [dreg:$0x1];
	p0 =	sne.s32 s2, $0x0  }
0x9c: {  	s3 =	rddreg [dreg:$0x2];
	[bflag:$0x3] =	sbarrier.arrive $0xFFFF;
	s2 =	simm.s32 @!p0 $0x1C09  }
0x9d: {  	[timem:s3], [sflag:s2] =	dma.local @!p0 [hbm:s0], s1  }
0x9e: {  	s0 =	simm.s32 @!p0 $0x9  }
0x9f: {  	_ =	swait.ge @!p0 [sflag:s0], s1  }
0xa0: {  	s1 =	ssub.s32 @!p0 $0x0, s1;
	[sflag:s0] =	ssyncset.done @!p0 $0x0  }
0xa1: {  	[sflag:s0] =	ssyncadd.s32 @!p0 s1  }
0xa2: {  	[bflag:$0x3] =	sbarrier.arrive $0xFFFF  }
0xa3: {  	_ =	shalt  }

// kernel: kernel.14.cloned.1.call-start
scs
__scs_entry_jumppad:
0x0: {  	(pc) =	sbr.rel $0x88, $3  }
0x1: {  	(tag) =	ssettag $0x0;
	lr =	simm.s32 $0x1  }
0x2: {  	[smem:$0x3F9A] =	sst lr;
	_ =	strace $0xD0000000  }
0x3: {  	_ = 	snop  }
0x4: {  	_ = 	snop  }
0x5: {  	_ = 	snop  }
0x6: {  	_ = 	snop  }
0x7: {  	_ = 	snop  }
__scs_overlays_trampoline_lowered:
0x8: {  	[smem:$0x3FA9] =	sst s0  }
0x9: {  	[smem:$0x3FAA] =	sst s1  }
0xa: {  	[smem:$0x3FAB] =	sst s2  }
0xb: {  	[smem:$0x3FAC] =	sst s3  }
0xc: {  	[smem:$0x3FAD] =	sst s4  }
0xd: {  	[smem:$0x3FAE] =	sst s5  }
0xe: {  	[smem:$0x3FAF] =	sst s6  }
0xf: {  	[smem:$0x3FB0] =	sst s7  }
0x10: {  	[smem:$0x3FB1] =	sst s8  }
0x11: {  	[smem:$0x3FB2] =	sst s9;
	s0 =	simm.s32 @!p0 $0x0  }
0x12: {  	s1 =	sld [smem:$0x3F98];
	s0 =	simm.s32 @p0 $0x1  }
0x13: {  	[smem:$0x3FB3] =	sst s0;
	s0 =	simm.s32 @!p1 $0x0  }
0x14: {  	s2 =	sld [smem:$0x3F97];
	s0 =	simm.s32 @p1 $0x1  }
0x15: {  	[smem:$0x3FB4] =	sst s0;
	s0 =	simm.s32 @!p2 $0x0  }
0x16: {  	s3 =	sld [smem:$0x3FDB];
	s0 =	simm.s32 @p2 $0x1  }
0x17: {  	s4 =	simm.s32 $0x1BF5;
	[smem:$0x3FB6] =	sst s0  }
0x18: {  	s0 =	sld [smem:$0x3F99];
	_ =	swait.ge [sflag:s4], $0x0  }
0x19: {  	s7 =	sld [smem:$0x3F9A]  }
0x1a: {  	s8 =	sadd.s32 $0xFFFFE003, lr  }
0x1b: {  	s9 =	sadd.s32 $0xFFFFFEF7, lr;
	s5 =	simm.s32 $0xFFFFFFFF;
	p2 =	slt.u32 s8, $0xFFFFF086  }
0x1c: {  	p1 =	slt.u32 s9, $0xF7A;
	s5 =	simm.s32 @!p2 $0x0  }
0x1d: {  	s5 =	simm.s32 @p1 $0x1;
	p0 =	seq.s32 s7, s2  }
0x1e: {  	s7 =	smul.u32 @!p0 $0xF7A, s2;
	p2 =	seq.s32 @!p0 s5, $0x0  }
0x1f: {  	s9 =	smul.u32 $0xF7A, s1;
	s8 =	simm.s32 @!p0 $0x1BF5;
	p2 =	por !p2, p0  }
0x20: {  	[sflag:s8] =	ssyncset.s32 @!p0 $0xFFFFF086;
	s6 =	sadd.s32 @!p0 s3, s7;
	s7 =	simm.s32 @!p0 $0x108  }
0x21: {  	s3 =	sadd.s32 s3, s9;
	s6 =	sadd.s32 @!p0 $0x88, s6;
	s7 =	simm.s32 @p2 $0x1082  }
0x22: {  	[simem:s7], [sflag:s8] =	dma.local @!p0 [hbm:s6], $0xF7A  }
0x23: {  	s9 =	sor.u32 $0xD0000000, s2;
	s6 =	simm.s32 $0x108;
	_ =	swait.ge @!p0 [sflag:s8], $0x0  }
0x24: {  	s3 =	sadd.s32 $0x88, s3;
	s6 =	simm.s32 @!p1 $0x1082;
	[sflag:s4] =	ssyncset.s32 $0xFFFFF086  }
0x25: {  	[simem:s6], [sflag:s4] =	dma.local [hbm:s3], $0xF7A  }
0x26: {  	[smem:$0x3F9A] =	sst s1;
	(tag) =	ssettag s2;
	_ =	strace s9  }
0x27: {  	s1 =	sld [smem:$0x3FAA]  }
0x28: {  	s2 =	sld [smem:$0x3FAB]  }
0x29: {  	s4 =	sld [smem:$0x3FAD]  }
0x2a: {  	p0 =	seq.s32 s5, $0x0;
	s5 =	sld [smem:$0x3FAE]  }
0x2b: {  	s6 =	sld [smem:$0x3FAF]  }
0x2c: {  	s7 =	sld [smem:$0x3FB0]  }
0x2d: {  	s3 =	simm.s32 $0x108;
	s8 =	sld [smem:$0x3FB1]  }
0x2e: {  	s3 =	simm.s32 @!p0 $0x1082;
	s9 =	sld [smem:$0x3FB2]  }
0x2f: {  	lr =	sadd.s32 s0, s3;
	s0 =	sld [smem:$0x3FA9]  }
0x30: {  	s3 =	sld [smem:$0x3FAC]  }
0x31: {  	[smem:$0x3FB5] =	sst s10  }
0x32: {  	s10 =	sld [smem:$0x3FB3];
	_ =	sdelay $0x3  }
0x33: {  	p0 =	seq.s32 s10, $0x1;
	s10 =	sld [smem:$0x3FB5];
	_ =	sdelay $0x3  }
0x34: {  	[smem:$0x3FB5] =	sst s10  }
0x35: {  	s10 =	sld [smem:$0x3FB4];
	_ =	sdelay $0x3  }
0x36: {  	p1 =	seq.s32 s10, $0x1;
	s10 =	sld [smem:$0x3FB5];
	_ =	sdelay $0x3  }
0x37: {  	[smem:$0x3FB5] =	sst s10  }
0x38: {  	s10 =	sld [smem:$0x3FB6]  }
0x39: {  	_ = 	snop;
	(pc) =	sbr.ind lr, $3  }
0x3a: {  	_ = 	snop  }
0x3b: {  	_ = 	snop  }
0x3c: {  	p2 =	seq.s32 s10, $0x1;
	s10 =	sld [smem:$0x3FB5]  }
0x3d: {  	_ =	shalt  }
0x3e: {  	_ =	shalt  }
0x3f: {  	_ =	shalt  }
0x40: {  	_ =	shalt  }
0x41: {  	_ =	shalt  }
0x42: {  	_ =	shalt  }
0x43: {  	_ =	shalt  }
0x44: {  	_ =	shalt  }
0x45: {  	_ =	shalt  }
0x46: {  	_ =	shalt  }
0x47: {  	_ =	shalt  }
0x48: {  	_ =	shalt  }
0x49: {  	_ =	shalt  }
0x4a: {  	_ =	shalt  }
0x4b: {  	_ =	shalt  }
0x4c: {  	_ =	shalt  }
0x4d: {  	_ =	shalt  }
0x4e: {  	_ =	shalt  }
0x4f: {  	_ =	shalt  }
0x50: {  	_ =	shalt  }
0x51: {  	_ =	shalt  }
0x52: {  	_ =	shalt  }
0x53: {  	_ =	shalt  }
0x54: {  	_ =	shalt  }
0x55: {  	_ =	shalt  }
0x56: {  	_ =	shalt  }
0x57: {  	_ =	shalt  }
0x58: {  	_ =	shalt  }
0x59: {  	_ =	shalt  }
0x5a: {  	_ =	shalt  }
0x5b: {  	_ =	shalt  }
0x5c: {  	_ =	shalt  }
0x5d: {  	_ =	shalt  }
0x5e: {  	_ =	shalt  }
0x5f: {  	_ =	shalt  }
0x60: {  	_ =	shalt  }
0x61: {  	_ =	shalt  }
0x62: {  	_ =	shalt  }
0x63: {  	_ =	shalt  }
0x64: {  	_ =	shalt  }
0x65: {  	_ =	shalt  }
0x66: {  	_ =	shalt  }
0x67: {  	_ =	shalt  }
0x68: {  	_ =	shalt  }
0x69: {  	_ =	shalt  }
0x6a: {  	_ =	shalt  }
0x6b: {  	_ =	shalt  }
0x6c: {  	_ =	shalt  }
0x6d: {  	_ =	shalt  }
0x6e: {  	_ =	shalt  }
0x6f: {  	_ =	shalt  }
0x70: {  	_ =	shalt  }
0x71: {  	_ =	shalt  }
0x72: {  	_ =	shalt  }
0x73: {  	_ =	shalt  }
0x74: {  	_ =	shalt  }
0x75: {  	_ =	shalt  }
0x76: {  	_ =	shalt  }
0x77: {  	_ =	shalt  }
0x78: {  	_ =	shalt  }
0x79: {  	_ =	shalt  }
0x7a: {  	_ =	shalt  }
0x7b: {  	_ =	shalt  }
0x7c: {  	_ =	shalt  }
0x7d: {  	_ =	shalt  }
0x7e: {  	_ =	shalt  }
0x7f: {  	_ =	shalt  }
0x80: {  	_ =	shalt  }
0x81: {  	_ =	shalt  }
0x82: {  	_ =	shalt  }
0x83: {  	_ =	shalt  }
0x84: {  	_ =	shalt  }
0x85: {  	_ =	shalt  }
0x86: {  	_ =	shalt  }
0x87: {  	_ =	shalt  }
.Lfunc_end0:
.L_simem_size_0:
called_computation.2_lowered:
.L_overlay_start_0:
0x88: {  	s2 =	sld [smem:$0x3FD9]  }
0x89: {  	s3 =	sld [smem:$0x3FFE];
	_ =	sdelay $0x1  }
0x8a: {  	s1 =	srdreg.scid  }
0x8b: {  	s0 =	sand.u32 $0x1, s1  }
0x8c: {  	s17 =	sshll.u32 s0, $0xA;
	s2 =	sadd.s32 s3, s2  }
0x8d: {  	s2 =	sadd.s32 s2, s17  }
0x8e: {  	[smem:$0x3FC1] =	sst s2  }
0x8f: {  	_ = 	snop  }
0x90: {  	s2 =	sld [smem:$0x3FD0];
	(tm) =	ssettm $0x1  }
0x91: {  	s18 =	sld [smem:$0x3FFB];
	_ =	sdelay $0x3  }
0x92: {  	_ =	strace s18  }
0x93: {  	s3 =	sld [smem:$0x3FFC];
	_ =	sdelay $0x3  }
0x94: {  	_ =	strace s3  }
0x95: {  	s3 =	sld [smem:$0x3FFD];
	_ =	sdelay $0x3  }
0x96: {  	_ =	strace s3  }
0x97: {  	_ =	strace $0x8FFFFFFF  }
0x98: {  	s19 =	sld [smem:$0x3FDB];
	_ =	sdelay $0x1  }
0x99: {  	s4 =	simm.s32 $_scs_section_size  }
0x9a: {  	s5 =	simm.s32 $_size__tile_overlayer_lowered;
	s6 =	simm.s32 $_tile_overlayer_lowered  }
0x9b: {  	s22 =	simm.s32 $0x1BFF;
	s21 =	sshll.u32 s6, $0x1;
	s3 =	sadd.s32 s4, s19  }
0x9c: {  	s7 =	simm.s32 $0x0;
	s20 =	sshll.u32 s5, $0x1;
	s5 =	sadd.s32 s21, s3  }
0x9d: {  	[timem:s7], [sflag:s22] =	dma.local [hbm:s5], s20  }
0x9e: {  	_ =	swait.ge [sflag:s22], s20  }
0x9f: {  	s4 =	ssub.s32 $0x0, s20;
	[sflag:s22] =	ssyncset.done $0x0  }
0xa0: {  	[sflag:s22] =	ssyncadd.s32 s4;
	_ =	sdelay $0x1  }
0xa1: {  	s23 =	simm.s32 $0x1B8B  }
0xa2: {  	_ =	swait.ge [sflag:s23], $0x1  }
0xa3: {  	[sflag:s23] =	ssyncset.done $0x0  }
0xa4: {  	s25 =	simm.s32 $0x1B8E;
	s24 =	sld [smem:$0x3FFE];
	[sflag:s23] =	ssyncadd.s32 $0xFFFFFFFF  }
0xa5: {  	s26 =	simm.s32 $execute0_lowered;
	[smem:$0x3FD2] =	sst s25  }
0xa6: {  	s5 =	sshll.u32 s26, $0x1;
	_ =	strace $0x8000004C;
	[dreg:$0x1] =	wrdreg $0xFFFFFFFF  }
0xa7: {  	s28 =	simm.s32 $_size_execute0_lowered;
	s3 =	sadd.s32 s3, s5;
	[dreg:$0x0] =	wrdreg $0x0  }
0xa8: {  	s5 =	sshll.u32 s28, $0x1;
	[dreg:$0x2] =	wrdreg s3  }
0xa9: {  	[dreg:$0x3] =	wrdreg s5  }
0xaa: {  	[dreg:$0x4] =	wrdreg $0xC0  }
0xab: {  	_ =	task [dreg:s7], $0x5FFFF  }
0xac: {  	[dreg:$0x1] =	wrdreg $0xFFFFFFFF  }
0xad: {  	[dreg:$0x0] =	wrdreg $0x60  }
0xae: {  	[dreg:$0x2] =	wrdreg s24  }
0xaf: {  	[dreg:$0x3] =	wrdreg s2  }
0xb0: {  	[dreg:$0x4] =	wrdreg $0x0  }
0xb1: {  	[dreg:$0x5] =	wrdreg $0x9  }
0xb2: {  	_ =	task.clear_ibuf [dreg:s7], $0x6FFFF;
	_ =	strace $0x9000004C  }
0xb3: {  	s29 =	simm.s32 $0x9;
	_ =	strace $0x8000004E  }
0xb4: {  	_ =	swait.ge [sflag:s29], $0x1  }
0xb5: {  	[sflag:s29] =	ssyncadd.s32 $0xFFFFFFFF  }
0xb6: {  	_ =	strace $0x9000004E  }
0xb7: {  	_ =	sfence  }
0xb8: {  	s30 =	sld [smem:$0x0];
	_ =	sdelay $0x2  }
0xb9: {  	s31 =	sshll.u32 s1, $0xD;
	s1 =	sshrl.u32 s1, $0x2  }
0xba: {  	s3 =	sand.u32 $0x4000, s31;
	s1 =	sadd.s32 s1, s30  }
0xbb: {  	s0 =	sor.u32 s3, s0;
	s1 =	sshll.u32 s1, $0x11  }
0xbc: {  	s0 =	sor.u32 s1, s0  }
0xbd: {  	s0 =	sadd.s32 $0x8F2B, s0  }
0xbe: {  	[sflag:s0] =	ssyncadd.remote.s32 $0x1  }
0xbf: {  	_ =	sfence.sel $0xFFFF  }
0xc0: {  	[dreg:$0x0] =	wrdreg $0xFFFFFFFF;
	(pc) =	sbr.abs _section_cstart, $3  }
0xc1: {  	[dreg:$0x1] =	wrdreg $0xFFFFFFFF  }
0xc2: {  	_ =	task.clear_ibuf [dreg:s7], $0x2FFFF;
	_ =	strace $0x9FFFFFFF  }
0xc3: {  	(tm) =	ssettm $0x7FFFFFFF  }
tec
execute0_lowered:
.L_overlay_start_1:
0x0: {  	(tag) =	ssettag $0x1  }
0x1: {  	s0 =	rddreg [dreg:$0x0]  }
0x2: {  	s3 =	rddreg [dreg:$0x2]  }
0x3: {  	s1 =	srdreg.scid;
	s2 =	stileid.u32  }
0x4: {  	s4 =	simm.s32 $0x0;
	s15 =	simm.s32 $0x9;
	s16 =	simm.s32 $0x80  }
0x5: {  	s18 =	simm.s32 $0xF000;
	s20 =	simm.s32 $0x11000;
	s22 =	simm.s32 $0x13000  }
0x6: {  	s23 =	simm.s32 $0x1;
	s28 =	simm.s32 $0x2;
	s29 =	simm.s32 $0x5  }
0x7: {  	s21 =	simm.s32 $0x4;
	s31 =	simm.s32 $0x8;
	s1 =	sand.u32 $0x1, s1  }
0x8: {  	s11 =	smul.u32 $0xA000, s2;
	[smem:$0x7FF] =	sst s4;
	s25 =	sadd.s32 $0x3D400, s0  }
0x9: {  	s10 =	sadd.s32 $0x15100, s0;
	s30 =	sshll.u32 s2, $0x6;
	s5 =	sshll.u32 s1, $0x4  }
0xa: {  	s6 =	smul.u32 $0xA0000, s1;
	_ =	strace $0x8000004D;
	s1 =	ssub.s32 $0x2, s1  }
0xb: {  	[dreg:$0x4] =	wrdreg s25;
	s25 =	simm.s32 $0x15000;
	s13 =	sor.u32 s2, s5  }
0xc: {  	s5 =	sadd.s32 $0x15400, s0;
	s9 =	sshrl.u32 s1, $0x1;
	s26 =	sadd.s32 s11, s3  }
0xd: {  	s7 =	smul.u32 $0x500, s13;
	s6 =	sadd.s32 s11, s6;
	s1 =	ssub.s32 s1, s9  }
.Ltmp0:
0xe: {  	s9 =	sadd.s32 $0xB300, s0;
	p0 =	seq.s32 s13, $0x1F;
	(pc) =	sbr.rel .LBB2_1-.Ltmp0, $4  }
0xf: {  	s13 =	sor.u32 $0x1C09, s30;
	s14 =	sshrl.u32 s26, $0x3;
	s24 =	sshrl.u32 s6, $0x3  }
0x10: {  	s8 =	sadd.s32 s7, s0;
	s12 =	sadd.s32 s24, s0;
	s0 =	simm.s32 $0x3  }
0x11: {  	s24 =	simm.s32 $0x7;
	s7 =	sadd.s32 $0x1800, s8;
	s8 =	sadd.s32 $0xB600, s8  }
0x12: {  	s11 =	sadd.s32 $0x3E800, s12;
	s12 =	smax.u32 s1, $0x1;
	s1 =	simm.s32 $0x6  }
.LBB2_4:
0x13: {  	[spmem:s3] =	stream.indirect.scatter.add.f32 [tilespmem:s25], [sflag:$0x8], $0x40, s26, s16, $0xb8;
	[tilespmem:$0x17000] =	vst v63  }
0x14: {  	_ =	swait.ge [sflag:s31], $0x2000  }
0x15: {  	s4 =	sadd.s32 $0x1, s4;
	[sflag:s31] =	ssyncset.done $0x0  }
0x16: {  	p1 =	sne.s32 s4, s12;
	[sflag:s31] =	ssyncadd.s32 $0xFFFFE000  }
.Ltmp1:
0x17: {  	[bflag:$0x0] =	sbarrier.arrive $0xFFFF;
	(pc) =	sbr.rel @!p1 .LBB2_5-.Ltmp1, $4  }
0x18: {  	[hbm:s11], [sflag:s13] =	dma.local [spmem:s14], $0x1400  }
0x19: {  	_ =	swait.ge [sflag:s15], $0x1400  }
0x1a: {  	[sflag:s15] =	ssyncset.done $0x0  }
0x1b: {  	[sflag:s15] =	ssyncadd.s32 $0xFFFFEC00  }
.LBB2_1:
0x1c: {  	s17 =	simm.s32 @p0 $0x0;
	s19 =	simm.s32 @p0 $0xA000  }
0x1d: {  	[tilespmem:s19], [sflag:$0x9] =	stream.linear.gather @p0 [hbm4b:s9+s17], $0xA00, $0x38;
	[tilespmem:$0x17000] =	vst v63  }
0x1e: {  	s19 =	simm.s32 @p0 $0x9  }
0x1f: {  	_ =	swait.ge @p0 [sflag:s19], $0xA00  }
0x20: {  	[sflag:s19] =	ssyncset.done @p0 $0x0  }
0x21: {  	[sflag:s19] =	ssyncadd.s32 @p0 $0xFFFFF600  }
0x22: {  	s26 =	simm.s32 @p0 $0xAA00;
	s2 =	rddreg [dreg:$0x1]  }
0x23: {  	[tilespmem:s26], [sflag:$0x9] =	stream.linear.gather @p0 [hbm4b:s2+s17], $0x1E00, $0x38;
	[tilespmem:$0x17000] =	vst v63  }
0x24: {  	_ =	swait.ge @p0 [sflag:s19], $0x1E00  }
0x25: {  	[sflag:s19] =	ssyncset.done @p0 $0x0  }
0x26: {  	s26 =	simm.s32 @p0 $0xC800;
	[sflag:s19] =	ssyncadd.s32 @p0 $0xFFFFE200  }
0x27: {  	[tilespmem:s26], [sflag:$0x9] =	stream.linear.gather @p0 [hbm4b:s10+s17], $0xA00, $0x38;
	[tilespmem:$0x17000] =	vst v63  }
0x28: {  	_ =	swait.ge @p0 [sflag:s19], $0xA00  }
0x29: {  	[sflag:s19] =	ssyncset.done @p0 $0x0  }
0x2a: {  	s26 =	simm.s32 @p0 $0xD200;
	[sflag:s19] =	ssyncadd.s32 @p0 $0xFFFFF600  }
0x2b: {  	[tilespmem:s26], [sflag:$0x9] =	stream.linear.gather @p0 [hbm4b:s2+s17], $0x1E00, $0x38;
	[tilespmem:$0x17000] =	vst v63  }
0x2c: {  	_ =	swait.ge @p0 [sflag:s19], $0x1E00  }
0x2d: {  	[sflag:s19] =	ssyncset.done @p0 $0x0  }
0x2e: {  	s17 =	simm.s32 @!p0 $0x0;
	[sflag:s19] =	ssyncadd.s32 @p0 $0xFFFFE200;
	s19 =	simm.s32 @!p0 $0xA000  }
0x2f: {  	[tilespmem:s19], [sflag:$0x9] =	stream.linear.gather @!p0 [hbm4b:s7+s17], $0x2800, $0x38;
	[tilespmem:$0x17000] =	vst v63  }
0x30: {  	s19 =	simm.s32 @!p0 $0x9  }
0x31: {  	_ =	swait.ge @!p0 [sflag:s19], $0x2800  }
0x32: {  	[sflag:s19] =	ssyncset.done @!p0 $0x0  }
0x33: {  	s26 =	simm.s32 @!p0 $0xC800;
	[sflag:s19] =	ssyncadd.s32 @!p0 $0xFFFFD800  }
0x34: {  	[tilespmem:s26], [sflag:$0x9] =	stream.linear.gather @!p0 [hbm4b:s8+s17], $0x2800, $0x38;
	[tilespmem:$0x17000] =	vst v63  }
0x35: {  	_ =	swait.ge @!p0 [sflag:s19], $0x2800  }
0x36: {  	[sflag:s19] =	ssyncset.done @!p0 $0x0  }
0x37: {  	s26 =	rddreg [dreg:$0x4];
	[sflag:s19] =	ssyncadd.s32 @!p0 $0xFFFFD800  }
0x38: {  	[spmem:s14], [sflag:s13] =	dma.local [hbm:s26], $0x1400  }
0x39: {  	_ =	swait.ge [sflag:s15], $0x1400  }
0x3a: {  	[sflag:s15] =	ssyncset.done $0x0  }
0x3b: {  	[sflag:s15] =	ssyncadd.s32 $0xFFFFEC00  }
0x3c: {  	s30 =	simm.s32 $0xA000;
	[bflag:$0x0] =	sbarrier.arrive $0xFFFF  }
0x3d: {  	[tilespmem:s18], [sflag:$0x1] =	stream.indirect.gather [hbm4b:s5+s16], $0x40, s30, s16, $0xb8;
	[tilespmem:$0x17000] =	vst v63  }
0x3e: {  	s6 =	simm.s32 $0xA080  }
0x3f: {  	[tilespmem:s20], [sflag:$0x2] =	stream.indirect.gather [hbm4b:s5+s16], $0x40, s6, s16, $0xb8;
	[tilespmem:$0x17000] =	vst v63  }
0x40: {  	s17 =	simm.s32 $0xA100  }
0x41: {  	[tilespmem:s22], [sflag:$0x3] =	stream.indirect.gather [hbm4b:s5+s16], $0x40, s17, s16, $0xb8;
	[tilespmem:$0x17000] =	vst v63  }
0x42: {  	_ =	swait.ge [sflag:s23], $0x2000  }
0x43: {  	[sflag:s23] =	ssyncset.done $0x0  }
0x44: {  	s19 =	simm.s32 $0xA180;
	[sflag:s23] =	ssyncadd.s32 $0xFFFFE000  }
0x45: {  	[tilespmem:s25], [sflag:$0x4] =	stream.indirect.gather [hbm4b:s5+s16], $0x40, s19, s16, $0xb8;
	[tilespmem:$0x17000] =	vst v63  }
0x46: {  	s26 =	simm.s32 $0xC800  }
0x47: {  	[spmem:s3] =	stream.indirect.scatter.add.f32 [tilespmem:s18], [sflag:$0x5], $0x40, s26, s16, $0xb8;
	[tilespmem:$0x17000] =	vst v63  }
0x48: {  	_ =	swait.ge [sflag:s28], $0x2000  }
0x49: {  	[sflag:s28] =	ssyncset.done $0x0  }
0x4a: {  	[sflag:s28] =	ssyncadd.s32 $0xFFFFE000  }
0x4b: {  	_ =	swait.ge [sflag:s29], $0x2000  }
0x4c: {  	[sflag:s29] =	ssyncset.done $0x0  }
0x4d: {  	s30 =	simm.s32 $0xA200;
	[sflag:s29] =	ssyncadd.s32 $0xFFFFE000  }
0x4e: {  	[tilespmem:s18], [sflag:$0x1] =	stream.indirect.gather [hbm4b:s5+s16], $0x40, s30, s16, $0xb8;
	[tilespmem:$0x17000] =	vst v63  }
0x4f: {  	s6 =	simm.s32 $0xC880  }
0x50: {  	[spmem:s3] =	stream.indirect.scatter.add.f32 [tilespmem:s20], [sflag:$0x6], $0x40, s6, s16, $0xb8;
	[tilespmem:$0x17000] =	vst v63  }
0x51: {  	_ =	swait.ge [sflag:s0], $0x2000  }
0x52: {  	[sflag:s0] =	ssyncset.done $0x0  }
0x53: {  	[sflag:s0] =	ssyncadd.s32 $0xFFFFE000  }
0x54: {  	_ =	swait.ge [sflag:s1], $0x2000  }
0x55: {  	[sflag:s1] =	ssyncset.done $0x0  }
0x56: {  	s17 =	simm.s32 $0xA280;
	[sflag:s1] =	ssyncadd.s32 $0xFFFFE000  }
0x57: {  	[tilespmem:s20], [sflag:$0x2] =	stream.indirect.gather [hbm4b:s5+s16], $0x40, s17, s16, $0xb8;
	[tilespmem:$0x17000] =	vst v63  }
0x58: {  	s19 =	simm.s32 $0xC900  }
0x59: {  	[spmem:s3] =	stream.indirect.scatter.add.f32 [tilespmem:s22], [sflag:$0x7], $0x40, s19, s16, $0xb8;
	[tilespmem:$0x17000] =	vst v63  }
0x5a: {  	_ =	swait.ge [sflag:s21], $0x2000  }
0x5b: {  	[sflag:s21] =	ssyncset.done $0x0  }
0x5c: {  	[sflag:s21] =	ssyncadd.s32 $0xFFFFE000  }
0x5d: {  	_ =	swait.ge [sflag:s24], $0x2000  }
0x5e: {  	[sflag:s24] =	ssyncset.done $0x0  }
0x5f: {  	s26 =	simm.s32 $0xA300;
	[sflag:s24] =	ssyncadd.s32 $0xFFFFE000  }
0x60: {  	[tilespmem:s22], [sflag:$0x3] =	stream.indirect.gather [hbm4b:s5+s16], $0x40, s26, s16, $0xb8;
	[tilespmem:$0x17000] =	vst v63  }
0x61: {  	s30 =	simm.s32 $0xC980;
	s17 =	simm.s32 $0x0  }
0x62: {  	[spmem:s3] =	stream.indirect.scatter.add.f32 [tilespmem:s25], [sflag:$0x8], $0x40, s30, s16, $0xb8;
	[tilespmem:$0x17000] =	vst v63  }
.LBB2_2:
0x63: {  	_ =	swait.ge [sflag:s23], $0x2000  }
0x64: {  	[sflag:s23] =	ssyncset.done $0x0  }
0x65: {  	[sflag:s23] =	ssyncadd.s32 $0xFFFFE000  }
0x66: {  	_ =	swait.ge [sflag:s31], $0x2000  }
0x67: {  	s19 =	sshra.s32 s17, $0x2;
	[sflag:s31] =	ssyncset.done $0x0  }
0x68: {  	s26 =	sadd.s32 $0xA380, s19;
	[sflag:s31] =	ssyncadd.s32 $0xFFFFE000  }
0x69: {  	[tilespmem:s25], [sflag:$0x4] =	stream.indirect.gather [hbm4b:s5+s16], $0x40, s26, s16, $0xb8;
	[tilespmem:$0x17000] =	vst v63  }
0x6a: {  	s6 =	sadd.s32 $0xCA00, s19  }
0x6b: {  	[spmem:s3] =	stream.indirect.scatter.add.f32 [tilespmem:s18], [sflag:$0x5], $0x40, s6, s16, $0xb8;
	[tilespmem:$0x17000] =	vst v63  }
0x6c: {  	_ =	swait.ge [sflag:s28], $0x2000  }
0x6d: {  	[sflag:s28] =	ssyncset.done $0x0  }
0x6e: {  	[sflag:s28] =	ssyncadd.s32 $0xFFFFE000  }
0x6f: {  	p1 =	seq.s32 s17, $0x9000;
	_ =	swait.ge [sflag:s29], $0x2000  }
0x70: {  	s30 =	simm.s32 @p1 $0x80;
	s26 =	sshra.s32 @p1 s17, $0x2;
	[sflag:s29] =	ssyncset.done $0x0  }
0x71: {  	s2 =	simm.s32 @p1 $0x11000;
	s26 =	sadd.s32 @p1 $0xCA80, s26;
	[sflag:s29] =	ssyncadd.s32 $0xFFFFE000  }
0x72: {  	[spmem:s3] =	stream.indirect.scatter.add.f32 @p1 [tilespmem:s2], [sflag:$0x6], $0x40, s26, s30, $0xb8;
	[tilespmem:$0x17000] =	vst v63  }
0x73: {  	s2 =	simm.s32 @p1 $0x3  }
0x74: {  	_ =	swait.ge @p1 [sflag:s2], $0x2000  }
0x75: {  	[sflag:s2] =	ssyncset.done @p1 $0x0  }
0x76: {  	[sflag:s2] =	ssyncadd.s32 @p1 $0xFFFFE000;
	s2 =	simm.s32 @p1 $0x6  }
0x77: {  	_ =	swait.ge @p1 [sflag:s2], $0x2000  }
0x78: {  	[sflag:s2] =	ssyncset.done @p1 $0x0  }
0x79: {  	[sflag:s2] =	ssyncadd.s32 @p1 $0xFFFFE000;
	s2 =	sshra.s32 @!p1 s17, $0x2  }
0x7a: {  	s6 =	simm.s32 @!p1 $0xF000;
	s30 =	simm.s32 @!p1 $0x80;
	s26 =	sadd.s32 @!p1 $0xA400, s2  }
0x7b: {  	[tilespmem:s6], [sflag:$0x1] =	stream.indirect.gather @!p1 [hbm4b:s5+s30], $0x40, s26, s30, $0xb8;
	[tilespmem:$0x17000] =	vst v63  }
0x7c: {  	s6 =	sadd.s32 @!p1 $0xCA80, s2;
	s26 =	simm.s32 @!p1 $0x11000  }
0x7d: {  	[spmem:s3] =	stream.indirect.scatter.add.f32 @!p1 [tilespmem:s26], [sflag:$0x6], $0x40, s6, s30, $0xb8;
	[tilespmem:$0x17000] =	vst v63  }
0x7e: {  	s6 =	simm.s32 @!p1 $0x3  }
0x7f: {  	_ =	swait.ge @!p1 [sflag:s6], $0x2000  }
0x80: {  	[sflag:s6] =	ssyncset.done @!p1 $0x0  }
0x81: {  	[sflag:s6] =	ssyncadd.s32 @!p1 $0xFFFFE000;
	s6 =	simm.s32 @!p1 $0x6  }
0x82: {  	_ =	swait.ge @!p1 [sflag:s6], $0x2000  }
0x83: {  	[sflag:s6] =	ssyncset.done @!p1 $0x0  }
0x84: {  	s2 =	sadd.s32 @!p1 $0xA480, s2;
	[sflag:s6] =	ssyncadd.s32 @!p1 $0xFFFFE000  }
0x85: {  	[tilespmem:s26], [sflag:$0x2] =	stream.indirect.gather @!p1 [hbm4b:s5+s30], $0x40, s2, s30, $0xb8;
	[tilespmem:$0x17000] =	vst v63  }
0x86: {  	s30 =	sadd.s32 $0xCB00, s19  }
0x87: {  	[spmem:s3] =	stream.indirect.scatter.add.f32 [tilespmem:s22], [sflag:$0x7], $0x40, s30, s16, $0xb8;
	[tilespmem:$0x17000] =	vst v63  }
0x88: {  	_ =	swait.ge [sflag:s21], $0x2000  }
.Ltmp2:
0x89: {  	[sflag:s21] =	ssyncset.done $0x0;
	(pc) =	sbr.rel @p1 .LBB2_4-.Ltmp2, $4  }
0x8a: {  	[sflag:s21] =	ssyncadd.s32 $0xFFFFE000  }
0x8b: {  	_ =	swait.ge [sflag:s24], $0x2000  }
0x8c: {  	[sflag:s24] =	ssyncset.done $0x0  }
0x8d: {  	s26 =	sadd.s32 $0xCB80, s19;
	[sflag:s24] =	ssyncadd.s32 $0xFFFFE000  }
.Ltmp3:
0x8e: {  	(pc) =	sbr.rel .LBB2_2-.Ltmp3, $4  }
0x8f: {  	s2 =	sadd.s32 $0xA500, s19  }
0x90: {  	[tilespmem:s22], [sflag:$0x3] =	stream.indirect.gather [hbm4b:s5+s16], $0x40, s2, s16, $0xb8;
	[tilespmem:$0x17000] =	vst v63  }
0x91: {  	s17 =	sadd.s32 $0x800, s17  }
0x92: {  	[spmem:s3] =	stream.indirect.scatter.add.f32 [tilespmem:s25], [sflag:$0x8], $0x40, s26, s16, $0xb8;
	[tilespmem:$0x17000] =	vst v63  }
.LBB2_5:
0x93: {  	_ =	sfence.sel $0x180000  }
0x94: {  	[bflag:$0x0] =	sbarrier.arrive $0xFFFF  }
0x95: {  	_ =	strace $0x9000004D  }
0x96: {  	s0 =	stileid.u32;
	[bflag:$0x2] =	sbarrier.arrive $0xFFFF  }
0x97: {  	p0 =	sne.s32 s0, $0x0;
	s0 =	rddreg [dreg:$0x3]  }
0x98: {  	s0 =	sadd.s32 @!p0 $0x100000, s0  }
0x99: {  	[sflag:s0] =	ssyncadd.tile.s32 @!p0 $0x1;
	_ =	shalt  }
.Lfunc_end2:
_tile_overlayer_lowered:
.L_overlay_start_2:
0x9a: {  	(tag) =	ssettag $0x2  }
0x9b: {  	s0 =	rddreg [dreg:$0x0];
	s2 =	stileid.u32  }
0x9c: {  	s1 =	rddreg [dreg:$0x1];
	p0 =	sne.s32 s2, $0x0  }
0x9d: {  	s3 =	rddreg [dreg:$0x2];
	[bflag:$0x3] =	sbarrier.arrive $0xFFFF;
	s2 =	simm.s32 @!p0 $0x1C09  }
0x9e: {  	[timem:s3], [sflag:s2] =	dma.local @!p0 [hbm:s0], s1  }
0x9f: {  	s0 =	simm.s32 @!p0 $0x9  }
0xa0: {  	_ =	swait.ge @!p0 [sflag:s0], s1  }
0xa1: {  	s1 =	ssub.s32 @!p0 $0x0, s1;
	[sflag:s0] =	ssyncset.done @!p0 $0x0  }
0xa2: {  	[sflag:s0] =	ssyncadd.s32 @!p0 s1  }
0xa3: {  	[bflag:$0x3] =	sbarrier.arrive $0xFFFF  }
0xa4: {  	_ =	shalt  }

// kernel: kernel.8.cloned.1.call-start
scs
__scs_entry_jumppad:
0x0: {  	(pc) =	sbr.rel $0x88, $3  }
0x1: {  	(tag) =	ssettag $0x0;
	lr =	simm.s32 $0x1  }
0x2: {  	[smem:$0x3F9A] =	sst lr;
	_ =	strace $0xD0000000  }
0x3: {  	_ = 	snop  }
0x4: {  	_ = 	snop  }
0x5: {  	_ = 	snop  }
0x6: {  	_ = 	snop  }
0x7: {  	_ = 	snop  }
__scs_overlays_trampoline_lowered:
0x8: {  	[smem:$0x3FA9] =	sst s0  }
0x9: {  	[smem:$0x3FAA] =	sst s1  }
0xa: {  	[smem:$0x3FAB] =	sst s2  }
0xb: {  	[smem:$0x3FAC] =	sst s3  }
0xc: {  	[smem:$0x3FAD] =	sst s4  }
0xd: {  	[smem:$0x3FAE] =	sst s5  }
0xe: {  	[smem:$0x3FAF] =	sst s6  }
0xf: {  	[smem:$0x3FB0] =	sst s7  }
0x10: {  	[smem:$0x3FB1] =	sst s8  }
0x11: {  	[smem:$0x3FB2] =	sst s9;
	s0 =	simm.s32 @!p0 $0x0  }
0x12: {  	s1 =	sld [smem:$0x3F98];
	s0 =	simm.s32 @p0 $0x1  }
0x13: {  	[smem:$0x3FB3] =	sst s0;
	s0 =	simm.s32 @!p1 $0x0  }
0x14: {  	s2 =	sld [smem:$0x3F97];
	s0 =	simm.s32 @p1 $0x1  }
0x15: {  	[smem:$0x3FB4] =	sst s0;
	s0 =	simm.s32 @!p2 $0x0  }
0x16: {  	s3 =	sld [smem:$0x3FDB];
	s0 =	simm.s32 @p2 $0x1  }
0x17: {  	s4 =	simm.s32 $0x1BF5;
	[smem:$0x3FB6] =	sst s0  }
0x18: {  	s0 =	sld [smem:$0x3F99];
	_ =	swait.ge [sflag:s4], $0x0  }
0x19: {  	s7 =	sld [smem:$0x3F9A]  }
0x1a: {  	s8 =	sadd.s32 $0xFFFFE003, lr  }
0x1b: {  	s9 =	sadd.s32 $0xFFFFFEF7, lr;
	s5 =	simm.s32 $0xFFFFFFFF;
	p2 =	slt.u32 s8, $0xFFFFF086  }
0x1c: {  	p1 =	slt.u32 s9, $0xF7A;
	s5 =	simm.s32 @!p2 $0x0  }
0x1d: {  	s5 =	simm.s32 @p1 $0x1;
	p0 =	seq.s32 s7, s2  }
0x1e: {  	s7 =	smul.u32 @!p0 $0xF7A, s2;
	p2 =	seq.s32 @!p0 s5, $0x0  }
0x1f: {  	s9 =	smul.u32 $0xF7A, s1;
	s8 =	simm.s32 @!p0 $0x1BF5;
	p2 =	por !p2, p0  }
0x20: {  	[sflag:s8] =	ssyncset.s32 @!p0 $0xFFFFF086;
	s6 =	sadd.s32 @!p0 s3, s7;
	s7 =	simm.s32 @!p0 $0x108  }
0x21: {  	s3 =	sadd.s32 s3, s9;
	s6 =	sadd.s32 @!p0 $0x88, s6;
	s7 =	simm.s32 @p2 $0x1082  }
0x22: {  	[simem:s7], [sflag:s8] =	dma.local @!p0 [hbm:s6], $0xF7A  }
0x23: {  	s9 =	sor.u32 $0xD0000000, s2;
	s6 =	simm.s32 $0x108;
	_ =	swait.ge @!p0 [sflag:s8], $0x0  }
0x24: {  	s3 =	sadd.s32 $0x88, s3;
	s6 =	simm.s32 @!p1 $0x1082;
	[sflag:s4] =	ssyncset.s32 $0xFFFFF086  }
0x25: {  	[simem:s6], [sflag:s4] =	dma.local [hbm:s3], $0xF7A  }
0x26: {  	[smem:$0x3F9A] =	sst s1;
	(tag) =	ssettag s2;
	_ =	strace s9  }
0x27: {  	s1 =	sld [smem:$0x3FAA]  }
0x28: {  	s2 =	sld [smem:$0x3FAB]  }
0x29: {  	s4 =	sld [smem:$0x3FAD]  }
0x2a: {  	p0 =	seq.s32 s5, $0x0;
	s5 =	sld [smem:$0x3FAE]  }
0x2b: {  	s6 =	sld [smem:$0x3FAF]  }
0x2c: {  	s7 =	sld [smem:$0x3FB0]  }
0x2d: {  	s3 =	simm.s32 $0x108;
	s8 =	sld [smem:$0x3FB1]  }
0x2e: {  	s3 =	simm.s32 @!p0 $0x1082;
	s9 =	sld [smem:$0x3FB2]  }
0x2f: {  	lr =	sadd.s32 s0, s3;
	s0 =	sld [smem:$0x3FA9]  }
0x30: {  	s3 =	sld [smem:$0x3FAC]  }
0x31: {  	[smem:$0x3FB5] =	sst s10  }
0x32: {  	s10 =	sld [smem:$0x3FB3];
	_ =	sdelay $0x3  }
0x33: {  	p0 =	seq.s32 s10, $0x1;
	s10 =	sld [smem:$0x3FB5];
	_ =	sdelay $0x3  }
0x34: {  	[smem:$0x3FB5] =	sst s10  }
0x35: {  	s10 =	sld [smem:$0x3FB4];
	_ =	sdelay $0x3  }
0x36: {  	p1 =	seq.s32 s10, $0x1;
	s10 =	sld [smem:$0x3FB5];
	_ =	sdelay $0x3  }
0x37: {  	[smem:$0x3FB5] =	sst s10  }
0x38: {  	s10 =	sld [smem:$0x3FB6]  }
0x39: {  	_ = 	snop;
	(pc) =	sbr.ind lr, $3  }
0x3a: {  	_ = 	snop  }
0x3b: {  	_ = 	snop  }
0x3c: {  	p2 =	seq.s32 s10, $0x1;
	s10 =	sld [smem:$0x3FB5]  }
0x3d: {  	_ =	shalt  }
0x3e: {  	_ =	shalt  }
0x3f: {  	_ =	shalt  }
0x40: {  	_ =	shalt  }
0x41: {  	_ =	shalt  }
0x42: {  	_ =	shalt  }
0x43: {  	_ =	shalt  }
0x44: {  	_ =	shalt  }
0x45: {  	_ =	shalt  }
0x46: {  	_ =	shalt  }
0x47: {  	_ =	shalt  }
0x48: {  	_ =	shalt  }
0x49: {  	_ =	shalt  }
0x4a: {  	_ =	shalt  }
0x4b: {  	_ =	shalt  }
0x4c: {  	_ =	shalt  }
0x4d: {  	_ =	shalt  }
0x4e: {  	_ =	shalt  }
0x4f: {  	_ =	shalt  }
0x50: {  	_ =	shalt  }
0x51: {  	_ =	shalt  }
0x52: {  	_ =	shalt  }
0x53: {  	_ =	shalt  }
0x54: {  	_ =	shalt  }
0x55: {  	_ =	shalt  }
0x56: {  	_ =	shalt  }
0x57: {  	_ =	shalt  }
0x58: {  	_ =	shalt  }
0x59: {  	_ =	shalt  }
0x5a: {  	_ =	shalt  }
0x5b: {  	_ =	shalt  }
0x5c: {  	_ =	shalt  }
0x5d: {  	_ =	shalt  }
0x5e: {  	_ =	shalt  }
0x5f: {  	_ =	shalt  }
0x60: {  	_ =	shalt  }
0x61: {  	_ =	shalt  }
0x62: {  	_ =	shalt  }
0x63: {  	_ =	shalt  }
0x64: {  	_ =	shalt  }
0x65: {  	_ =	shalt  }
0x66: {  	_ =	shalt  }
0x67: {  	_ =	shalt  }
0x68: {  	_ =	shalt  }
0x69: {  	_ =	shalt  }
0x6a: {  	_ =	shalt  }
0x6b: {  	_ =	shalt  }
0x6c: {  	_ =	shalt  }
0x6d: {  	_ =	shalt  }
0x6e: {  	_ =	shalt  }
0x6f: {  	_ =	shalt  }
0x70: {  	_ =	shalt  }
0x71: {  	_ =	shalt  }
0x72: {  	_ =	shalt  }
0x73: {  	_ =	shalt  }
0x74: {  	_ =	shalt  }
0x75: {  	_ =	shalt  }
0x76: {  	_ =	shalt  }
0x77: {  	_ =	shalt  }
0x78: {  	_ =	shalt  }
0x79: {  	_ =	shalt  }
0x7a: {  	_ =	shalt  }
0x7b: {  	_ =	shalt  }
0x7c: {  	_ =	shalt  }
0x7d: {  	_ =	shalt  }
0x7e: {  	_ =	shalt  }
0x7f: {  	_ =	shalt  }
0x80: {  	_ =	shalt  }
0x81: {  	_ =	shalt  }
0x82: {  	_ =	shalt  }
0x83: {  	_ =	shalt  }
0x84: {  	_ =	shalt  }
0x85: {  	_ =	shalt  }
0x86: {  	_ =	shalt  }
0x87: {  	_ =	shalt  }
.Lfunc_end0:
.L_simem_size_0:
called_computation_lowered:
.L_overlay_start_0:
0x88: {  	s2 =	sld [smem:$0x3FD9]  }
0x89: {  	s3 =	sld [smem:$0x3FFE];
	_ =	sdelay $0x1  }
0x8a: {  	s1 =	srdreg.scid  }
0x8b: {  	s0 =	sand.u32 $0x1, s1  }
0x8c: {  	s17 =	sshll.u32 s0, $0xA;
	s2 =	sadd.s32 s3, s2  }
0x8d: {  	s2 =	sadd.s32 s2, s17  }
0x8e: {  	[smem:$0x3FC1] =	sst s2  }
0x8f: {  	_ = 	snop  }
0x90: {  	s2 =	sld [smem:$0x3FD0];
	(tm) =	ssettm $0x1  }
0x91: {  	s18 =	sld [smem:$0x3FFB];
	_ =	sdelay $0x3  }
0x92: {  	_ =	strace s18  }
0x93: {  	s3 =	sld [smem:$0x3FFC];
	_ =	sdelay $0x3  }
0x94: {  	_ =	strace s3  }
0x95: {  	s3 =	sld [smem:$0x3FFD];
	_ =	sdelay $0x3  }
0x96: {  	_ =	strace s3  }
0x97: {  	_ =	strace $0x8FFFFFFF  }
0x98: {  	s19 =	sld [smem:$0x3FDB];
	_ =	sdelay $0x1  }
0x99: {  	s4 =	simm.s32 $_scs_section_size  }
0x9a: {  	s5 =	simm.s32 $_size__tile_overlayer_lowered;
	s6 =	simm.s32 $_tile_overlayer_lowered  }
0x9b: {  	s22 =	simm.s32 $0x1BFF;
	s21 =	sshll.u32 s6, $0x1;
	s3 =	sadd.s32 s4, s19  }
0x9c: {  	s7 =	simm.s32 $0x0;
	s20 =	sshll.u32 s5, $0x1;
	s5 =	sadd.s32 s21, s3  }
0x9d: {  	[timem:s7], [sflag:s22] =	dma.local [hbm:s5], s20  }
0x9e: {  	_ =	swait.ge [sflag:s22], s20  }
0x9f: {  	s4 =	ssub.s32 $0x0, s20;
	[sflag:s22] =	ssyncset.done $0x0  }
0xa0: {  	[sflag:s22] =	ssyncadd.s32 s4;
	_ =	sdelay $0x1  }
0xa1: {  	s23 =	simm.s32 $0x1B8B  }
0xa2: {  	_ =	swait.ge [sflag:s23], $0x1  }
0xa3: {  	[sflag:s23] =	ssyncset.done $0x0  }
0xa4: {  	s25 =	simm.s32 $0x1B8E;
	s24 =	sld [smem:$0x3FFE];
	[sflag:s23] =	ssyncadd.s32 $0xFFFFFFFF  }
0xa5: {  	s26 =	simm.s32 $execute0_lowered;
	[smem:$0x3FD2] =	sst s25  }
0xa6: {  	s5 =	sshll.u32 s26, $0x1;
	_ =	strace $0x80000046;
	[dreg:$0x1] =	wrdreg $0xFFFFFFFF  }
0xa7: {  	s28 =	simm.s32 $_size_execute0_lowered;
	s3 =	sadd.s32 s3, s5;
	[dreg:$0x0] =	wrdreg $0x0  }
0xa8: {  	s5 =	sshll.u32 s28, $0x1;
	[dreg:$0x2] =	wrdreg s3  }
0xa9: {  	[dreg:$0x3] =	wrdreg s5  }
0xaa: {  	[dreg:$0x4] =	wrdreg $0xC0  }
0xab: {  	_ =	task [dreg:s7], $0x5FFFF  }
0xac: {  	[dreg:$0x1] =	wrdreg $0xFFFFFFFF  }
0xad: {  	[dreg:$0x0] =	wrdreg $0x60  }
0xae: {  	[dreg:$0x2] =	wrdreg s24  }
0xaf: {  	[dreg:$0x3] =	wrdreg s2  }
0xb0: {  	[dreg:$0x4] =	wrdreg $0x0  }
0xb1: {  	[dreg:$0x5] =	wrdreg $0x9  }
0xb2: {  	_ =	task.clear_ibuf [dreg:s7], $0x6FFFF;
	_ =	strace $0x90000046  }
0xb3: {  	s29 =	simm.s32 $0x9;
	_ =	strace $0x80000048  }
0xb4: {  	_ =	swait.ge [sflag:s29], $0x1  }
0xb5: {  	[sflag:s29] =	ssyncadd.s32 $0xFFFFFFFF  }
0xb6: {  	_ =	strace $0x90000048  }
0xb7: {  	_ =	sfence  }
0xb8: {  	s30 =	sld [smem:$0x0];
	_ =	sdelay $0x2  }
0xb9: {  	s31 =	sshll.u32 s1, $0xD;
	s1 =	sshrl.u32 s1, $0x2  }
0xba: {  	s3 =	sand.u32 $0x4000, s31;
	s1 =	sadd.s32 s1, s30  }
0xbb: {  	s0 =	sor.u32 s3, s0;
	s1 =	sshll.u32 s1, $0x11  }
0xbc: {  	s0 =	sor.u32 s1, s0  }
0xbd: {  	s0 =	sadd.s32 $0x8F2B, s0  }
0xbe: {  	[sflag:s0] =	ssyncadd.remote.s32 $0x1  }
0xbf: {  	_ =	sfence.sel $0xFFFF  }
0xc0: {  	[dreg:$0x0] =	wrdreg $0xFFFFFFFF;
	(pc) =	sbr.abs _section_cstart, $3  }
0xc1: {  	[dreg:$0x1] =	wrdreg $0xFFFFFFFF  }
0xc2: {  	_ =	task.clear_ibuf [dreg:s7], $0x2FFFF;
	_ =	strace $0x9FFFFFFF  }
0xc3: {  	(tm) =	ssettm $0x7FFFFFFF  }
tec
execute0_lowered:
.L_overlay_start_1:
0x0: {  	(tag) =	ssettag $0x1  }
0x1: {  	s8 =	rddreg [dreg:$0x0]  }
0x2: {  	s2 =	rddreg [dreg:$0x1]  }
0x3: {  	s0 =	srdreg.scid;
	s3 =	rddreg [dreg:$0x2];
	s4 =	simm.s32 $0x0  }
0x4: {  	s15 =	simm.s32 $0x80;
	s6 =	sand.u32 $0x1, s0;
	s0 =	stileid.u32  }
0x5: {  	s16 =	simm.s32 $0x1;
	s17 =	simm.s32 $0x0;
	s9 =	smul.u32 $0x2800, s0  }
0x6: {  	[smem:$0x7FF] =	sst s4;
	s1 =	sshll.u32 s6, $0x4;
	s7 =	smul.u32 $0x28000, s6  }
0x7: {  	s12 =	ssub.s32 $0x2, s6;
	s6 =	sadd.s32 $0x15400, s8;
	s31 =	sshll.u32 s0, $0x6  }
0x8: {  	s11 =	sor.u32 s0, s1;
	s1 =	rddreg [dreg:$0x3];
	_ =	strace $0x80000047  }
0x9: {  	s30 =	sshrl.u32 s12, $0x1;
	s5 =	smul.u32 $0x500, s11;
	s7 =	sadd.s32 s9, s7  }
0xa: {  	s12 =	ssub.s32 s12, s30;
	s14 =	sadd.s32 s9, s3;
	p0 =	seq.s32 s11, $0x1F  }
0xb: {  	s11 =	sor.u32 $0x1C02, s31;
	s7 =	sshrl.u32 s7, $0x3;
	s10 =	sadd.s32 s5, s8  }
0xc: {  	s5 =	sadd.s32 $0x15A00, s8;
	s13 =	sadd.s32 s7, s8;
	s8 =	sadd.s32 $0x15100, s8  }
0xd: {  	s7 =	sadd.s32 $0xB600, s10;
	s9 =	sadd.s32 $0x15C00, s13;
	s10 =	smax.u32 s12, $0x1  }
0xe: {  	s12 =	sshrl.u32 s14, $0x3;
	s13 =	simm.s32 $0x2;
	s14 =	simm.s32 $0x5000  }
.LBB2_1:
0xf: {  	s18 =	simm.s32 @p0 $0x0;
	s19 =	simm.s32 @p0 $0x2800  }
0x10: {  	[tilespmem:s19], [sflag:$0x2] =	stream.linear.gather @p0 [hbm4b:s8+s18], $0xA00, $0x38;
	[tilespmem:$0x5800] =	vst v63  }
0x11: {  	s19 =	simm.s32 @p0 $0x2  }
0x12: {  	_ =	swait.ge @p0 [sflag:s19], $0xA00  }
0x13: {  	[sflag:s19] =	ssyncset.done @p0 $0x0  }
0x14: {  	s20 =	simm.s32 @p0 $0x3200;
	[sflag:s19] =	ssyncadd.s32 @p0 $0xFFFFF600  }
0x15: {  	[tilespmem:s20], [sflag:$0x2] =	stream.linear.gather @p0 [hbm4b:s2+s18], $0x1E00, $0x38;
	[tilespmem:$0x5800] =	vst v63  }
0x16: {  	_ =	swait.ge @p0 [sflag:s19], $0x1E00  }
0x17: {  	[sflag:s19] =	ssyncset.done @p0 $0x0  }
0x18: {  	s18 =	simm.s32 @!p0 $0x0;
	[sflag:s19] =	ssyncadd.s32 @p0 $0xFFFFE200;
	s19 =	simm.s32 @!p0 $0x2800  }
0x19: {  	[tilespmem:s19], [sflag:$0x2] =	stream.linear.gather @!p0 [hbm4b:s7+s18], $0x2800, $0x38;
	[tilespmem:$0x5800] =	vst v63  }
0x1a: {  	s18 =	simm.s32 @!p0 $0x2  }
0x1b: {  	_ =	swait.ge @!p0 [sflag:s18], $0x2800  }
0x1c: {  	[sflag:s18] =	ssyncset.done @!p0 $0x0  }
0x1d: {  	[sflag:s18] =	ssyncadd.s32 @!p0 $0xFFFFD800  }
0x1e: {  	[spmem:s12], [sflag:s11] =	dma.local [hbm:s6], $0x500  }
0x1f: {  	_ =	swait.ge [sflag:s13], $0x500  }
0x20: {  	[sflag:s13] =	ssyncset.done $0x0  }
0x21: {  	[sflag:s13] =	ssyncadd.s32 $0xFFFFFB00  }
0x22: {  	[tilespmem:s14], [sflag:$0x2] =	stream.linear.gather [hbm4b:s5+s4], $0x800, $0x38;
	[tilespmem:$0x5800] =	vst v63  }
0x23: {  	_ =	swait.ge [sflag:s13], $0x800  }
0x24: {  	[sflag:s13] =	ssyncset.done $0x0  }
0x25: {  	p1 =	por $0x1, $0x1;
	[sflag:s13] =	ssyncadd.s32 $0xFFFFF800  }
0x26: {  	s20 =	simm.s32 @!p1 $0x1;
	s18 =	simm.s32 $0x2800;
	[bflag:$0x0] =	sbarrier.arrive $0xFFFF  }
0x27: {  	[spmem:s3] =	stream.indirect.scatter.add.f32 [tilespmem:s14], [sflag:$0x1], $0x10, s18, s15, $0xb8;
	[tilespmem:$0x5800] =	vst v63  }
0x28: {  	_ =	swait.ge @!p1 [sflag:s20], $0x800  }
0x29: {  	s19 =	simm.s32 $0x1;
	[sflag:s20] =	ssyncset.done @!p1 $0x0  }
.LBB2_2:
0x2a: {  	[sflag:s20] =	ssyncadd.s32 @!p1 $0xFFFFF800  }
0x2b: {  	s18 =	sadd.s32 $0x80, s18;
	s20 =	smov.u32 s19;
	s19 =	sadd.s32 $0x1, s19  }
0x2c: {  	p2 =	sne.s32 s19, $0x50  }
0x2d: {  	[spmem:s3] =	stream.indirect.scatter.add.f32 [tilespmem:s14], [sflag:$0x1], $0x10, s18, s15, $0xb8;
	[tilespmem:$0x5800] =	vst v63  }
.Ltmp0:
0x2e: {  	_ = 	snop;
	(pc) =	sbr.rel @p2 .LBB2_2-.Ltmp0, $4  }
0x2f: {  	p1 =	slt.u32 s20, $0x8  }
0x30: {  	s20 =	simm.s32 @!p1 $0x1  }
0x31: {  	_ =	swait.ge @!p1 [sflag:s20], $0x800  }
0x32: {  	[sflag:s20] =	ssyncset.done @!p1 $0x0  }
0x33: {  	[sflag:s20] =	ssyncadd.s32 @!p1 $0xFFFFF800  }
0x34: {  	_ =	swait.ge [sflag:s16], $0x800  }
0x35: {  	[sflag:s16] =	ssyncset.done $0x0  }
0x36: {  	[sflag:s16] =	ssyncadd.s32 $0xFFFFF800  }
0x37: {  	_ =	swait.ge [sflag:s16], $0x800  }
0x38: {  	[sflag:s16] =	ssyncset.done $0x0  }
0x39: {  	[sflag:s16] =	ssyncadd.s32 $0xFFFFF800  }
0x3a: {  	_ =	swait.ge [sflag:s16], $0x800  }
0x3b: {  	[sflag:s16] =	ssyncset.done $0x0  }
0x3c: {  	[sflag:s16] =	ssyncadd.s32 $0xFFFFF800  }
0x3d: {  	_ =	swait.ge [sflag:s16], $0x800  }
0x3e: {  	[sflag:s16] =	ssyncset.done $0x0  }
0x3f: {  	[sflag:s16] =	ssyncadd.s32 $0xFFFFF800  }
0x40: {  	_ =	swait.ge [sflag:s16], $0x800  }
0x41: {  	[sflag:s16] =	ssyncset.done $0x0  }
0x42: {  	[sflag:s16] =	ssyncadd.s32 $0xFFFFF800  }
0x43: {  	_ =	swait.ge [sflag:s16], $0x800  }
0x44: {  	[sflag:s16] =	ssyncset.done $0x0  }
0x45: {  	[sflag:s16] =	ssyncadd.s32 $0xFFFFF800  }
0x46: {  	_ =	swait.ge [sflag:s16], $0x800  }
0x47: {  	[sflag:s16] =	ssyncset.done $0x0  }
0x48: {  	[sflag:s16] =	ssyncadd.s32 $0xFFFFF800  }
0x49: {  	_ =	swait.ge [sflag:s16], $0x800  }
0x4a: {  	s17 =	sadd.s32 $0x1, s17;
	[sflag:s16] =	ssyncset.done $0x0  }
0x4b: {  	p1 =	sne.s32 s17, s10;
	[sflag:s16] =	ssyncadd.s32 $0xFFFFF800  }
.Ltmp1:
0x4c: {  	[bflag:$0x0] =	sbarrier.arrive $0xFFFF;
	(pc) =	sbr.rel @p1 .LBB2_1-.Ltmp1, $4  }
0x4d: {  	[hbm:s9], [sflag:s11] =	dma.local [spmem:s12], $0x500  }
0x4e: {  	_ =	swait.ge [sflag:s13], $0x500  }
0x4f: {  	[sflag:s13] =	ssyncset.done $0x0  }
0x50: {  	[sflag:s13] =	ssyncadd.s32 $0xFFFFFB00  }
0x51: {  	_ =	sfence.sel $0x180000  }
0x52: {  	[bflag:$0x0] =	sbarrier.arrive $0xFFFF  }
0x53: {  	p0 =	sne.s32 s0, $0x0;
	_ =	strace $0x90000047  }
0x54: {  	s0 =	sadd.s32 @!p0 $0x100000, s1;
	[bflag:$0x2] =	sbarrier.arrive $0xFFFF  }
0x55: {  	[sflag:s0] =	ssyncadd.tile.s32 @!p0 $0x1;
	_ =	shalt  }
.Lfunc_end2:
_tile_overlayer_lowered:
.L_overlay_start_2:
0x56: {  	(tag) =	ssettag $0x2  }
0x57: {  	s0 =	rddreg [dreg:$0x0];
	s2 =	stileid.u32  }
0x58: {  	s1 =	rddreg [dreg:$0x1];
	p0 =	sne.s32 s2, $0x0  }
0x59: {  	s3 =	rddreg [dreg:$0x2];
	[bflag:$0x3] =	sbarrier.arrive $0xFFFF;
	s2 =	simm.s32 @!p0 $0x1C02  }
0x5a: {  	[timem:s3], [sflag:s2] =	dma.local @!p0 [hbm:s0], s1  }
0x5b: {  	s0 =	simm.s32 @!p0 $0x2  }
0x5c: {  	_ =	swait.ge @!p0 [sflag:s0], s1  }
0x5d: {  	s1 =	ssub.s32 @!p0 $0x0, s1;
	[sflag:s0] =	ssyncset.done @!p0 $0x0  }
0x5e: {  	[sflag:s0] =	ssyncadd.s32 @!p0 s1  }
0x5f: {  	[bflag:$0x3] =	sbarrier.arrive $0xFFFF  }
0x60: {  	_ =	shalt  }

</sc_bundles>
